<compile_context>
chip_gen: v7x
topology: tpu7x:2x2x1
jax: 0.10.2.dev20260603
libtpu: 0.0.44.dev20260713+nightly
codegen_flags: <defaults>
</compile_context>

<pallas_src>
import functools

import jax
import jax.numpy as jnp
from jax import lax
from jax.experimental import pallas as pl
from jax.experimental.pallas import tpu as pltpu
from jax.experimental.pallas import tpu_sc as plsc

N_NODES = 10000
N_EDGES = 320000
D = 128
C_PAD = 128

NC, NS = 2, 16
NW = NC * NS
CH = 128
N_PAD = 10240
NODE_CHUNKS = N_PAD // CH
CPT = 80
S = 16
NPASS = CPT // S
E_PAD = NW * CPT * CH
ROWS_PER_SUB = N_PAD // NS


def _sc_gnn(vocab1_hbm, vocab2_hbm, src2_hbm, dst2_hbm, emb_hbm,
            raw_hbm, aggp_hbm,
            srcA, dstA, vidA, srcB, dstB, vidB, idx0, mA, mB, agg_sh,
            semA, semB, semVA, semVB, semSA, semSB):
  c = lax.axis_index("c")
  s = lax.axis_index("s")
  w = s * NC + c

  with jax.named_scope("zero"):
    def _zrow(r, carry):
      for k in range(8):
        mA[r, pl.ds(16 * k, 16)] = jnp.zeros((16,), jnp.float32)
      return carry

    lax.fori_loop(0, CH, _zrow, 0)
    base_r = s * ROWS_PER_SUB
    for k in range(ROWS_PER_SUB // CH):
      pltpu.sync_copy(mA, agg_sh.at[pl.ds(base_r + k * CH, CH)])
    plsc.subcore_barrier()

  erow = w * CPT

  def _stage(prow, srcX, dstX, vidX, semX):
    pltpu.sync_copy(src2_hbm.at[pl.ds(prow, S)], srcX)
    pltpu.sync_copy(dst2_hbm.at[pl.ds(prow, S)], dstX)

    def _fire(j, carry):
      pltpu.async_copy(vocab1_hbm.at[srcX.at[j]], vidX.at[j], semX)
      return carry

    lax.fori_loop(0, S, _fire, 0)

  def _pipe(prow, dstX, vidX, semX):
    pltpu.make_async_copy(src2_hbm.at[pl.ds(prow, S)], vidX, semX).wait()
    pltpu.async_copy(emb_hbm.at[vidX.at[0]], mA, semA)

    def _step(jj, carry):
      j = 2 * jj

      @pl.when(jj > 0)
      def _():
        pltpu.make_async_copy(mB, agg_sh.at[dstX.at[j - 1]], semSB).wait()

      pltpu.async_copy(emb_hbm.at[vidX.at[j + 1]], mB, semB)
      pltpu.make_async_copy(emb_hbm.at[vidX.at[j]], mA, semA).wait()
      pltpu.async_copy(mA, agg_sh.at[dstX.at[j]], semSA, add=True)

      @pl.when(jj < S // 2 - 1)
      def _():
        pltpu.make_async_copy(mA, agg_sh.at[dstX.at[j]], semSA).wait()
        pltpu.async_copy(emb_hbm.at[vidX.at[j + 2]], mA, semA)

      pltpu.make_async_copy(emb_hbm.at[vidX.at[j + 1]], mB, semB).wait()
      pltpu.async_copy(mB, agg_sh.at[dstX.at[j + 1]], semSB, add=True)
      return carry

    lax.fori_loop(0, S // 2, _step, 0)
    pltpu.make_async_copy(mA, agg_sh.at[dstX.at[S - 2]], semSA).wait()
    pltpu.make_async_copy(mB, agg_sh.at[dstX.at[S - 1]], semSB).wait()

  with jax.named_scope("stage0"):
    _stage(erow, srcA, dstA, vidA, semVA)

  with jax.named_scope("phase0"):
    for jj in range(3):
      q = w + NW * jj

      @pl.when(q < NODE_CHUNKS)
      def _():
        pltpu.sync_copy(vocab2_hbm.at[q], idx0)
        pltpu.async_copy(emb_hbm.at[idx0], mA, semA).wait()
        pltpu.sync_copy(mA, raw_hbm.at[pl.ds(q * CH, CH)])

  sets = [(srcA, dstA, vidA, semVA), (srcB, dstB, vidB, semVB)]
  for p in range(NPASS):
    _, dstX, vidX, semX = sets[p % 2]
    if p + 1 < NPASS:
      with jax.named_scope("stage"):
        _stage(erow + (p + 1) * S, *sets[(p + 1) % 2])
    with jax.named_scope("pipe"):
      _pipe(erow + p * S, dstX, vidX, semX)

  with jax.named_scope("writeout"):
    plsc.subcore_barrier()
    for k in range(ROWS_PER_SUB // CH):
      pltpu.sync_copy(agg_sh.at[pl.ds(base_r + k * CH, CH)], mA)
      pltpu.sync_copy(mA, aggp_hbm.at[c, pl.ds(base_r + k * CH, CH)])


_sc_call = functools.partial(
    pl.kernel,
    out_type=(
        jax.ShapeDtypeStruct((N_PAD, D), jnp.float32),
        jax.ShapeDtypeStruct((NC, N_PAD, D), jnp.float32),
    ),
    mesh=plsc.VectorSubcoreMesh(core_axis_name="c", subcore_axis_name="s"),
    scratch_types=[
        pltpu.VMEM((S, CH), jnp.int32),
        pltpu.VMEM((S, CH), jnp.int32),
        pltpu.VMEM((S, CH), jnp.int32),
        pltpu.VMEM((S, CH), jnp.int32),
        pltpu.VMEM((S, CH), jnp.int32),
        pltpu.VMEM((S, CH), jnp.int32),
        pltpu.VMEM((CH,), jnp.int32),
        pltpu.VMEM((CH, D), jnp.float32),
        pltpu.VMEM((CH, D), jnp.float32),
        pltpu.VMEM_SHARED((N_PAD, D), jnp.float32),
        pltpu.SemaphoreType.DMA,
        pltpu.SemaphoreType.DMA,
        pltpu.SemaphoreType.DMA,
        pltpu.SemaphoreType.DMA,
        pltpu.SemaphoreType.DMA,
        pltpu.SemaphoreType.DMA,
    ],
)(_sc_gnn)


def _tc_dense(raw_ref, agg0_ref, agg1_ref, lab_ref, ws_ref, wn_ref, bg_ref,
              wo1_ref, wo2_ref, bo_ref, logits_ref, loss_ref):
  raw = raw_ref[...]
  agg = agg0_ref[...] + agg1_ref[...]
  ro = jnp.maximum(
      jnp.dot(raw, ws_ref[...], preferred_element_type=jnp.float32)
      + jnp.dot(agg, wn_ref[...], preferred_element_type=jnp.float32)
      + bg_ref[...], 0.0)
  logits = (jnp.dot(raw, wo1_ref[...], preferred_element_type=jnp.float32)
            + jnp.dot(ro, wo2_ref[...], preferred_element_type=jnp.float32)
            + bo_ref[...])
  logits_ref[...] = logits[:, :logits_ref.shape[1]]
  m = jnp.max(logits, axis=1, keepdims=True)
  lse = m + jnp.log(jnp.sum(jnp.exp(logits - m), axis=1, keepdims=True))
  cls = lax.broadcasted_iota(jnp.int32, (N_PAD, C_PAD), 1).astype(jnp.float32)
  onehot = cls == lab_ref[...]
  label_logit = jnp.sum(jnp.where(onehot, logits, 0.0), axis=1, keepdims=True)
  rowid = lax.broadcasted_iota(jnp.int32, (N_PAD, 1), 0)
  nll = jnp.where(rowid < N_NODES, lse - label_logit, 0.0)
  loss_ref[...] = jnp.reshape(jnp.sum(nll) * (1.0 / N_NODES), (1, 1))


def kernel(vocab_ids, labels, edge_lists, emb_table, W_self, W_nbr, b_gnn,
           W_out, b_out):
  n_classes = W_out.shape[1]
  vocab_pad = jnp.zeros((N_PAD,), jnp.int32).at[:N_NODES].set(
      vocab_ids.astype(jnp.int32))
  pad_src = jnp.arange(E_PAD, dtype=jnp.int32) % N_NODES
  src_pad = pad_src.at[:N_EDGES].set(edge_lists[0].astype(jnp.int32))
  pad_dst = (jnp.arange(E_PAD, dtype=jnp.int32) % (N_PAD - N_NODES)) + N_NODES
  dst_pad = pad_dst.at[:N_EDGES].set(edge_lists[1].astype(jnp.int32))
  src2 = src_pad.reshape(NW * CPT, CH)
  dst2 = dst_pad.reshape(NW * CPT, CH)
  vocab2 = vocab_pad.reshape(NODE_CHUNKS, CH)

  raw_pad, aggp = _sc_call(vocab_pad, vocab2, src2, dst2, emb_table)

  lab_pad = jnp.zeros((N_PAD, 1), jnp.float32).at[:N_NODES, 0].set(
      labels.astype(jnp.float32))
  wo1 = jnp.zeros((D, C_PAD), jnp.float32).at[:, :n_classes].set(W_out[:D])
  wo2 = jnp.zeros((D, C_PAD), jnp.float32).at[:, :n_classes].set(W_out[D:])
  bo2 = jnp.full((1, C_PAD), -1e30, jnp.float32).at[0, :n_classes].set(b_out)
  bg2 = b_gnn.reshape(1, D)

  logits_pad, loss_out = pl.pallas_call(
      _tc_dense,
      out_shape=(
          jax.ShapeDtypeStruct((N_PAD, n_classes), jnp.float32),
          jax.ShapeDtypeStruct((1, 1), jnp.float32),
      ),
  )(raw_pad, aggp[0], aggp[1], lab_pad, W_self, W_nbr, bg2, wo1, wo2, bo2)

  logits = logits_pad[:N_NODES]
  loss = loss_out[0, 0]
  return (logits, loss)

# --- scband reference (transcript-rebuilt; emitter-appended) ---
"""Pipeline reference for scband-base-gnnmodel-25194278158852 (READ-ONLY COPY).

The authoritative reference and input builder live on the scoring server;
editing this copy changes nothing except your own understanding.
"""

import jax, jax.numpy as jnp
import numpy as np

N_NODES = 10000
N_EDGES = 320000
D_FEAT = 128
VOCAB = 8192
N_CLASSES = 10


def setup_inputs(seed: int = 0) -> dict:
    key = jax.random.key(seed)
    ks = jax.random.split(key, 9)
    vocab_ids = jax.random.randint(ks[0], (N_NODES,), 0, VOCAB, dtype=jnp.int64) if jax.config.jax_enable_x64 else jax.random.randint(ks[0], (N_NODES,), 0, VOCAB)
    labels = jax.random.randint(ks[1], (N_NODES,), 0, N_CLASSES)
    edge_lists = jax.random.randint(ks[2], (2, N_EDGES), 0, N_NODES)
    emb_table = jax.random.normal(ks[3], (VOCAB, D_FEAT), dtype=jnp.float32) * 0.02
    W_self = jax.random.normal(ks[4], (D_FEAT, D_FEAT), dtype=jnp.float32) * 0.02
    W_nbr = jax.random.normal(ks[5], (D_FEAT, D_FEAT), dtype=jnp.float32) * 0.02
    b_gnn = jnp.zeros((D_FEAT,), dtype=jnp.float32)
    W_out = jax.random.normal(ks[6], (2 * D_FEAT, N_CLASSES), dtype=jnp.float32) * 0.02
    b_out = jnp.zeros((N_CLASSES,), dtype=jnp.float32)
    return {
        "vocab_ids": vocab_ids,
        "labels": labels,
        "edge_lists": edge_lists,
        "emb_table": emb_table,
        "W_self": W_self,
        "W_nbr": W_nbr,
        "b_gnn": b_gnn,
        "W_out": W_out,
        "b_out": b_out,
    }


def reference(vocab_ids, labels, edge_lists, emb_table, W_self, W_nbr, b_gnn, W_out, b_out):
    # node_embeddings: embedding lookup over vocab ids
    raw_in = jnp.take(emb_table, vocab_ids, axis=0)  # [N, D]
    # gnn: one message-passing step (gather from src, scatter-add to dst)
    src = edge_lists[0]
    dst = edge_lists[1]
    msgs = jnp.take(raw_in, src, axis=0)  # [E, D] gather
    agg = jax.ops.segment_sum(msgs, dst, num_segments=raw_in.shape[0])  # [N, D] scatter-add
    raw_out = jax.nn.relu(raw_in @ W_self + agg @ W_nbr + b_gnn)
    # readout: nodewise prediction from concat(raw_in, raw_out) (no graph labels)
    h = jnp.concatenate([raw_in, raw_out], axis=-1)  # [N, 2D]
    logits = h @ W_out + b_out  # [N, C]
    # metrics: cross-entropy loss (Loss module, num_classes > 1)
    log_probs = jax.nn.log_softmax(logits, axis=-1)
    nll = -jnp.take_along_axis(log_probs, labels[:, None], axis=1)[:, 0]
    loss = jnp.mean(nll)
    return (logits, loss)

if __name__ == "__main__":
    import jax
    _d = setup_inputs()
    print(jax.jit(kernel)(*tuple(_d.values())))

</pallas_src>

<mosaic_0001>
#map = affine_map<(d0, d1) -> (0)>
#map1 = affine_map<(d0, d1) -> (0, 0)>
#map2 = affine_map<(d0, d1) -> (0, 0, 0)>
module attributes {stable_mosaic.version = 14 : i64} {
  func.func @_sc_gnn(%arg0: i32, %arg1: i32, %arg2: memref<10240xi32, #tpu.memory_space<hbm>>, %arg3: memref<80x128xi32, #tpu.memory_space<hbm>>, %arg4: memref<2560x128xi32, #tpu.memory_space<hbm>>, %arg5: memref<2560x128xi32, #tpu.memory_space<hbm>>, %arg6: memref<8192x128xf32, #tpu.memory_space<hbm>>, %arg7: memref<10240x128xf32, #tpu.memory_space<hbm>>, %arg8: memref<2x10240x128xf32, #tpu.memory_space<hbm>>, %arg9: memref<16x128xi32, #tpu.memory_space<vmem>>, %arg10: memref<16x128xi32, #tpu.memory_space<vmem>>, %arg11: memref<16x128xi32, #tpu.memory_space<vmem>>, %arg12: memref<16x128xi32, #tpu.memory_space<vmem>>, %arg13: memref<16x128xi32, #tpu.memory_space<vmem>>, %arg14: memref<16x128xi32, #tpu.memory_space<vmem>>, %arg15: memref<128xi32, #tpu.memory_space<vmem>>, %arg16: memref<128x128xf32, #tpu.memory_space<vmem>>, %arg17: memref<128x128xf32, #tpu.memory_space<vmem>>, %arg18: memref<10240x128xf32, #tpu.memory_space<vmem_shared>>, %arg19: memref<!tpu.dma_semaphore, #tpu.memory_space<semaphore_mem>>, %arg20: memref<!tpu.dma_semaphore, #tpu.memory_space<semaphore_mem>>, %arg21: memref<!tpu.dma_semaphore, #tpu.memory_space<semaphore_mem>>, %arg22: memref<!tpu.dma_semaphore, #tpu.memory_space<semaphore_mem>>, %arg23: memref<!tpu.dma_semaphore, #tpu.memory_space<semaphore_mem>>, %arg24: memref<!tpu.dma_semaphore, #tpu.memory_space<semaphore_mem>>) attributes {dimension_semantics = [#tpu.dimension_semantics<core_parallel>, #tpu.dimension_semantics<subcore_parallel>], iteration_bounds = array<i64: 2, 16>, scalar_prefetch = 0 : i64, scratch_operands = 16 : i64, tpu.core_type = #tpu.core_type<sc_vector_subcore>, window_params = [{transform_indices = #map}, {transform_indices = #map1}, {transform_indices = #map1}, {transform_indices = #map1}, {transform_indices = #map1}, {transform_indices = #map1}, {transform_indices = #map2}]} {
    %mul3A = arith.constant 2 : i32
    %mul3A_0 = arith.muli %arg1, %mul3A : i32
    %add3A = arith.addi %mul3A_0, %arg0 : i32
    "tpu.trace_start"() <{level = 10 : i32, message = "zero"}> : () -> ()
    %scan3A = arith.constant 0 : i32
    %scan3A_1 = arith.constant 0 : i32
    %scan3A_2 = arith.constant 128 : i32
    %scan3A_3 = arith.addi %scan3A_1, %scan3A_2 : i32
    %scan3A_4 = arith.constant 1 : i32
    scf.for %scan3A_260 = %scan3A_1 to %scan3A_3 step %scan3A_4  : i32 {
      %broadcast_in_dim3A = arith.constant 0.000000e+00 : f32
      %broadcast_in_dim3A_261 = vector.broadcast %broadcast_in_dim3A : f32 to vector<16xf32>
      %swap3A = arith.index_cast %scan3A_260 : i32 to index
      %swap3A_262 = arith.constant 0 : index
      %swap3A_263 = tpu.vector_load %arg16[%swap3A, %swap3A_262] {strides = array<i32>} : memref<128x128xf32, #tpu.memory_space<vmem>>, vector<1x16xf32>,
      %swap3A_264 = vector.shape_cast %swap3A_263 : vector<1x16xf32> to vector<16xf32>
      %swap3A_265 = vector.shape_cast %broadcast_in_dim3A_261 : vector<16xf32> to vector<1x16xf32>
      tpu.vector_store %arg16[%swap3A, %swap3A_262], %swap3A_265 {strides = array<i32>} : memref<128x128xf32, #tpu.memory_space<vmem>>, vector<1x16xf32>,
      %broadcast_in_dim3A_266 = arith.constant 0.000000e+00 : f32
      %broadcast_in_dim3A_267 = vector.broadcast %broadcast_in_dim3A_266 : f32 to vector<16xf32>
      %swap3A_268 = arith.index_cast %scan3A_260 : i32 to index
      %swap3A_269 = arith.constant 16 : index
      %swap3A_270 = tpu.vector_load %arg16[%swap3A_268, %swap3A_269] {strides = array<i32>} : memref<128x128xf32, #tpu.memory_space<vmem>>, vector<1x16xf32>,
      %swap3A_271 = vector.shape_cast %swap3A_270 : vector<1x16xf32> to vector<16xf32>
      %swap3A_272 = vector.shape_cast %broadcast_in_dim3A_267 : vector<16xf32> to vector<1x16xf32>
      tpu.vector_store %arg16[%swap3A_268, %swap3A_269], %swap3A_272 {strides = array<i32>} : memref<128x128xf32, #tpu.memory_space<vmem>>, vector<1x16xf32>,
      %broadcast_in_dim3A_273 = arith.constant 0.000000e+00 : f32
      %broadcast_in_dim3A_274 = vector.broadcast %broadcast_in_dim3A_273 : f32 to vector<16xf32>
      %swap3A_275 = arith.index_cast %scan3A_260 : i32 to index
      %swap3A_276 = arith.constant 32 : index
      %swap3A_277 = tpu.vector_load %arg16[%swap3A_275, %swap3A_276] {strides = array<i32>} : memref<128x128xf32, #tpu.memory_space<vmem>>, vector<1x16xf32>,
      %swap3A_278 = vector.shape_cast %swap3A_277 : vector<1x16xf32> to vector<16xf32>
      %swap3A_279 = vector.shape_cast %broadcast_in_dim3A_274 : vector<16xf32> to vector<1x16xf32>
      tpu.vector_store %arg16[%swap3A_275, %swap3A_276], %swap3A_279 {strides = array<i32>} : memref<128x128xf32, #tpu.memory_space<vmem>>, vector<1x16xf32>,
      %broadcast_in_dim3A_280 = arith.constant 0.000000e+00 : f32
      %broadcast_in_dim3A_281 = vector.broadcast %broadcast_in_dim3A_280 : f32 to vector<16xf32>
      %swap3A_282 = arith.index_cast %scan3A_260 : i32 to index
      %swap3A_283 = arith.constant 48 : index
      %swap3A_284 = tpu.vector_load %arg16[%swap3A_282, %swap3A_283] {strides = array<i32>} : memref<128x128xf32, #tpu.memory_space<vmem>>, vector<1x16xf32>,
      %swap3A_285 = vector.shape_cast %swap3A_284 : vector<1x16xf32> to vector<16xf32>
      %swap3A_286 = vector.shape_cast %broadcast_in_dim3A_281 : vector<16xf32> to vector<1x16xf32>
      tpu.vector_store %arg16[%swap3A_282, %swap3A_283], %swap3A_286 {strides = array<i32>} : memref<128x128xf32, #tpu.memory_space<vmem>>, vector<1x16xf32>,
      %broadcast_in_dim3A_287 = arith.constant 0.000000e+00 : f32
      %broadcast_in_dim3A_288 = vector.broadcast %broadcast_in_dim3A_287 : f32 to vector<16xf32>
      %swap3A_289 = arith.index_cast %scan3A_260 : i32 to index
      %swap3A_290 = arith.constant 64 : index
      %swap3A_291 = tpu.vector_load %arg16[%swap3A_289, %swap3A_290] {strides = array<i32>} : memref<128x128xf32, #tpu.memory_space<vmem>>, vector<1x16xf32>,
      %swap3A_292 = vector.shape_cast %swap3A_291 : vector<1x16xf32> to vector<16xf32>
      %swap3A_293 = vector.shape_cast %broadcast_in_dim3A_288 : vector<16xf32> to vector<1x16xf32>
      tpu.vector_store %arg16[%swap3A_289, %swap3A_290], %swap3A_293 {strides = array<i32>} : memref<128x128xf32, #tpu.memory_space<vmem>>, vector<1x16xf32>,
      %broadcast_in_dim3A_294 = arith.constant 0.000000e+00 : f32
      %broadcast_in_dim3A_295 = vector.broadcast %broadcast_in_dim3A_294 : f32 to vector<16xf32>
      %swap3A_296 = arith.index_cast %scan3A_260 : i32 to index
      %swap3A_297 = arith.constant 80 : index
      %swap3A_298 = tpu.vector_load %arg16[%swap3A_296, %swap3A_297] {strides = array<i32>} : memref<128x128xf32, #tpu.memory_space<vmem>>, vector<1x16xf32>,
      %swap3A_299 = vector.shape_cast %swap3A_298 : vector<1x16xf32> to vector<16xf32>
      %swap3A_300 = vector.shape_cast %broadcast_in_dim3A_295 : vector<16xf32> to vector<1x16xf32>
      tpu.vector_store %arg16[%swap3A_296, %swap3A_297], %swap3A_300 {strides = array<i32>} : memref<128x128xf32, #tpu.memory_space<vmem>>, vector<1x16xf32>,
      %broadcast_in_dim3A_301 = arith.constant 0.000000e+00 : f32
      %broadcast_in_dim3A_302 = vector.broadcast %broadcast_in_dim3A_301 : f32 to vector<16xf32>
      %swap3A_303 = arith.index_cast %scan3A_260 : i32 to index
      %swap3A_304 = arith.constant 96 : index
      %swap3A_305 = tpu.vector_load %arg16[%swap3A_303, %swap3A_304] {strides = array<i32>} : memref<128x128xf32, #tpu.memory_space<vmem>>, vector<1x16xf32>,
      %swap3A_306 = vector.shape_cast %swap3A_305 : vector<1x16xf32> to vector<16xf32>
      %swap3A_307 = vector.shape_cast %broadcast_in_dim3A_302 : vector<16xf32> to vector<1x16xf32>
      tpu.vector_store %arg16[%swap3A_303, %swap3A_304], %swap3A_307 {strides = array<i32>} : memref<128x128xf32, #tpu.memory_space<vmem>>, vector<1x16xf32>,
      %broadcast_in_dim3A_308 = arith.constant 0.000000e+00 : f32
      %broadcast_in_dim3A_309 = vector.broadcast %broadcast_in_dim3A_308 : f32 to vector<16xf32>
      %swap3A_310 = arith.index_cast %scan3A_260 : i32 to index
      %swap3A_311 = arith.constant 112 : index
      %swap3A_312 = tpu.vector_load %arg16[%swap3A_310, %swap3A_311] {strides = array<i32>} : memref<128x128xf32, #tpu.memory_space<vmem>>, vector<1x16xf32>,
      %swap3A_313 = vector.shape_cast %swap3A_312 : vector<1x16xf32> to vector<16xf32>
      %swap3A_314 = vector.shape_cast %broadcast_in_dim3A_309 : vector<16xf32> to vector<1x16xf32>
      tpu.vector_store %arg16[%swap3A_310, %swap3A_311], %swap3A_314 {strides = array<i32>} : memref<128x128xf32, #tpu.memory_space<vmem>>, vector<1x16xf32>,
    }
    %scan3A_5 = arith.constant 128 : i32
    %mul3A_6 = arith.constant 640 : i32
    %mul3A_7 = arith.muli %arg1, %mul3A_6 : i32
    %add3A_8 = arith.constant 0 : i32
    %add3A_9 = arith.addi %mul3A_7, %add3A_8 : i32
    "tpu.region"() ({
      %run_scoped3A = tpu.sem_alloc : memref<!tpu.dma_semaphore, #tpu.memory_space<semaphore_mem>>
      %dma_start3A_260 = arith.constant 0 : i32
      %dma_start3A_261 = tpu.memref_slice %arg18[%add3A_9, %dma_start3A_260] : memref<10240x128xf32, #tpu.memory_space<vmem_shared>> -> memref<128x128xf32, #tpu.memory_space<vmem_shared>>
      %dma_start3A_262 = arith.constant 0 : i32
      %dma_start3A_263 = tpu.memref_slice %arg18[%add3A_9, %dma_start3A_262] : memref<10240x128xf32, #tpu.memory_space<vmem_shared>> -> memref<128x128xf32, #tpu.memory_space<vmem_shared>>
      tpu.enqueue_dma source(%arg16 : memref<128x128xf32, #tpu.memory_space<vmem>>) target(%dma_start3A_263 : memref<128x128xf32, #tpu.memory_space<vmem_shared>>) target_semaphore(%run_scoped3A : memref<!tpu.dma_semaphore, #tpu.memory_space<semaphore_mem>>)
      %dma_wait3A_264 = arith.constant 0 : i32
      %dma_wait3A_265 = tpu.memref_slice %arg18[%add3A_9, %dma_wait3A_264] : memref<10240x128xf32, #tpu.memory_space<vmem_shared>> -> memref<128x128xf32, #tpu.memory_space<vmem_shared>>
      %dma_wait3A_266 = arith.constant 0 : i32
      %dma_wait3A_267 = tpu.memref_slice %arg18[%add3A_9, %dma_wait3A_266] : memref<10240x128xf32, #tpu.memory_space<vmem_shared>> -> memref<128x128xf32, #tpu.memory_space<vmem_shared>>
      tpu.wait_dma2 semaphore(%run_scoped3A : memref<!tpu.dma_semaphore, #tpu.memory_space<semaphore_mem>>) src(%arg16 : memref<128x128xf32, #tpu.memory_space<vmem>>) dst(%dma_wait3A_267 : memref<128x128xf32, #tpu.memory_space<vmem_shared>>)
      tpu.yield
    }) : () -> ()
    %add3A_10 = arith.constant 128 : i32
    %add3A_11 = arith.addi %mul3A_7, %add3A_10 : i32
    "tpu.region"() ({
      %run_scoped3A = tpu.sem_alloc : memref<!tpu.dma_semaphore, #tpu.memory_space<semaphore_mem>>
      %dma_start3A_260 = arith.constant 0 : i32
      %dma_start3A_261 = tpu.memref_slice %arg18[%add3A_11, %dma_start3A_260] : memref<10240x128xf32, #tpu.memory_space<vmem_shared>> -> memref<128x128xf32, #tpu.memory_space<vmem_shared>>
      %dma_start3A_262 = arith.constant 0 : i32
      %dma_start3A_263 = tpu.memref_slice %arg18[%add3A_11, %dma_start3A_262] : memref<10240x128xf32, #tpu.memory_space<vmem_shared>> -> memref<128x128xf32, #tpu.memory_space<vmem_shared>>
      tpu.enqueue_dma source(%arg16 : memref<128x128xf32, #tpu.memory_space<vmem>>) target(%dma_start3A_263 : memref<128x128xf32, #tpu.memory_space<vmem_shared>>) target_semaphore(%run_scoped3A : memref<!tpu.dma_semaphore, #tpu.memory_space<semaphore_mem>>)
      %dma_wait3A_264 = arith.constant 0 : i32
      %dma_wait3A_265 = tpu.memref_slice %arg18[%add3A_11, %dma_wait3A_264] : memref<10240x128xf32, #tpu.memory_space<vmem_shared>> -> memref<128x128xf32, #tpu.memory_space<vmem_shared>>
      %dma_wait3A_266 = arith.constant 0 : i32
      %dma_wait3A_267 = tpu.memref_slice %arg18[%add3A_11, %dma_wait3A_266] : memref<10240x128xf32, #tpu.memory_space<vmem_shared>> -> memref<128x128xf32, #tpu.memory_space<vmem_shared>>
      tpu.wait_dma2 semaphore(%run_scoped3A : memref<!tpu.dma_semaphore, #tpu.memory_space<semaphore_mem>>) src(%arg16 : memref<128x128xf32, #tpu.memory_space<vmem>>) dst(%dma_wait3A_267 : memref<128x128xf32, #tpu.memory_space<vmem_shared>>)
      tpu.yield
    }) : () -> ()
    %add3A_12 = arith.constant 256 : i32
    %add3A_13 = arith.addi %mul3A_7, %add3A_12 : i32
    "tpu.region"() ({
      %run_scoped3A = tpu.sem_alloc : memref<!tpu.dma_semaphore, #tpu.memory_space<semaphore_mem>>
      %dma_start3A_260 = arith.constant 0 : i32
      %dma_start3A_261 = tpu.memref_slice %arg18[%add3A_13, %dma_start3A_260] : memref<10240x128xf32, #tpu.memory_space<vmem_shared>> -> memref<128x128xf32, #tpu.memory_space<vmem_shared>>
      %dma_start3A_262 = arith.constant 0 : i32
      %dma_start3A_263 = tpu.memref_slice %arg18[%add3A_13, %dma_start3A_262] : memref<10240x128xf32, #tpu.memory_space<vmem_shared>> -> memref<128x128xf32, #tpu.memory_space<vmem_shared>>
      tpu.enqueue_dma source(%arg16 : memref<128x128xf32, #tpu.memory_space<vmem>>) target(%dma_start3A_263 : memref<128x128xf32, #tpu.memory_space<vmem_shared>>) target_semaphore(%run_scoped3A : memref<!tpu.dma_semaphore, #tpu.memory_space<semaphore_mem>>)
      %dma_wait3A_264 = arith.constant 0 : i32
      %dma_wait3A_265 = tpu.memref_slice %arg18[%add3A_13, %dma_wait3A_264] : memref<10240x128xf32, #tpu.memory_space<vmem_shared>> -> memref<128x128xf32, #tpu.memory_space<vmem_shared>>
      %dma_wait3A_266 = arith.constant 0 : i32
      %dma_wait3A_267 = tpu.memref_slice %arg18[%add3A_13, %dma_wait3A_266] : memref<10240x128xf32, #tpu.memory_space<vmem_shared>> -> memref<128x128xf32, #tpu.memory_space<vmem_shared>>
      tpu.wait_dma2 semaphore(%run_scoped3A : memref<!tpu.dma_semaphore, #tpu.memory_space<semaphore_mem>>) src(%arg16 : memref<128x128xf32, #tpu.memory_space<vmem>>) dst(%dma_wait3A_267 : memref<128x128xf32, #tpu.memory_space<vmem_shared>>)
      tpu.yield
    }) : () -> ()
    %add3A_14 = arith.constant 384 : i32
    %add3A_15 = arith.addi %mul3A_7, %add3A_14 : i32
    "tpu.region"() ({
      %run_scoped3A = tpu.sem_alloc : memref<!tpu.dma_semaphore, #tpu.memory_space<semaphore_mem>>
      %dma_start3A_260 = arith.constant 0 : i32
      %dma_start3A_261 = tpu.memref_slice %arg18[%add3A_15, %dma_start3A_260] : memref<10240x128xf32, #tpu.memory_space<vmem_shared>> -> memref<128x128xf32, #tpu.memory_space<vmem_shared>>
      %dma_start3A_262 = arith.constant 0 : i32
      %dma_start3A_263 = tpu.memref_slice %arg18[%add3A_15, %dma_start3A_262] : memref<10240x128xf32, #tpu.memory_space<vmem_shared>> -> memref<128x128xf32, #tpu.memory_space<vmem_shared>>
      tpu.enqueue_dma source(%arg16 : memref<128x128xf32, #tpu.memory_space<vmem>>) target(%dma_start3A_263 : memref<128x128xf32, #tpu.memory_space<vmem_shared>>) target_semaphore(%run_scoped3A : memref<!tpu.dma_semaphore, #tpu.memory_space<semaphore_mem>>)
      %dma_wait3A_264 = arith.constant 0 : i32
      %dma_wait3A_265 = tpu.memref_slice %arg18[%add3A_15, %dma_wait3A_264] : memref<10240x128xf32, #tpu.memory_space<vmem_shared>> -> memref<128x128xf32, #tpu.memory_space<vmem_shared>>
      %dma_wait3A_266 = arith.constant 0 : i32
      %dma_wait3A_267 = tpu.memref_slice %arg18[%add3A_15, %dma_wait3A_266] : memref<10240x128xf32, #tpu.memory_space<vmem_shared>> -> memref<128x128xf32, #tpu.memory_space<vmem_shared>>
      tpu.wait_dma2 semaphore(%run_scoped3A : memref<!tpu.dma_semaphore, #tpu.memory_space<semaphore_mem>>) src(%arg16 : memref<128x128xf32, #tpu.memory_space<vmem>>) dst(%dma_wait3A_267 : memref<128x128xf32, #tpu.memory_space<vmem_shared>>)
      tpu.yield
    }) : () -> ()
    %add3A_16 = arith.constant 512 : i32
    %add3A_17 = arith.addi %mul3A_7, %add3A_16 : i32
    "tpu.region"() ({
      %run_scoped3A = tpu.sem_alloc : memref<!tpu.dma_semaphore, #tpu.memory_space<semaphore_mem>>
      %dma_start3A_260 = arith.constant 0 : i32
      %dma_start3A_261 = tpu.memref_slice %arg18[%add3A_17, %dma_start3A_260] : memref<10240x128xf32, #tpu.memory_space<vmem_shared>> -> memref<128x128xf32, #tpu.memory_space<vmem_shared>>
      %dma_start3A_262 = arith.constant 0 : i32
      %dma_start3A_263 = tpu.memref_slice %arg18[%add3A_17, %dma_start3A_262] : memref<10240x128xf32, #tpu.memory_space<vmem_shared>> -> memref<128x128xf32, #tpu.memory_space<vmem_shared>>
      tpu.enqueue_dma source(%arg16 : memref<128x128xf32, #tpu.memory_space<vmem>>) target(%dma_start3A_263 : memref<128x128xf32, #tpu.memory_space<vmem_shared>>) target_semaphore(%run_scoped3A : memref<!tpu.dma_semaphore, #tpu.memory_space<semaphore_mem>>)
      %dma_wait3A_264 = arith.constant 0 : i32
      %dma_wait3A_265 = tpu.memref_slice %arg18[%add3A_17, %dma_wait3A_264] : memref<10240x128xf32, #tpu.memory_space<vmem_shared>> -> memref<128x128xf32, #tpu.memory_space<vmem_shared>>
      %dma_wait3A_266 = arith.constant 0 : i32
      %dma_wait3A_267 = tpu.memref_slice %arg18[%add3A_17, %dma_wait3A_266] : memref<10240x128xf32, #tpu.memory_space<vmem_shared>> -> memref<128x128xf32, #tpu.memory_space<vmem_shared>>
      tpu.wait_dma2 semaphore(%run_scoped3A : memref<!tpu.dma_semaphore, #tpu.memory_space<semaphore_mem>>) src(%arg16 : memref<128x128xf32, #tpu.memory_space<vmem>>) dst(%dma_wait3A_267 : memref<128x128xf32, #tpu.memory_space<vmem_shared>>)
      tpu.yield
    }) : () -> ()
    %barrier3A = arith.constant 0 : index
    tpu.barrier barrier_id(%barrier3A)
    "tpu.trace_stop"() : () -> ()
    %mul3A_18 = arith.constant 80 : i32
    %mul3A_19 = arith.muli %add3A, %mul3A_18 : i32
    "tpu.trace_start"() <{level = 10 : i32, message = "stage0"}> : () -> ()
    "tpu.region"() ({
      %run_scoped3A = tpu.sem_alloc : memref<!tpu.dma_semaphore, #tpu.memory_space<semaphore_mem>>
      %dma_start3A_260 = arith.constant 0 : i32
      %dma_start3A_261 = tpu.memref_slice %arg4[%mul3A_19, %dma_start3A_260] : memref<2560x128xi32, #tpu.memory_space<hbm>> -> memref<16x128xi32, #tpu.memory_space<hbm>>
      %dma_start3A_262 = arith.constant 0 : i32
      %dma_start3A_263 = tpu.memref_slice %arg4[%mul3A_19, %dma_start3A_262] : memref<2560x128xi32, #tpu.memory_space<hbm>> -> memref<16x128xi32, #tpu.memory_space<hbm>>
      tpu.enqueue_dma source(%dma_start3A_263 : memref<16x128xi32, #tpu.memory_space<hbm>>) target(%arg9 : memref<16x128xi32, #tpu.memory_space<vmem>>) target_semaphore(%run_scoped3A : memref<!tpu.dma_semaphore, #tpu.memory_space<semaphore_mem>>)
      %dma_wait3A_264 = arith.constant 0 : i32
      %dma_wait3A_265 = tpu.memref_slice %arg4[%mul3A_19, %dma_wait3A_264] : memref<2560x128xi32, #tpu.memory_space<hbm>> -> memref<16x128xi32, #tpu.memory_space<hbm>>
      %dma_wait3A_266 = arith.constant 0 : i32
      %dma_wait3A_267 = tpu.memref_slice %arg4[%mul3A_19, %dma_wait3A_266] : memref<2560x128xi32, #tpu.memory_space<hbm>> -> memref<16x128xi32, #tpu.memory_space<hbm>>
      tpu.wait_dma2 semaphore(%run_scoped3A : memref<!tpu.dma_semaphore, #tpu.memory_space<semaphore_mem>>) src(%dma_wait3A_267 : memref<16x128xi32, #tpu.memory_space<hbm>>) dst(%arg9 : memref<16x128xi32, #tpu.memory_space<vmem>>)
      tpu.yield
    }) : () -> ()
    "tpu.region"() ({
      %run_scoped3A = tpu.sem_alloc : memref<!tpu.dma_semaphore, #tpu.memory_space<semaphore_mem>>
      %dma_start3A_260 = arith.constant 0 : i32
      %dma_start3A_261 = tpu.memref_slice %arg5[%mul3A_19, %dma_start3A_260] : memref<2560x128xi32, #tpu.memory_space<hbm>> -> memref<16x128xi32, #tpu.memory_space<hbm>>
      %dma_start3A_262 = arith.constant 0 : i32
      %dma_start3A_263 = tpu.memref_slice %arg5[%mul3A_19, %dma_start3A_262] : memref<2560x128xi32, #tpu.memory_space<hbm>> -> memref<16x128xi32, #tpu.memory_space<hbm>>
      tpu.enqueue_dma source(%dma_start3A_263 : memref<16x128xi32, #tpu.memory_space<hbm>>) target(%arg10 : memref<16x128xi32, #tpu.memory_space<vmem>>) target_semaphore(%run_scoped3A : memref<!tpu.dma_semaphore, #tpu.memory_space<semaphore_mem>>)
      %dma_wait3A_264 = arith.constant 0 : i32
      %dma_wait3A_265 = tpu.memref_slice %arg5[%mul3A_19, %dma_wait3A_264] : memref<2560x128xi32, #tpu.memory_space<hbm>> -> memref<16x128xi32, #tpu.memory_space<hbm>>
      %dma_wait3A_266 = arith.constant 0 : i32
      %dma_wait3A_267 = tpu.memref_slice %arg5[%mul3A_19, %dma_wait3A_266] : memref<2560x128xi32, #tpu.memory_space<hbm>> -> memref<16x128xi32, #tpu.memory_space<hbm>>
      tpu.wait_dma2 semaphore(%run_scoped3A : memref<!tpu.dma_semaphore, #tpu.memory_space<semaphore_mem>>) src(%dma_wait3A_267 : memref<16x128xi32, #tpu.memory_space<hbm>>) dst(%arg10 : memref<16x128xi32, #tpu.memory_space<vmem>>)
      tpu.yield
    }) : () -> ()
    %scan3A_20 = arith.constant 0 : i32
    %scan3A_21 = arith.constant 0 : i32
    %scan3A_22 = arith.constant 16 : i32
    %scan3A_23 = arith.addi %scan3A_21, %scan3A_22 : i32
    %scan3A_24 = arith.constant 1 : i32
    scf.for %scan3A_260 = %scan3A_21 to %scan3A_23 step %scan3A_24  : i32 {
      %dma_start3A_261 = arith.constant 0 : i32
      %dma_start3A_262 = tpu.memref_slice %arg11[%scan3A_260, %dma_start3A_261] : memref<16x128xi32, #tpu.memory_space<vmem>> -> memref<1x128xi32, #tpu.memory_space<vmem>>
      %dma_start3A_263 = tpu.memref_squeeze %dma_start3A_262 : memref<1x128xi32, #tpu.memory_space<vmem>> -> memref<128xi32, #tpu.memory_space<vmem>>
      %dma_start3A_264 = arith.constant 0 : i32
      %dma_start3A_265 = tpu.memref_slice %arg9[%scan3A_260, %dma_start3A_264] : memref<16x128xi32, #tpu.memory_space<vmem>> -> memref<1x128xi32, #tpu.memory_space<vmem>>
      %dma_start3A_266 = tpu.memref_squeeze %dma_start3A_265 : memref<1x128xi32, #tpu.memory_space<vmem>> -> memref<128xi32, #tpu.memory_space<vmem>>
      %dma_start3A_267 = arith.constant 0 : i32
      %dma_start3A_268 = tpu.memref_slice %arg2[%dma_start3A_267] : memref<10240xi32, #tpu.memory_space<hbm>> -> memref<10240xi32, #tpu.memory_space<hbm>>
      tpu.enqueue_indirect_dma source(%dma_start3A_268 : memref<10240xi32, #tpu.memory_space<hbm>>) target(%dma_start3A_263 : memref<128xi32, #tpu.memory_space<vmem>>) offsets(%dma_start3A_266 : memref<128xi32, #tpu.memory_space<vmem>>) semaphore(%arg21 : memref<!tpu.dma_semaphore, #tpu.memory_space<semaphore_mem>>)
    }
    %scan3A_25 = arith.constant 16 : i32
    "tpu.trace_stop"() : () -> ()
    "tpu.trace_start"() <{level = 10 : i32, message = "phase0"}> : () -> ()
    %add3A_26 = arith.constant 0 : i32
    %add3A_27 = arith.addi %add3A, %add3A_26 : i32
    %lt3A = arith.constant 80 : i32
    %lt3A_28 = arith.cmpi slt, %add3A_27, %lt3A : i32
    %convert_element_type3A = arith.extui %lt3A_28 : i1 to i32
    %cond3A = arith.constant 0 : i32
    %cond3A_29 = arith.cmpi ne, %convert_element_type3A, %cond3A : i32
    scf.if %cond3A_29 {
      "tpu.region"() ({
        %run_scoped3A = tpu.sem_alloc : memref<!tpu.dma_semaphore, #tpu.memory_space<semaphore_mem>>
        %dma_start3A_268 = arith.constant 0 : i32
        %dma_start3A_269 = tpu.memref_slice %arg3[%add3A_27, %dma_start3A_268] : memref<80x128xi32, #tpu.memory_space<hbm>> -> memref<1x128xi32, #tpu.memory_space<hbm>>
        %dma_start3A_270 = tpu.memref_squeeze %dma_start3A_269 : memref<1x128xi32, #tpu.memory_space<hbm>> -> memref<128xi32, #tpu.memory_space<hbm>>
        %dma_start3A_271 = arith.constant 0 : i32
        %dma_start3A_272 = tpu.memref_slice %arg3[%add3A_27, %dma_start3A_271] : memref<80x128xi32, #tpu.memory_space<hbm>> -> memref<1x128xi32, #tpu.memory_space<hbm>>
        %dma_start3A_273 = tpu.memref_squeeze %dma_start3A_272 : memref<1x128xi32, #tpu.memory_space<hbm>> -> memref<128xi32, #tpu.memory_space<hbm>>
        tpu.enqueue_dma source(%dma_start3A_273 : memref<128xi32, #tpu.memory_space<hbm>>) target(%arg15 : memref<128xi32, #tpu.memory_space<vmem>>) target_semaphore(%run_scoped3A : memref<!tpu.dma_semaphore, #tpu.memory_space<semaphore_mem>>)
        %dma_wait3A_274 = arith.constant 0 : i32
        %dma_wait3A_275 = tpu.memref_slice %arg3[%add3A_27, %dma_wait3A_274] : memref<80x128xi32, #tpu.memory_space<hbm>> -> memref<1x128xi32, #tpu.memory_space<hbm>>
        %dma_wait3A_276 = tpu.memref_squeeze %dma_wait3A_275 : memref<1x128xi32, #tpu.memory_space<hbm>> -> memref<128xi32, #tpu.memory_space<hbm>>
        %dma_wait3A_277 = arith.constant 0 : i32
        %dma_wait3A_278 = tpu.memref_slice %arg3[%add3A_27, %dma_wait3A_277] : memref<80x128xi32, #tpu.memory_space<hbm>> -> memref<1x128xi32, #tpu.memory_space<hbm>>
        %dma_wait3A_279 = tpu.memref_squeeze %dma_wait3A_278 : memref<1x128xi32, #tpu.memory_space<hbm>> -> memref<128xi32, #tpu.memory_space<hbm>>
        tpu.wait_dma2 semaphore(%run_scoped3A : memref<!tpu.dma_semaphore, #tpu.memory_space<semaphore_mem>>) src(%dma_wait3A_279 : memref<128xi32, #tpu.memory_space<hbm>>) dst(%arg15 : memref<128xi32, #tpu.memory_space<vmem>>)
        tpu.yield
      }) : () -> ()
      %dma_start3A_260 = arith.constant 0 : i32
      %dma_start3A_261 = arith.constant 0 : i32
      %dma_start3A_262 = tpu.memref_slice %arg6[%dma_start3A_260, %dma_start3A_261] : memref<8192x128xf32, #tpu.memory_space<hbm>> -> memref<8192x128xf32, #tpu.memory_space<hbm>>
      tpu.enqueue_indirect_dma source(%dma_start3A_262 : memref<8192x128xf32, #tpu.memory_space<hbm>>) target(%arg16 : memref<128x128xf32, #tpu.memory_space<vmem>>) offsets(%arg15 : memref<128xi32, #tpu.memory_space<vmem>>) semaphore(%arg19 : memref<!tpu.dma_semaphore, #tpu.memory_space<semaphore_mem>>)
      %dma_wait3A_263 = arith.constant 0 : i32
      %dma_wait3A_264 = arith.constant 0 : i32
      %dma_wait3A_265 = tpu.memref_slice %arg6[%dma_wait3A_263, %dma_wait3A_264] : memref<8192x128xf32, #tpu.memory_space<hbm>> -> memref<8192x128xf32, #tpu.memory_space<hbm>>
      tpu.wait_indirect_dma semaphore(%arg19 : memref<!tpu.dma_semaphore, #tpu.memory_space<semaphore_mem>>) src(%dma_wait3A_265 : memref<8192x128xf32, #tpu.memory_space<hbm>>) dst(%arg16 : memref<128x128xf32, #tpu.memory_space<vmem>>)
      %mul3A_266 = arith.constant 128 : i32
      %mul3A_267 = arith.muli %add3A_27, %mul3A_266 : i32
      "tpu.region"() ({
        %run_scoped3A = tpu.sem_alloc : memref<!tpu.dma_semaphore, #tpu.memory_space<semaphore_mem>>
        %dma_start3A_268 = arith.constant 0 : i32
        %dma_start3A_269 = tpu.memref_slice %arg7[%mul3A_267, %dma_start3A_268] : memref<10240x128xf32, #tpu.memory_space<hbm>> -> memref<128x128xf32, #tpu.memory_space<hbm>>
        %dma_start3A_270 = arith.constant 0 : i32
        %dma_start3A_271 = tpu.memref_slice %arg7[%mul3A_267, %dma_start3A_270] : memref<10240x128xf32, #tpu.memory_space<hbm>> -> memref<128x128xf32, #tpu.memory_space<hbm>>
        tpu.enqueue_dma source(%arg16 : memref<128x128xf32, #tpu.memory_space<vmem>>) target(%dma_start3A_271 : memref<128x128xf32, #tpu.memory_space<hbm>>) target_semaphore(%run_scoped3A : memref<!tpu.dma_semaphore, #tpu.memory_space<semaphore_mem>>)
        %dma_wait3A_272 = arith.constant 0 : i32
        %dma_wait3A_273 = tpu.memref_slice %arg7[%mul3A_267, %dma_wait3A_272] : memref<10240x128xf32, #tpu.memory_space<hbm>> -> memref<128x128xf32, #tpu.memory_space<hbm>>
        %dma_wait3A_274 = arith.constant 0 : i32
        %dma_wait3A_275 = tpu.memref_slice %arg7[%mul3A_267, %dma_wait3A_274] : memref<10240x128xf32, #tpu.memory_space<hbm>> -> memref<128x128xf32, #tpu.memory_space<hbm>>
        tpu.wait_dma2 semaphore(%run_scoped3A : memref<!tpu.dma_semaphore, #tpu.memory_space<semaphore_mem>>) src(%arg16 : memref<128x128xf32, #tpu.memory_space<vmem>>) dst(%dma_wait3A_275 : memref<128x128xf32, #tpu.memory_space<hbm>>)
        tpu.yield
      }) : () -> ()
    } else {
    }
    %add3A_30 = arith.constant 32 : i32
    %add3A_31 = arith.addi %add3A, %add3A_30 : i32
    %lt3A_32 = arith.constant 80 : i32
    %lt3A_33 = arith.cmpi slt, %add3A_31, %lt3A_32 : i32
    %convert_element_type3A_34 = arith.extui %lt3A_33 : i1 to i32
    %cond3A_35 = arith.constant 0 : i32
    %cond3A_36 = arith.cmpi ne, %convert_element_type3A_34, %cond3A_35 : i32
    scf.if %cond3A_36 {
      "tpu.region"() ({
        %run_scoped3A = tpu.sem_alloc : memref<!tpu.dma_semaphore, #tpu.memory_space<semaphore_mem>>
        %dma_start3A_268 = arith.constant 0 : i32
        %dma_start3A_269 = tpu.memref_slice %arg3[%add3A_31, %dma_start3A_268] : memref<80x128xi32, #tpu.memory_space<hbm>> -> memref<1x128xi32, #tpu.memory_space<hbm>>
        %dma_start3A_270 = tpu.memref_squeeze %dma_start3A_269 : memref<1x128xi32, #tpu.memory_space<hbm>> -> memref<128xi32, #tpu.memory_space<hbm>>
        %dma_start3A_271 = arith.constant 0 : i32
        %dma_start3A_272 = tpu.memref_slice %arg3[%add3A_31, %dma_start3A_271] : memref<80x128xi32, #tpu.memory_space<hbm>> -> memref<1x128xi32, #tpu.memory_space<hbm>>
        %dma_start3A_273 = tpu.memref_squeeze %dma_start3A_272 : memref<1x128xi32, #tpu.memory_space<hbm>> -> memref<128xi32, #tpu.memory_space<hbm>>
        tpu.enqueue_dma source(%dma_start3A_273 : memref<128xi32, #tpu.memory_space<hbm>>) target(%arg15 : memref<128xi32, #tpu.memory_space<vmem>>) target_semaphore(%run_scoped3A : memref<!tpu.dma_semaphore, #tpu.memory_space<semaphore_mem>>)
        %dma_wait3A_274 = arith.constant 0 : i32
        %dma_wait3A_275 = tpu.memref_slice %arg3[%add3A_31, %dma_wait3A_274] : memref<80x128xi32, #tpu.memory_space<hbm>> -> memref<1x128xi32, #tpu.memory_space<hbm>>
        %dma_wait3A_276 = tpu.memref_squeeze %dma_wait3A_275 : memref<1x128xi32, #tpu.memory_space<hbm>> -> memref<128xi32, #tpu.memory_space<hbm>>
        %dma_wait3A_277 = arith.constant 0 : i32
        %dma_wait3A_278 = tpu.memref_slice %arg3[%add3A_31, %dma_wait3A_277] : memref<80x128xi32, #tpu.memory_space<hbm>> -> memref<1x128xi32, #tpu.memory_space<hbm>>
        %dma_wait3A_279 = tpu.memref_squeeze %dma_wait3A_278 : memref<1x128xi32, #tpu.memory_space<hbm>> -> memref<128xi32, #tpu.memory_space<hbm>>
        tpu.wait_dma2 semaphore(%run_scoped3A : memref<!tpu.dma_semaphore, #tpu.memory_space<semaphore_mem>>) src(%dma_wait3A_279 : memref<128xi32, #tpu.memory_space<hbm>>) dst(%arg15 : memref<128xi32, #tpu.memory_space<vmem>>)
        tpu.yield
      }) : () -> ()
      %dma_start3A_260 = arith.constant 0 : i32
      %dma_start3A_261 = arith.constant 0 : i32
      %dma_start3A_262 = tpu.memref_slice %arg6[%dma_start3A_260, %dma_start3A_261] : memref<8192x128xf32, #tpu.memory_space<hbm>> -> memref<8192x128xf32, #tpu.memory_space<hbm>>
      tpu.enqueue_indirect_dma source(%dma_start3A_262 : memref<8192x128xf32, #tpu.memory_space<hbm>>) target(%arg16 : memref<128x128xf32, #tpu.memory_space<vmem>>) offsets(%arg15 : memref<128xi32, #tpu.memory_space<vmem>>) semaphore(%arg19 : memref<!tpu.dma_semaphore, #tpu.memory_space<semaphore_mem>>)
      %dma_wait3A_263 = arith.constant 0 : i32
      %dma_wait3A_264 = arith.constant 0 : i32
      %dma_wait3A_265 = tpu.memref_slice %arg6[%dma_wait3A_263, %dma_wait3A_264] : memref<8192x128xf32, #tpu.memory_space<hbm>> -> memref<8192x128xf32, #tpu.memory_space<hbm>>
      tpu.wait_indirect_dma semaphore(%arg19 : memref<!tpu.dma_semaphore, #tpu.memory_space<semaphore_mem>>) src(%dma_wait3A_265 : memref<8192x128xf32, #tpu.memory_space<hbm>>) dst(%arg16 : memref<128x128xf32, #tpu.memory_space<vmem>>)
      %mul3A_266 = arith.constant 128 : i32
      %mul3A_267 = arith.muli %add3A_31, %mul3A_266 : i32
      "tpu.region"() ({
        %run_scoped3A = tpu.sem_alloc : memref<!tpu.dma_semaphore, #tpu.memory_space<semaphore_mem>>
        %dma_start3A_268 = arith.constant 0 : i32
        %dma_start3A_269 = tpu.memref_slice %arg7[%mul3A_267, %dma_start3A_268] : memref<10240x128xf32, #tpu.memory_space<hbm>> -> memref<128x128xf32, #tpu.memory_space<hbm>>
        %dma_start3A_270 = arith.constant 0 : i32
        %dma_start3A_271 = tpu.memref_slice %arg7[%mul3A_267, %dma_start3A_270] : memref<10240x128xf32, #tpu.memory_space<hbm>> -> memref<128x128xf32, #tpu.memory_space<hbm>>
        tpu.enqueue_dma source(%arg16 : memref<128x128xf32, #tpu.memory_space<vmem>>) target(%dma_start3A_271 : memref<128x128xf32, #tpu.memory_space<hbm>>) target_semaphore(%run_scoped3A : memref<!tpu.dma_semaphore, #tpu.memory_space<semaphore_mem>>)
        %dma_wait3A_272 = arith.constant 0 : i32
        %dma_wait3A_273 = tpu.memref_slice %arg7[%mul3A_267, %dma_wait3A_272] : memref<10240x128xf32, #tpu.memory_space<hbm>> -> memref<128x128xf32, #tpu.memory_space<hbm>>
        %dma_wait3A_274 = arith.constant 0 : i32
        %dma_wait3A_275 = tpu.memref_slice %arg7[%mul3A_267, %dma_wait3A_274] : memref<10240x128xf32, #tpu.memory_space<hbm>> -> memref<128x128xf32, #tpu.memory_space<hbm>>
        tpu.wait_dma2 semaphore(%run_scoped3A : memref<!tpu.dma_semaphore, #tpu.memory_space<semaphore_mem>>) src(%arg16 : memref<128x128xf32, #tpu.memory_space<vmem>>) dst(%dma_wait3A_275 : memref<128x128xf32, #tpu.memory_space<hbm>>)
        tpu.yield
      }) : () -> ()
    } else {
    }
    %add3A_37 = arith.constant 64 : i32
    %add3A_38 = arith.addi %add3A, %add3A_37 : i32
    %lt3A_39 = arith.constant 80 : i32
    %lt3A_40 = arith.cmpi slt, %add3A_38, %lt3A_39 : i32
    %convert_element_type3A_41 = arith.extui %lt3A_40 : i1 to i32
    %cond3A_42 = arith.constant 0 : i32
    %cond3A_43 = arith.cmpi ne, %convert_element_type3A_41, %cond3A_42 : i32
    scf.if %cond3A_43 {
      "tpu.region"() ({
        %run_scoped3A = tpu.sem_alloc : memref<!tpu.dma_semaphore, #tpu.memory_space<semaphore_mem>>
        %dma_start3A_268 = arith.constant 0 : i32
        %dma_start3A_269 = tpu.memref_slice %arg3[%add3A_38, %dma_start3A_268] : memref<80x128xi32, #tpu.memory_space<hbm>> -> memref<1x128xi32, #tpu.memory_space<hbm>>
        %dma_start3A_270 = tpu.memref_squeeze %dma_start3A_269 : memref<1x128xi32, #tpu.memory_space<hbm>> -> memref<128xi32, #tpu.memory_space<hbm>>
        %dma_start3A_271 = arith.constant 0 : i32
        %dma_start3A_272 = tpu.memref_slice %arg3[%add3A_38, %dma_start3A_271] : memref<80x128xi32, #tpu.memory_space<hbm>> -> memref<1x128xi32, #tpu.memory_space<hbm>>
        %dma_start3A_273 = tpu.memref_squeeze %dma_start3A_272 : memref<1x128xi32, #tpu.memory_space<hbm>> -> memref<128xi32, #tpu.memory_space<hbm>>
        tpu.enqueue_dma source(%dma_start3A_273 : memref<128xi32, #tpu.memory_space<hbm>>) target(%arg15 : memref<128xi32, #tpu.memory_space<vmem>>) target_semaphore(%run_scoped3A : memref<!tpu.dma_semaphore, #tpu.memory_space<semaphore_mem>>)
        %dma_wait3A_274 = arith.constant 0 : i32
        %dma_wait3A_275 = tpu.memref_slice %arg3[%add3A_38, %dma_wait3A_274] : memref<80x128xi32, #tpu.memory_space<hbm>> -> memref<1x128xi32, #tpu.memory_space<hbm>>
        %dma_wait3A_276 = tpu.memref_squeeze %dma_wait3A_275 : memref<1x128xi32, #tpu.memory_space<hbm>> -> memref<128xi32, #tpu.memory_space<hbm>>
        %dma_wait3A_277 = arith.constant 0 : i32
        %dma_wait3A_278 = tpu.memref_slice %arg3[%add3A_38, %dma_wait3A_277] : memref<80x128xi32, #tpu.memory_space<hbm>> -> memref<1x128xi32, #tpu.memory_space<hbm>>
        %dma_wait3A_279 = tpu.memref_squeeze %dma_wait3A_278 : memref<1x128xi32, #tpu.memory_space<hbm>> -> memref<128xi32, #tpu.memory_space<hbm>>
        tpu.wait_dma2 semaphore(%run_scoped3A : memref<!tpu.dma_semaphore, #tpu.memory_space<semaphore_mem>>) src(%dma_wait3A_279 : memref<128xi32, #tpu.memory_space<hbm>>) dst(%arg15 : memref<128xi32, #tpu.memory_space<vmem>>)
        tpu.yield
      }) : () -> ()
      %dma_start3A_260 = arith.constant 0 : i32
      %dma_start3A_261 = arith.constant 0 : i32
      %dma_start3A_262 = tpu.memref_slice %arg6[%dma_start3A_260, %dma_start3A_261] : memref<8192x128xf32, #tpu.memory_space<hbm>> -> memref<8192x128xf32, #tpu.memory_space<hbm>>
      tpu.enqueue_indirect_dma source(%dma_start3A_262 : memref<8192x128xf32, #tpu.memory_space<hbm>>) target(%arg16 : memref<128x128xf32, #tpu.memory_space<vmem>>) offsets(%arg15 : memref<128xi32, #tpu.memory_space<vmem>>) semaphore(%arg19 : memref<!tpu.dma_semaphore, #tpu.memory_space<semaphore_mem>>)
      %dma_wait3A_263 = arith.constant 0 : i32
      %dma_wait3A_264 = arith.constant 0 : i32
      %dma_wait3A_265 = tpu.memref_slice %arg6[%dma_wait3A_263, %dma_wait3A_264] : memref<8192x128xf32, #tpu.memory_space<hbm>> -> memref<8192x128xf32, #tpu.memory_space<hbm>>
      tpu.wait_indirect_dma semaphore(%arg19 : memref<!tpu.dma_semaphore, #tpu.memory_space<semaphore_mem>>) src(%dma_wait3A_265 : memref<8192x128xf32, #tpu.memory_space<hbm>>) dst(%arg16 : memref<128x128xf32, #tpu.memory_space<vmem>>)
      %mul3A_266 = arith.constant 128 : i32
      %mul3A_267 = arith.muli %add3A_38, %mul3A_266 : i32
      "tpu.region"() ({
        %run_scoped3A = tpu.sem_alloc : memref<!tpu.dma_semaphore, #tpu.memory_space<semaphore_mem>>
        %dma_start3A_268 = arith.constant 0 : i32
        %dma_start3A_269 = tpu.memref_slice %arg7[%mul3A_267, %dma_start3A_268] : memref<10240x128xf32, #tpu.memory_space<hbm>> -> memref<128x128xf32, #tpu.memory_space<hbm>>
        %dma_start3A_270 = arith.constant 0 : i32
        %dma_start3A_271 = tpu.memref_slice %arg7[%mul3A_267, %dma_start3A_270] : memref<10240x128xf32, #tpu.memory_space<hbm>> -> memref<128x128xf32, #tpu.memory_space<hbm>>
        tpu.enqueue_dma source(%arg16 : memref<128x128xf32, #tpu.memory_space<vmem>>) target(%dma_start3A_271 : memref<128x128xf32, #tpu.memory_space<hbm>>) target_semaphore(%run_scoped3A : memref<!tpu.dma_semaphore, #tpu.memory_space<semaphore_mem>>)
        %dma_wait3A_272 = arith.constant 0 : i32
        %dma_wait3A_273 = tpu.memref_slice %arg7[%mul3A_267, %dma_wait3A_272] : memref<10240x128xf32, #tpu.memory_space<hbm>> -> memref<128x128xf32, #tpu.memory_space<hbm>>
        %dma_wait3A_274 = arith.constant 0 : i32
        %dma_wait3A_275 = tpu.memref_slice %arg7[%mul3A_267, %dma_wait3A_274] : memref<10240x128xf32, #tpu.memory_space<hbm>> -> memref<128x128xf32, #tpu.memory_space<hbm>>
        tpu.wait_dma2 semaphore(%run_scoped3A : memref<!tpu.dma_semaphore, #tpu.memory_space<semaphore_mem>>) src(%arg16 : memref<128x128xf32, #tpu.memory_space<vmem>>) dst(%dma_wait3A_275 : memref<128x128xf32, #tpu.memory_space<hbm>>)
        tpu.yield
      }) : () -> ()
    } else {
    }
    "tpu.trace_stop"() : () -> ()
    "tpu.trace_start"() <{level = 10 : i32, message = "stage"}> : () -> ()
    %add3A_44 = arith.constant 16 : i32
    %add3A_45 = arith.addi %mul3A_19, %add3A_44 : i32
    "tpu.region"() ({
      %run_scoped3A = tpu.sem_alloc : memref<!tpu.dma_semaphore, #tpu.memory_space<semaphore_mem>>
      %dma_start3A_260 = arith.constant 0 : i32
      %dma_start3A_261 = tpu.memref_slice %arg4[%add3A_45, %dma_start3A_260] : memref<2560x128xi32, #tpu.memory_space<hbm>> -> memref<16x128xi32, #tpu.memory_space<hbm>>
      %dma_start3A_262 = arith.constant 0 : i32
      %dma_start3A_263 = tpu.memref_slice %arg4[%add3A_45, %dma_start3A_262] : memref<2560x128xi32, #tpu.memory_space<hbm>> -> memref<16x128xi32, #tpu.memory_space<hbm>>
      tpu.enqueue_dma source(%dma_start3A_263 : memref<16x128xi32, #tpu.memory_space<hbm>>) target(%arg12 : memref<16x128xi32, #tpu.memory_space<vmem>>) target_semaphore(%run_scoped3A : memref<!tpu.dma_semaphore, #tpu.memory_space<semaphore_mem>>)
      %dma_wait3A_264 = arith.constant 0 : i32
      %dma_wait3A_265 = tpu.memref_slice %arg4[%add3A_45, %dma_wait3A_264] : memref<2560x128xi32, #tpu.memory_space<hbm>> -> memref<16x128xi32, #tpu.memory_space<hbm>>
      %dma_wait3A_266 = arith.constant 0 : i32
      %dma_wait3A_267 = tpu.memref_slice %arg4[%add3A_45, %dma_wait3A_266] : memref<2560x128xi32, #tpu.memory_space<hbm>> -> memref<16x128xi32, #tpu.memory_space<hbm>>
      tpu.wait_dma2 semaphore(%run_scoped3A : memref<!tpu.dma_semaphore, #tpu.memory_space<semaphore_mem>>) src(%dma_wait3A_267 : memref<16x128xi32, #tpu.memory_space<hbm>>) dst(%arg12 : memref<16x128xi32, #tpu.memory_space<vmem>>)
      tpu.yield
    }) : () -> ()
    "tpu.region"() ({
      %run_scoped3A = tpu.sem_alloc : memref<!tpu.dma_semaphore, #tpu.memory_space<semaphore_mem>>
      %dma_start3A_260 = arith.constant 0 : i32
      %dma_start3A_261 = tpu.memref_slice %arg5[%add3A_45, %dma_start3A_260] : memref<2560x128xi32, #tpu.memory_space<hbm>> -> memref<16x128xi32, #tpu.memory_space<hbm>>
      %dma_start3A_262 = arith.constant 0 : i32
      %dma_start3A_263 = tpu.memref_slice %arg5[%add3A_45, %dma_start3A_262] : memref<2560x128xi32, #tpu.memory_space<hbm>> -> memref<16x128xi32, #tpu.memory_space<hbm>>
      tpu.enqueue_dma source(%dma_start3A_263 : memref<16x128xi32, #tpu.memory_space<hbm>>) target(%arg13 : memref<16x128xi32, #tpu.memory_space<vmem>>) target_semaphore(%run_scoped3A : memref<!tpu.dma_semaphore, #tpu.memory_space<semaphore_mem>>)
      %dma_wait3A_264 = arith.constant 0 : i32
      %dma_wait3A_265 = tpu.memref_slice %arg5[%add3A_45, %dma_wait3A_264] : memref<2560x128xi32, #tpu.memory_space<hbm>> -> memref<16x128xi32, #tpu.memory_space<hbm>>
      %dma_wait3A_266 = arith.constant 0 : i32
      %dma_wait3A_267 = tpu.memref_slice %arg5[%add3A_45, %dma_wait3A_266] : memref<2560x128xi32, #tpu.memory_space<hbm>> -> memref<16x128xi32, #tpu.memory_space<hbm>>
      tpu.wait_dma2 semaphore(%run_scoped3A : memref<!tpu.dma_semaphore, #tpu.memory_space<semaphore_mem>>) src(%dma_wait3A_267 : memref<16x128xi32, #tpu.memory_space<hbm>>) dst(%arg13 : memref<16x128xi32, #tpu.memory_space<vmem>>)
      tpu.yield
    }) : () -> ()
    %scan3A_46 = arith.constant 0 : i32
    %scan3A_47 = arith.constant 0 : i32
    %scan3A_48 = arith.constant 16 : i32
    %scan3A_49 = arith.addi %scan3A_47, %scan3A_48 : i32
    %scan3A_50 = arith.constant 1 : i32
    scf.for %scan3A_260 = %scan3A_47 to %scan3A_49 step %scan3A_50  : i32 {
      %dma_start3A_261 = arith.constant 0 : i32
      %dma_start3A_262 = tpu.memref_slice %arg14[%scan3A_260, %dma_start3A_261] : memref<16x128xi32, #tpu.memory_space<vmem>> -> memref<1x128xi32, #tpu.memory_space<vmem>>
      %dma_start3A_263 = tpu.memref_squeeze %dma_start3A_262 : memref<1x128xi32, #tpu.memory_space<vmem>> -> memref<128xi32, #tpu.memory_space<vmem>>
      %dma_start3A_264 = arith.constant 0 : i32
      %dma_start3A_265 = tpu.memref_slice %arg12[%scan3A_260, %dma_start3A_264] : memref<16x128xi32, #tpu.memory_space<vmem>> -> memref<1x128xi32, #tpu.memory_space<vmem>>
      %dma_start3A_266 = tpu.memref_squeeze %dma_start3A_265 : memref<1x128xi32, #tpu.memory_space<vmem>> -> memref<128xi32, #tpu.memory_space<vmem>>
      %dma_start3A_267 = arith.constant 0 : i32
      %dma_start3A_268 = tpu.memref_slice %arg2[%dma_start3A_267] : memref<10240xi32, #tpu.memory_space<hbm>> -> memref<10240xi32, #tpu.memory_space<hbm>>
      tpu.enqueue_indirect_dma source(%dma_start3A_268 : memref<10240xi32, #tpu.memory_space<hbm>>) target(%dma_start3A_263 : memref<128xi32, #tpu.memory_space<vmem>>) offsets(%dma_start3A_266 : memref<128xi32, #tpu.memory_space<vmem>>) semaphore(%arg22 : memref<!tpu.dma_semaphore, #tpu.memory_space<semaphore_mem>>)
    }
    %scan3A_51 = arith.constant 16 : i32
    "tpu.trace_stop"() : () -> ()
    "tpu.trace_start"() <{level = 10 : i32, message = "pipe"}> : () -> ()
    %add3A_52 = arith.constant 0 : i32
    %add3A_53 = arith.addi %mul3A_19, %add3A_52 : i32
    %dma_wait3A = arith.constant 0 : i32
    %dma_wait3A_54 = tpu.memref_slice %arg4[%add3A_53, %dma_wait3A] : memref<2560x128xi32, #tpu.memory_space<hbm>> -> memref<16x128xi32, #tpu.memory_space<hbm>>
    %dma_wait3A_55 = arith.constant 0 : i32
    %dma_wait3A_56 = tpu.memref_slice %arg4[%add3A_53, %dma_wait3A_55] : memref<2560x128xi32, #tpu.memory_space<hbm>> -> memref<16x128xi32, #tpu.memory_space<hbm>>
    tpu.wait_dma2 semaphore(%arg21 : memref<!tpu.dma_semaphore, #tpu.memory_space<semaphore_mem>>) src(%dma_wait3A_56 : memref<16x128xi32, #tpu.memory_space<hbm>>) dst(%arg11 : memref<16x128xi32, #tpu.memory_space<vmem>>)
    %dma_start3A = arith.constant 0 : i32
    %dma_start3A_57 = arith.constant 0 : i32
    %dma_start3A_58 = tpu.memref_slice %arg11[%dma_start3A, %dma_start3A_57] : memref<16x128xi32, #tpu.memory_space<vmem>> -> memref<1x128xi32, #tpu.memory_space<vmem>>
    %dma_start3A_59 = tpu.memref_squeeze %dma_start3A_58 : memref<1x128xi32, #tpu.memory_space<vmem>> -> memref<128xi32, #tpu.memory_space<vmem>>
    %dma_start3A_60 = arith.constant 0 : i32
    %dma_start3A_61 = arith.constant 0 : i32
    %dma_start3A_62 = tpu.memref_slice %arg6[%dma_start3A_60, %dma_start3A_61] : memref<8192x128xf32, #tpu.memory_space<hbm>> -> memref<8192x128xf32, #tpu.memory_space<hbm>>
    tpu.enqueue_indirect_dma source(%dma_start3A_62 : memref<8192x128xf32, #tpu.memory_space<hbm>>) target(%arg16 : memref<128x128xf32, #tpu.memory_space<vmem>>) offsets(%dma_start3A_59 : memref<128xi32, #tpu.memory_space<vmem>>) semaphore(%arg19 : memref<!tpu.dma_semaphore, #tpu.memory_space<semaphore_mem>>)
    %scan3A_63 = arith.constant 0 : i32
    %scan3A_64 = arith.constant 0 : i32
    %scan3A_65 = arith.constant 8 : i32
    %scan3A_66 = arith.addi %scan3A_64, %scan3A_65 : i32
    %scan3A_67 = arith.constant 1 : i32
    scf.for %scan3A_260 = %scan3A_64 to %scan3A_66 step %scan3A_67  : i32 {
      %mul3A_261 = arith.constant 2 : i32
      %mul3A_262 = arith.muli %mul3A_261, %scan3A_260 : i32
      %gt3A = arith.constant 0 : i32
      %gt3A_263 = arith.cmpi sgt, %scan3A_260, %gt3A : i32
      %convert_element_type3A_264 = arith.extui %gt3A_263 : i1 to i32
      %cond3A_265 = arith.constant 0 : i32
      %cond3A_266 = arith.cmpi ne, %convert_element_type3A_264, %cond3A_265 : i32
      scf.if %cond3A_266 {
        %sub3A = arith.constant 1 : i32
        %sub3A_308 = arith.subi %mul3A_262, %sub3A : i32
        %dma_wait3A_309 = arith.constant 0 : i32
        %dma_wait3A_310 = tpu.memref_slice %arg10[%sub3A_308, %dma_wait3A_309] : memref<16x128xi32, #tpu.memory_space<vmem>> -> memref<1x128xi32, #tpu.memory_space<vmem>>
        %dma_wait3A_311 = tpu.memref_squeeze %dma_wait3A_310 : memref<1x128xi32, #tpu.memory_space<vmem>> -> memref<128xi32, #tpu.memory_space<vmem>>
        %dma_wait3A_312 = arith.constant 0 : i32
        %dma_wait3A_313 = arith.constant 0 : i32
        %dma_wait3A_314 = tpu.memref_slice %arg18[%dma_wait3A_312, %dma_wait3A_313] : memref<10240x128xf32, #tpu.memory_space<vmem_shared>> -> memref<10240x128xf32, #tpu.memory_space<vmem_shared>>
        tpu.wait_indirect_dma semaphore(%arg24 : memref<!tpu.dma_semaphore, #tpu.memory_space<semaphore_mem>>) src(%arg17 : memref<128x128xf32, #tpu.memory_space<vmem>>) dst(%dma_wait3A_314 : memref<10240x128xf32, #tpu.memory_space<vmem_shared>>)
      } else {
      }
      %add3A_267 = arith.constant 1 : i32
      %add3A_268 = arith.addi %mul3A_262, %add3A_267 : i32
      %dma_start3A_269 = arith.constant 0 : i32
      %dma_start3A_270 = tpu.memref_slice %arg11[%add3A_268, %dma_start3A_269] : memref<16x128xi32, #tpu.memory_space<vmem>> -> memref<1x128xi32, #tpu.memory_space<vmem>>
      %dma_start3A_271 = tpu.memref_squeeze %dma_start3A_270 : memref<1x128xi32, #tpu.memory_space<vmem>> -> memref<128xi32, #tpu.memory_space<vmem>>
      %dma_start3A_272 = arith.constant 0 : i32
      %dma_start3A_273 = arith.constant 0 : i32
      %dma_start3A_274 = tpu.memref_slice %arg6[%dma_start3A_272, %dma_start3A_273] : memref<8192x128xf32, #tpu.memory_space<hbm>> -> memref<8192x128xf32, #tpu.memory_space<hbm>>
      tpu.enqueue_indirect_dma source(%dma_start3A_274 : memref<8192x128xf32, #tpu.memory_space<hbm>>) target(%arg17 : memref<128x128xf32, #tpu.memory_space<vmem>>) offsets(%dma_start3A_271 : memref<128xi32, #tpu.memory_space<vmem>>) semaphore(%arg20 : memref<!tpu.dma_semaphore, #tpu.memory_space<semaphore_mem>>)
      %dma_wait3A_275 = arith.constant 0 : i32
      %dma_wait3A_276 = tpu.memref_slice %arg11[%mul3A_262, %dma_wait3A_275] : memref<16x128xi32, #tpu.memory_space<vmem>> -> memref<1x128xi32, #tpu.memory_space<vmem>>
      %dma_wait3A_277 = tpu.memref_squeeze %dma_wait3A_276 : memref<1x128xi32, #tpu.memory_space<vmem>> -> memref<128xi32, #tpu.memory_space<vmem>>
      %dma_wait3A_278 = arith.constant 0 : i32
      %dma_wait3A_279 = arith.constant 0 : i32
      %dma_wait3A_280 = tpu.memref_slice %arg6[%dma_wait3A_278, %dma_wait3A_279] : memref<8192x128xf32, #tpu.memory_space<hbm>> -> memref<8192x128xf32, #tpu.memory_space<hbm>>
      tpu.wait_indirect_dma semaphore(%arg19 : memref<!tpu.dma_semaphore, #tpu.memory_space<semaphore_mem>>) src(%dma_wait3A_280 : memref<8192x128xf32, #tpu.memory_space<hbm>>) dst(%arg16 : memref<128x128xf32, #tpu.memory_space<vmem>>)
      %dma_start3A_281 = arith.constant 0 : i32
      %dma_start3A_282 = tpu.memref_slice %arg10[%mul3A_262, %dma_start3A_281] : memref<16x128xi32, #tpu.memory_space<vmem>> -> memref<1x128xi32, #tpu.memory_space<vmem>>
      %dma_start3A_283 = tpu.memref_squeeze %dma_start3A_282 : memref<1x128xi32, #tpu.memory_space<vmem>> -> memref<128xi32, #tpu.memory_space<vmem>>
      %dma_start3A_284 = arith.constant 0 : i32
      %dma_start3A_285 = arith.constant 0 : i32
      %dma_start3A_286 = tpu.memref_slice %arg18[%dma_start3A_284, %dma_start3A_285] : memref<10240x128xf32, #tpu.memory_space<vmem_shared>> -> memref<10240x128xf32, #tpu.memory_space<vmem_shared>>
      tpu.enqueue_indirect_dma source(%arg16 : memref<128x128xf32, #tpu.memory_space<vmem>>) target(%dma_start3A_286 : memref<10240x128xf32, #tpu.memory_space<vmem_shared>>) offsets(%dma_start3A_283 : memref<128xi32, #tpu.memory_space<vmem>>) semaphore(%arg23 : memref<!tpu.dma_semaphore, #tpu.memory_space<semaphore_mem>>) {add = true}
      %lt3A_287 = arith.constant 7 : i32
      %lt3A_288 = arith.cmpi slt, %scan3A_260, %lt3A_287 : i32
      %convert_element_type3A_289 = arith.extui %lt3A_288 : i1 to i32
      %cond3A_290 = arith.constant 0 : i32
      %cond3A_291 = arith.cmpi ne, %convert_element_type3A_289, %cond3A_290 : i32
      scf.if %cond3A_291 {
        %dma_wait3A_308 = arith.constant 0 : i32
        %dma_wait3A_309 = tpu.memref_slice %arg10[%mul3A_262, %dma_wait3A_308] : memref<16x128xi32, #tpu.memory_space<vmem>> -> memref<1x128xi32, #tpu.memory_space<vmem>>
        %dma_wait3A_310 = tpu.memref_squeeze %dma_wait3A_309 : memref<1x128xi32, #tpu.memory_space<vmem>> -> memref<128xi32, #tpu.memory_space<vmem>>
        %dma_wait3A_311 = arith.constant 0 : i32
        %dma_wait3A_312 = arith.constant 0 : i32
        %dma_wait3A_313 = tpu.memref_slice %arg18[%dma_wait3A_311, %dma_wait3A_312] : memref<10240x128xf32, #tpu.memory_space<vmem_shared>> -> memref<10240x128xf32, #tpu.memory_space<vmem_shared>>
        tpu.wait_indirect_dma semaphore(%arg23 : memref<!tpu.dma_semaphore, #tpu.memory_space<semaphore_mem>>) src(%arg16 : memref<128x128xf32, #tpu.memory_space<vmem>>) dst(%dma_wait3A_313 : memref<10240x128xf32, #tpu.memory_space<vmem_shared>>)
        %add3A_314 = arith.constant 2 : i32
        %add3A_315 = arith.addi %mul3A_262, %add3A_314 : i32
        %dma_start3A_316 = arith.constant 0 : i32
        %dma_start3A_317 = tpu.memref_slice %arg11[%add3A_315, %dma_start3A_316] : memref<16x128xi32, #tpu.memory_space<vmem>> -> memref<1x128xi32, #tpu.memory_space<vmem>>
        %dma_start3A_318 = tpu.memref_squeeze %dma_start3A_317 : memref<1x128xi32, #tpu.memory_space<vmem>> -> memref<128xi32, #tpu.memory_space<vmem>>
        %dma_start3A_319 = arith.constant 0 : i32
        %dma_start3A_320 = arith.constant 0 : i32
        %dma_start3A_321 = tpu.memref_slice %arg6[%dma_start3A_319, %dma_start3A_320] : memref<8192x128xf32, #tpu.memory_space<hbm>> -> memref<8192x128xf32, #tpu.memory_space<hbm>>
        tpu.enqueue_indirect_dma source(%dma_start3A_321 : memref<8192x128xf32, #tpu.memory_space<hbm>>) target(%arg16 : memref<128x128xf32, #tpu.memory_space<vmem>>) offsets(%dma_start3A_318 : memref<128xi32, #tpu.memory_space<vmem>>) semaphore(%arg19 : memref<!tpu.dma_semaphore, #tpu.memory_space<semaphore_mem>>)
      } else {
      }
      %add3A_292 = arith.constant 1 : i32
      %add3A_293 = arith.addi %mul3A_262, %add3A_292 : i32
      %dma_wait3A_294 = arith.constant 0 : i32
      %dma_wait3A_295 = tpu.memref_slice %arg11[%add3A_293, %dma_wait3A_294] : memref<16x128xi32, #tpu.memory_space<vmem>> -> memref<1x128xi32, #tpu.memory_space<vmem>>
      %dma_wait3A_296 = tpu.memref_squeeze %dma_wait3A_295 : memref<1x128xi32, #tpu.memory_space<vmem>> -> memref<128xi32, #tpu.memory_space<vmem>>
      %dma_wait3A_297 = arith.constant 0 : i32
      %dma_wait3A_298 = arith.constant 0 : i32
      %dma_wait3A_299 = tpu.memref_slice %arg6[%dma_wait3A_297, %dma_wait3A_298] : memref<8192x128xf32, #tpu.memory_space<hbm>> -> memref<8192x128xf32, #tpu.memory_space<hbm>>
      tpu.wait_indirect_dma semaphore(%arg20 : memref<!tpu.dma_semaphore, #tpu.memory_space<semaphore_mem>>) src(%dma_wait3A_299 : memref<8192x128xf32, #tpu.memory_space<hbm>>) dst(%arg17 : memref<128x128xf32, #tpu.memory_space<vmem>>)
      %add3A_300 = arith.constant 1 : i32
      %add3A_301 = arith.addi %mul3A_262, %add3A_300 : i32
      %dma_start3A_302 = arith.constant 0 : i32
      %dma_start3A_303 = tpu.memref_slice %arg10[%add3A_301, %dma_start3A_302] : memref<16x128xi32, #tpu.memory_space<vmem>> -> memref<1x128xi32, #tpu.memory_space<vmem>>
      %dma_start3A_304 = tpu.memref_squeeze %dma_start3A_303 : memref<1x128xi32, #tpu.memory_space<vmem>> -> memref<128xi32, #tpu.memory_space<vmem>>
      %dma_start3A_305 = arith.constant 0 : i32
      %dma_start3A_306 = arith.constant 0 : i32
      %dma_start3A_307 = tpu.memref_slice %arg18[%dma_start3A_305, %dma_start3A_306] : memref<10240x128xf32, #tpu.memory_space<vmem_shared>> -> memref<10240x128xf32, #tpu.memory_space<vmem_shared>>
      tpu.enqueue_indirect_dma source(%arg17 : memref<128x128xf32, #tpu.memory_space<vmem>>) target(%dma_start3A_307 : memref<10240x128xf32, #tpu.memory_space<vmem_shared>>) offsets(%dma_start3A_304 : memref<128xi32, #tpu.memory_space<vmem>>) semaphore(%arg24 : memref<!tpu.dma_semaphore, #tpu.memory_space<semaphore_mem>>) {add = true}
    }
    %scan3A_68 = arith.constant 8 : i32
    %dma_wait3A_69 = arith.constant 14 : i32
    %dma_wait3A_70 = arith.constant 0 : i32
    %dma_wait3A_71 = tpu.memref_slice %arg10[%dma_wait3A_69, %dma_wait3A_70] : memref<16x128xi32, #tpu.memory_space<vmem>> -> memref<1x128xi32, #tpu.memory_space<vmem>>
    %dma_wait3A_72 = tpu.memref_squeeze %dma_wait3A_71 : memref<1x128xi32, #tpu.memory_space<vmem>> -> memref<128xi32, #tpu.memory_space<vmem>>
    %dma_wait3A_73 = arith.constant 0 : i32
    %dma_wait3A_74 = arith.constant 0 : i32
    %dma_wait3A_75 = tpu.memref_slice %arg18[%dma_wait3A_73, %dma_wait3A_74] : memref<10240x128xf32, #tpu.memory_space<vmem_shared>> -> memref<10240x128xf32, #tpu.memory_space<vmem_shared>>
    tpu.wait_indirect_dma semaphore(%arg23 : memref<!tpu.dma_semaphore, #tpu.memory_space<semaphore_mem>>) src(%arg16 : memref<128x128xf32, #tpu.memory_space<vmem>>) dst(%dma_wait3A_75 : memref<10240x128xf32, #tpu.memory_space<vmem_shared>>)
    %dma_wait3A_76 = arith.constant 15 : i32
    %dma_wait3A_77 = arith.constant 0 : i32
    %dma_wait3A_78 = tpu.memref_slice %arg10[%dma_wait3A_76, %dma_wait3A_77] : memref<16x128xi32, #tpu.memory_space<vmem>> -> memref<1x128xi32, #tpu.memory_space<vmem>>
    %dma_wait3A_79 = tpu.memref_squeeze %dma_wait3A_78 : memref<1x128xi32, #tpu.memory_space<vmem>> -> memref<128xi32, #tpu.memory_space<vmem>>
    %dma_wait3A_80 = arith.constant 0 : i32
    %dma_wait3A_81 = arith.constant 0 : i32
    %dma_wait3A_82 = tpu.memref_slice %arg18[%dma_wait3A_80, %dma_wait3A_81] : memref<10240x128xf32, #tpu.memory_space<vmem_shared>> -> memref<10240x128xf32, #tpu.memory_space<vmem_shared>>
    tpu.wait_indirect_dma semaphore(%arg24 : memref<!tpu.dma_semaphore, #tpu.memory_space<semaphore_mem>>) src(%arg17 : memref<128x128xf32, #tpu.memory_space<vmem>>) dst(%dma_wait3A_82 : memref<10240x128xf32, #tpu.memory_space<vmem_shared>>)
    "tpu.trace_stop"() : () -> ()
    "tpu.trace_start"() <{level = 10 : i32, message = "stage"}> : () -> ()
    %add3A_83 = arith.constant 32 : i32
    %add3A_84 = arith.addi %mul3A_19, %add3A_83 : i32
    "tpu.region"() ({
      %run_scoped3A = tpu.sem_alloc : memref<!tpu.dma_semaphore, #tpu.memory_space<semaphore_mem>>
      %dma_start3A_260 = arith.constant 0 : i32
      %dma_start3A_261 = tpu.memref_slice %arg4[%add3A_84, %dma_start3A_260] : memref<2560x128xi32, #tpu.memory_space<hbm>> -> memref<16x128xi32, #tpu.memory_space<hbm>>
      %dma_start3A_262 = arith.constant 0 : i32
      %dma_start3A_263 = tpu.memref_slice %arg4[%add3A_84, %dma_start3A_262] : memref<2560x128xi32, #tpu.memory_space<hbm>> -> memref<16x128xi32, #tpu.memory_space<hbm>>
      tpu.enqueue_dma source(%dma_start3A_263 : memref<16x128xi32, #tpu.memory_space<hbm>>) target(%arg9 : memref<16x128xi32, #tpu.memory_space<vmem>>) target_semaphore(%run_scoped3A : memref<!tpu.dma_semaphore, #tpu.memory_space<semaphore_mem>>)
      %dma_wait3A_264 = arith.constant 0 : i32
      %dma_wait3A_265 = tpu.memref_slice %arg4[%add3A_84, %dma_wait3A_264] : memref<2560x128xi32, #tpu.memory_space<hbm>> -> memref<16x128xi32, #tpu.memory_space<hbm>>
      %dma_wait3A_266 = arith.constant 0 : i32
      %dma_wait3A_267 = tpu.memref_slice %arg4[%add3A_84, %dma_wait3A_266] : memref<2560x128xi32, #tpu.memory_space<hbm>> -> memref<16x128xi32, #tpu.memory_space<hbm>>
      tpu.wait_dma2 semaphore(%run_scoped3A : memref<!tpu.dma_semaphore, #tpu.memory_space<semaphore_mem>>) src(%dma_wait3A_267 : memref<16x128xi32, #tpu.memory_space<hbm>>) dst(%arg9 : memref<16x128xi32, #tpu.memory_space<vmem>>)
      tpu.yield
    }) : () -> ()
    "tpu.region"() ({
      %run_scoped3A = tpu.sem_alloc : memref<!tpu.dma_semaphore, #tpu.memory_space<semaphore_mem>>
      %dma_start3A_260 = arith.constant 0 : i32
      %dma_start3A_261 = tpu.memref_slice %arg5[%add3A_84, %dma_start3A_260] : memref<2560x128xi32, #tpu.memory_space<hbm>> -> memref<16x128xi32, #tpu.memory_space<hbm>>
      %dma_start3A_262 = arith.constant 0 : i32
      %dma_start3A_263 = tpu.memref_slice %arg5[%add3A_84, %dma_start3A_262] : memref<2560x128xi32, #tpu.memory_space<hbm>> -> memref<16x128xi32, #tpu.memory_space<hbm>>
      tpu.enqueue_dma source(%dma_start3A_263 : memref<16x128xi32, #tpu.memory_space<hbm>>) target(%arg10 : memref<16x128xi32, #tpu.memory_space<vmem>>) target_semaphore(%run_scoped3A : memref<!tpu.dma_semaphore, #tpu.memory_space<semaphore_mem>>)
      %dma_wait3A_264 = arith.constant 0 : i32
      %dma_wait3A_265 = tpu.memref_slice %arg5[%add3A_84, %dma_wait3A_264] : memref<2560x128xi32, #tpu.memory_space<hbm>> -> memref<16x128xi32, #tpu.memory_space<hbm>>
      %dma_wait3A_266 = arith.constant 0 : i32
      %dma_wait3A_267 = tpu.memref_slice %arg5[%add3A_84, %dma_wait3A_266] : memref<2560x128xi32, #tpu.memory_space<hbm>> -> memref<16x128xi32, #tpu.memory_space<hbm>>
      tpu.wait_dma2 semaphore(%run_scoped3A : memref<!tpu.dma_semaphore, #tpu.memory_space<semaphore_mem>>) src(%dma_wait3A_267 : memref<16x128xi32, #tpu.memory_space<hbm>>) dst(%arg10 : memref<16x128xi32, #tpu.memory_space<vmem>>)
      tpu.yield
    }) : () -> ()
    %scan3A_85 = arith.constant 0 : i32
    %scan3A_86 = arith.constant 0 : i32
    %scan3A_87 = arith.constant 16 : i32
    %scan3A_88 = arith.addi %scan3A_86, %scan3A_87 : i32
    %scan3A_89 = arith.constant 1 : i32
    scf.for %scan3A_260 = %scan3A_86 to %scan3A_88 step %scan3A_89  : i32 {
      %dma_start3A_261 = arith.constant 0 : i32
      %dma_start3A_262 = tpu.memref_slice %arg11[%scan3A_260, %dma_start3A_261] : memref<16x128xi32, #tpu.memory_space<vmem>> -> memref<1x128xi32, #tpu.memory_space<vmem>>
      %dma_start3A_263 = tpu.memref_squeeze %dma_start3A_262 : memref<1x128xi32, #tpu.memory_space<vmem>> -> memref<128xi32, #tpu.memory_space<vmem>>
      %dma_start3A_264 = arith.constant 0 : i32
      %dma_start3A_265 = tpu.memref_slice %arg9[%scan3A_260, %dma_start3A_264] : memref<16x128xi32, #tpu.memory_space<vmem>> -> memref<1x128xi32, #tpu.memory_space<vmem>>
      %dma_start3A_266 = tpu.memref_squeeze %dma_start3A_265 : memref<1x128xi32, #tpu.memory_space<vmem>> -> memref<128xi32, #tpu.memory_space<vmem>>
      %dma_start3A_267 = arith.constant 0 : i32
      %dma_start3A_268 = tpu.memref_slice %arg2[%dma_start3A_267] : memref<10240xi32, #tpu.memory_space<hbm>> -> memref<10240xi32, #tpu.memory_space<hbm>>
      tpu.enqueue_indirect_dma source(%dma_start3A_268 : memref<10240xi32, #tpu.memory_space<hbm>>) target(%dma_start3A_263 : memref<128xi32, #tpu.memory_space<vmem>>) offsets(%dma_start3A_266 : memref<128xi32, #tpu.memory_space<vmem>>) semaphore(%arg21 : memref<!tpu.dma_semaphore, #tpu.memory_space<semaphore_mem>>)
    }
    %scan3A_90 = arith.constant 16 : i32
    "tpu.trace_stop"() : () -> ()
    "tpu.trace_start"() <{level = 10 : i32, message = "pipe"}> : () -> ()
    %add3A_91 = arith.constant 16 : i32
    %add3A_92 = arith.addi %mul3A_19, %add3A_91 : i32
    %dma_wait3A_93 = arith.constant 0 : i32
    %dma_wait3A_94 = tpu.memref_slice %arg4[%add3A_92, %dma_wait3A_93] : memref<2560x128xi32, #tpu.memory_space<hbm>> -> memref<16x128xi32, #tpu.memory_space<hbm>>
    %dma_wait3A_95 = arith.constant 0 : i32
    %dma_wait3A_96 = tpu.memref_slice %arg4[%add3A_92, %dma_wait3A_95] : memref<2560x128xi32, #tpu.memory_space<hbm>> -> memref<16x128xi32, #tpu.memory_space<hbm>>
    tpu.wait_dma2 semaphore(%arg22 : memref<!tpu.dma_semaphore, #tpu.memory_space<semaphore_mem>>) src(%dma_wait3A_96 : memref<16x128xi32, #tpu.memory_space<hbm>>) dst(%arg14 : memref<16x128xi32, #tpu.memory_space<vmem>>)
    %dma_start3A_97 = arith.constant 0 : i32
    %dma_start3A_98 = arith.constant 0 : i32
    %dma_start3A_99 = tpu.memref_slice %arg14[%dma_start3A_97, %dma_start3A_98] : memref<16x128xi32, #tpu.memory_space<vmem>> -> memref<1x128xi32, #tpu.memory_space<vmem>>
    %dma_start3A_100 = tpu.memref_squeeze %dma_start3A_99 : memref<1x128xi32, #tpu.memory_space<vmem>> -> memref<128xi32, #tpu.memory_space<vmem>>
    %dma_start3A_101 = arith.constant 0 : i32
    %dma_start3A_102 = arith.constant 0 : i32
    %dma_start3A_103 = tpu.memref_slice %arg6[%dma_start3A_101, %dma_start3A_102] : memref<8192x128xf32, #tpu.memory_space<hbm>> -> memref<8192x128xf32, #tpu.memory_space<hbm>>
    tpu.enqueue_indirect_dma source(%dma_start3A_103 : memref<8192x128xf32, #tpu.memory_space<hbm>>) target(%arg16 : memref<128x128xf32, #tpu.memory_space<vmem>>) offsets(%dma_start3A_100 : memref<128xi32, #tpu.memory_space<vmem>>) semaphore(%arg19 : memref<!tpu.dma_semaphore, #tpu.memory_space<semaphore_mem>>)
    %scan3A_104 = arith.constant 0 : i32
    %scan3A_105 = arith.constant 0 : i32
    %scan3A_106 = arith.constant 8 : i32
    %scan3A_107 = arith.addi %scan3A_105, %scan3A_106 : i32
    %scan3A_108 = arith.constant 1 : i32
    scf.for %scan3A_260 = %scan3A_105 to %scan3A_107 step %scan3A_108  : i32 {
      %mul3A_261 = arith.constant 2 : i32
      %mul3A_262 = arith.muli %mul3A_261, %scan3A_260 : i32
      %gt3A = arith.constant 0 : i32
      %gt3A_263 = arith.cmpi sgt, %scan3A_260, %gt3A : i32
      %convert_element_type3A_264 = arith.extui %gt3A_263 : i1 to i32
      %cond3A_265 = arith.constant 0 : i32
      %cond3A_266 = arith.cmpi ne, %convert_element_type3A_264, %cond3A_265 : i32
      scf.if %cond3A_266 {
        %sub3A = arith.constant 1 : i32
        %sub3A_308 = arith.subi %mul3A_262, %sub3A : i32
        %dma_wait3A_309 = arith.constant 0 : i32
        %dma_wait3A_310 = tpu.memref_slice %arg13[%sub3A_308, %dma_wait3A_309] : memref<16x128xi32, #tpu.memory_space<vmem>> -> memref<1x128xi32, #tpu.memory_space<vmem>>
        %dma_wait3A_311 = tpu.memref_squeeze %dma_wait3A_310 : memref<1x128xi32, #tpu.memory_space<vmem>> -> memref<128xi32, #tpu.memory_space<vmem>>
        %dma_wait3A_312 = arith.constant 0 : i32
        %dma_wait3A_313 = arith.constant 0 : i32
        %dma_wait3A_314 = tpu.memref_slice %arg18[%dma_wait3A_312, %dma_wait3A_313] : memref<10240x128xf32, #tpu.memory_space<vmem_shared>> -> memref<10240x128xf32, #tpu.memory_space<vmem_shared>>
        tpu.wait_indirect_dma semaphore(%arg24 : memref<!tpu.dma_semaphore, #tpu.memory_space<semaphore_mem>>) src(%arg17 : memref<128x128xf32, #tpu.memory_space<vmem>>) dst(%dma_wait3A_314 : memref<10240x128xf32, #tpu.memory_space<vmem_shared>>)
      } else {
      }
      %add3A_267 = arith.constant 1 : i32
      %add3A_268 = arith.addi %mul3A_262, %add3A_267 : i32
      %dma_start3A_269 = arith.constant 0 : i32
      %dma_start3A_270 = tpu.memref_slice %arg14[%add3A_268, %dma_start3A_269] : memref<16x128xi32, #tpu.memory_space<vmem>> -> memref<1x128xi32, #tpu.memory_space<vmem>>
      %dma_start3A_271 = tpu.memref_squeeze %dma_start3A_270 : memref<1x128xi32, #tpu.memory_space<vmem>> -> memref<128xi32, #tpu.memory_space<vmem>>
      %dma_start3A_272 = arith.constant 0 : i32
      %dma_start3A_273 = arith.constant 0 : i32
      %dma_start3A_274 = tpu.memref_slice %arg6[%dma_start3A_272, %dma_start3A_273] : memref<8192x128xf32, #tpu.memory_space<hbm>> -> memref<8192x128xf32, #tpu.memory_space<hbm>>
      tpu.enqueue_indirect_dma source(%dma_start3A_274 : memref<8192x128xf32, #tpu.memory_space<hbm>>) target(%arg17 : memref<128x128xf32, #tpu.memory_space<vmem>>) offsets(%dma_start3A_271 : memref<128xi32, #tpu.memory_space<vmem>>) semaphore(%arg20 : memref<!tpu.dma_semaphore, #tpu.memory_space<semaphore_mem>>)
      %dma_wait3A_275 = arith.constant 0 : i32
      %dma_wait3A_276 = tpu.memref_slice %arg14[%mul3A_262, %dma_wait3A_275] : memref<16x128xi32, #tpu.memory_space<vmem>> -> memref<1x128xi32, #tpu.memory_space<vmem>>
      %dma_wait3A_277 = tpu.memref_squeeze %dma_wait3A_276 : memref<1x128xi32, #tpu.memory_space<vmem>> -> memref<128xi32, #tpu.memory_space<vmem>>
      %dma_wait3A_278 = arith.constant 0 : i32
      %dma_wait3A_279 = arith.constant 0 : i32
      %dma_wait3A_280 = tpu.memref_slice %arg6[%dma_wait3A_278, %dma_wait3A_279] : memref<8192x128xf32, #tpu.memory_space<hbm>> -> memref<8192x128xf32, #tpu.memory_space<hbm>>
      tpu.wait_indirect_dma semaphore(%arg19 : memref<!tpu.dma_semaphore, #tpu.memory_space<semaphore_mem>>) src(%dma_wait3A_280 : memref<8192x128xf32, #tpu.memory_space<hbm>>) dst(%arg16 : memref<128x128xf32, #tpu.memory_space<vmem>>)
      %dma_start3A_281 = arith.constant 0 : i32
      %dma_start3A_282 = tpu.memref_slice %arg13[%mul3A_262, %dma_start3A_281] : memref<16x128xi32, #tpu.memory_space<vmem>> -> memref<1x128xi32, #tpu.memory_space<vmem>>
      %dma_start3A_283 = tpu.memref_squeeze %dma_start3A_282 : memref<1x128xi32, #tpu.memory_space<vmem>> -> memref<128xi32, #tpu.memory_space<vmem>>
      %dma_start3A_284 = arith.constant 0 : i32
      %dma_start3A_285 = arith.constant 0 : i32
      %dma_start3A_286 = tpu.memref_slice %arg18[%dma_start3A_284, %dma_start3A_285] : memref<10240x128xf32, #tpu.memory_space<vmem_shared>> -> memref<10240x128xf32, #tpu.memory_space<vmem_shared>>
      tpu.enqueue_indirect_dma source(%arg16 : memref<128x128xf32, #tpu.memory_space<vmem>>) target(%dma_start3A_286 : memref<10240x128xf32, #tpu.memory_space<vmem_shared>>) offsets(%dma_start3A_283 : memref<128xi32, #tpu.memory_space<vmem>>) semaphore(%arg23 : memref<!tpu.dma_semaphore, #tpu.memory_space<semaphore_mem>>) {add = true}
      %lt3A_287 = arith.constant 7 : i32
      %lt3A_288 = arith.cmpi slt, %scan3A_260, %lt3A_287 : i32
      %convert_element_type3A_289 = arith.extui %lt3A_288 : i1 to i32
      %cond3A_290 = arith.constant 0 : i32
      %cond3A_291 = arith.cmpi ne, %convert_element_type3A_289, %cond3A_290 : i32
      scf.if %cond3A_291 {
        %dma_wait3A_308 = arith.constant 0 : i32
        %dma_wait3A_309 = tpu.memref_slice %arg13[%mul3A_262, %dma_wait3A_308] : memref<16x128xi32, #tpu.memory_space<vmem>> -> memref<1x128xi32, #tpu.memory_space<vmem>>
        %dma_wait3A_310 = tpu.memref_squeeze %dma_wait3A_309 : memref<1x128xi32, #tpu.memory_space<vmem>> -> memref<128xi32, #tpu.memory_space<vmem>>
        %dma_wait3A_311 = arith.constant 0 : i32
        %dma_wait3A_312 = arith.constant 0 : i32
        %dma_wait3A_313 = tpu.memref_slice %arg18[%dma_wait3A_311, %dma_wait3A_312] : memref<10240x128xf32, #tpu.memory_space<vmem_shared>> -> memref<10240x128xf32, #tpu.memory_space<vmem_shared>>
        tpu.wait_indirect_dma semaphore(%arg23 : memref<!tpu.dma_semaphore, #tpu.memory_space<semaphore_mem>>) src(%arg16 : memref<128x128xf32, #tpu.memory_space<vmem>>) dst(%dma_wait3A_313 : memref<10240x128xf32, #tpu.memory_space<vmem_shared>>)
        %add3A_314 = arith.constant 2 : i32
        %add3A_315 = arith.addi %mul3A_262, %add3A_314 : i32
        %dma_start3A_316 = arith.constant 0 : i32
        %dma_start3A_317 = tpu.memref_slice %arg14[%add3A_315, %dma_start3A_316] : memref<16x128xi32, #tpu.memory_space<vmem>> -> memref<1x128xi32, #tpu.memory_space<vmem>>
        %dma_start3A_318 = tpu.memref_squeeze %dma_start3A_317 : memref<1x128xi32, #tpu.memory_space<vmem>> -> memref<128xi32, #tpu.memory_space<vmem>>
        %dma_start3A_319 = arith.constant 0 : i32
        %dma_start3A_320 = arith.constant 0 : i32
        %dma_start3A_321 = tpu.memref_slice %arg6[%dma_start3A_319, %dma_start3A_320] : memref<8192x128xf32, #tpu.memory_space<hbm>> -> memref<8192x128xf32, #tpu.memory_space<hbm>>
        tpu.enqueue_indirect_dma source(%dma_start3A_321 : memref<8192x128xf32, #tpu.memory_space<hbm>>) target(%arg16 : memref<128x128xf32, #tpu.memory_space<vmem>>) offsets(%dma_start3A_318 : memref<128xi32, #tpu.memory_space<vmem>>) semaphore(%arg19 : memref<!tpu.dma_semaphore, #tpu.memory_space<semaphore_mem>>)
      } else {
      }
      %add3A_292 = arith.constant 1 : i32
      %add3A_293 = arith.addi %mul3A_262, %add3A_292 : i32
      %dma_wait3A_294 = arith.constant 0 : i32
      %dma_wait3A_295 = tpu.memref_slice %arg14[%add3A_293, %dma_wait3A_294] : memref<16x128xi32, #tpu.memory_space<vmem>> -> memref<1x128xi32, #tpu.memory_space<vmem>>
      %dma_wait3A_296 = tpu.memref_squeeze %dma_wait3A_295 : memref<1x128xi32, #tpu.memory_space<vmem>> -> memref<128xi32, #tpu.memory_space<vmem>>
      %dma_wait3A_297 = arith.constant 0 : i32
      %dma_wait3A_298 = arith.constant 0 : i32
      %dma_wait3A_299 = tpu.memref_slice %arg6[%dma_wait3A_297, %dma_wait3A_298] : memref<8192x128xf32, #tpu.memory_space<hbm>> -> memref<8192x128xf32, #tpu.memory_space<hbm>>
      tpu.wait_indirect_dma semaphore(%arg20 : memref<!tpu.dma_semaphore, #tpu.memory_space<semaphore_mem>>) src(%dma_wait3A_299 : memref<8192x128xf32, #tpu.memory_space<hbm>>) dst(%arg17 : memref<128x128xf32, #tpu.memory_space<vmem>>)
      %add3A_300 = arith.constant 1 : i32
      %add3A_301 = arith.addi %mul3A_262, %add3A_300 : i32
      %dma_start3A_302 = arith.constant 0 : i32
      %dma_start3A_303 = tpu.memref_slice %arg13[%add3A_301, %dma_start3A_302] : memref<16x128xi32, #tpu.memory_space<vmem>> -> memref<1x128xi32, #tpu.memory_space<vmem>>
      %dma_start3A_304 = tpu.memref_squeeze %dma_start3A_303 : memref<1x128xi32, #tpu.memory_space<vmem>> -> memref<128xi32, #tpu.memory_space<vmem>>
      %dma_start3A_305 = arith.constant 0 : i32
      %dma_start3A_306 = arith.constant 0 : i32
      %dma_start3A_307 = tpu.memref_slice %arg18[%dma_start3A_305, %dma_start3A_306] : memref<10240x128xf32, #tpu.memory_space<vmem_shared>> -> memref<10240x128xf32, #tpu.memory_space<vmem_shared>>
      tpu.enqueue_indirect_dma source(%arg17 : memref<128x128xf32, #tpu.memory_space<vmem>>) target(%dma_start3A_307 : memref<10240x128xf32, #tpu.memory_space<vmem_shared>>) offsets(%dma_start3A_304 : memref<128xi32, #tpu.memory_space<vmem>>) semaphore(%arg24 : memref<!tpu.dma_semaphore, #tpu.memory_space<semaphore_mem>>) {add = true}
    }
    %scan3A_109 = arith.constant 8 : i32
    %dma_wait3A_110 = arith.constant 14 : i32
    %dma_wait3A_111 = arith.constant 0 : i32
    %dma_wait3A_112 = tpu.memref_slice %arg13[%dma_wait3A_110, %dma_wait3A_111] : memref<16x128xi32, #tpu.memory_space<vmem>> -> memref<1x128xi32, #tpu.memory_space<vmem>>
    %dma_wait3A_113 = tpu.memref_squeeze %dma_wait3A_112 : memref<1x128xi32, #tpu.memory_space<vmem>> -> memref<128xi32, #tpu.memory_space<vmem>>
    %dma_wait3A_114 = arith.constant 0 : i32
    %dma_wait3A_115 = arith.constant 0 : i32
    %dma_wait3A_116 = tpu.memref_slice %arg18[%dma_wait3A_114, %dma_wait3A_115] : memref<10240x128xf32, #tpu.memory_space<vmem_shared>> -> memref<10240x128xf32, #tpu.memory_space<vmem_shared>>
    tpu.wait_indirect_dma semaphore(%arg23 : memref<!tpu.dma_semaphore, #tpu.memory_space<semaphore_mem>>) src(%arg16 : memref<128x128xf32, #tpu.memory_space<vmem>>) dst(%dma_wait3A_116 : memref<10240x128xf32, #tpu.memory_space<vmem_shared>>)
    %dma_wait3A_117 = arith.constant 15 : i32
    %dma_wait3A_118 = arith.constant 0 : i32
    %dma_wait3A_119 = tpu.memref_slice %arg13[%dma_wait3A_117, %dma_wait3A_118] : memref<16x128xi32, #tpu.memory_space<vmem>> -> memref<1x128xi32, #tpu.memory_space<vmem>>
    %dma_wait3A_120 = tpu.memref_squeeze %dma_wait3A_119 : memref<1x128xi32, #tpu.memory_space<vmem>> -> memref<128xi32, #tpu.memory_space<vmem>>
    %dma_wait3A_121 = arith.constant 0 : i32
    %dma_wait3A_122 = arith.constant 0 : i32
    %dma_wait3A_123 = tpu.memref_slice %arg18[%dma_wait3A_121, %dma_wait3A_122] : memref<10240x128xf32, #tpu.memory_space<vmem_shared>> -> memref<10240x128xf32, #tpu.memory_space<vmem_shared>>
    tpu.wait_indirect_dma semaphore(%arg24 : memref<!tpu.dma_semaphore, #tpu.memory_space<semaphore_mem>>) src(%arg17 : memref<128x128xf32, #tpu.memory_space<vmem>>) dst(%dma_wait3A_123 : memref<10240x128xf32, #tpu.memory_space<vmem_shared>>)
    "tpu.trace_stop"() : () -> ()
    "tpu.trace_start"() <{level = 10 : i32, message = "stage"}> : () -> ()
    %add3A_124 = arith.constant 48 : i32
    %add3A_125 = arith.addi %mul3A_19, %add3A_124 : i32
    "tpu.region"() ({
      %run_scoped3A = tpu.sem_alloc : memref<!tpu.dma_semaphore, #tpu.memory_space<semaphore_mem>>
      %dma_start3A_260 = arith.constant 0 : i32
      %dma_start3A_261 = tpu.memref_slice %arg4[%add3A_125, %dma_start3A_260] : memref<2560x128xi32, #tpu.memory_space<hbm>> -> memref<16x128xi32, #tpu.memory_space<hbm>>
      %dma_start3A_262 = arith.constant 0 : i32
      %dma_start3A_263 = tpu.memref_slice %arg4[%add3A_125, %dma_start3A_262] : memref<2560x128xi32, #tpu.memory_space<hbm>> -> memref<16x128xi32, #tpu.memory_space<hbm>>
      tpu.enqueue_dma source(%dma_start3A_263 : memref<16x128xi32, #tpu.memory_space<hbm>>) target(%arg12 : memref<16x128xi32, #tpu.memory_space<vmem>>) target_semaphore(%run_scoped3A : memref<!tpu.dma_semaphore, #tpu.memory_space<semaphore_mem>>)
      %dma_wait3A_264 = arith.constant 0 : i32
      %dma_wait3A_265 = tpu.memref_slice %arg4[%add3A_125, %dma_wait3A_264] : memref<2560x128xi32, #tpu.memory_space<hbm>> -> memref<16x128xi32, #tpu.memory_space<hbm>>
      %dma_wait3A_266 = arith.constant 0 : i32
      %dma_wait3A_267 = tpu.memref_slice %arg4[%add3A_125, %dma_wait3A_266] : memref<2560x128xi32, #tpu.memory_space<hbm>> -> memref<16x128xi32, #tpu.memory_space<hbm>>
      tpu.wait_dma2 semaphore(%run_scoped3A : memref<!tpu.dma_semaphore, #tpu.memory_space<semaphore_mem>>) src(%dma_wait3A_267 : memref<16x128xi32, #tpu.memory_space<hbm>>) dst(%arg12 : memref<16x128xi32, #tpu.memory_space<vmem>>)
      tpu.yield
    }) : () -> ()
    "tpu.region"() ({
      %run_scoped3A = tpu.sem_alloc : memref<!tpu.dma_semaphore, #tpu.memory_space<semaphore_mem>>
      %dma_start3A_260 = arith.constant 0 : i32
      %dma_start3A_261 = tpu.memref_slice %arg5[%add3A_125, %dma_start3A_260] : memref<2560x128xi32, #tpu.memory_space<hbm>> -> memref<16x128xi32, #tpu.memory_space<hbm>>
      %dma_start3A_262 = arith.constant 0 : i32
      %dma_start3A_263 = tpu.memref_slice %arg5[%add3A_125, %dma_start3A_262] : memref<2560x128xi32, #tpu.memory_space<hbm>> -> memref<16x128xi32, #tpu.memory_space<hbm>>
      tpu.enqueue_dma source(%dma_start3A_263 : memref<16x128xi32, #tpu.memory_space<hbm>>) target(%arg13 : memref<16x128xi32, #tpu.memory_space<vmem>>) target_semaphore(%run_scoped3A : memref<!tpu.dma_semaphore, #tpu.memory_space<semaphore_mem>>)
      %dma_wait3A_264 = arith.constant 0 : i32
      %dma_wait3A_265 = tpu.memref_slice %arg5[%add3A_125, %dma_wait3A_264] : memref<2560x128xi32, #tpu.memory_space<hbm>> -> memref<16x128xi32, #tpu.memory_space<hbm>>
      %dma_wait3A_266 = arith.constant 0 : i32
      %dma_wait3A_267 = tpu.memref_slice %arg5[%add3A_125, %dma_wait3A_266] : memref<2560x128xi32, #tpu.memory_space<hbm>> -> memref<16x128xi32, #tpu.memory_space<hbm>>
      tpu.wait_dma2 semaphore(%run_scoped3A : memref<!tpu.dma_semaphore, #tpu.memory_space<semaphore_mem>>) src(%dma_wait3A_267 : memref<16x128xi32, #tpu.memory_space<hbm>>) dst(%arg13 : memref<16x128xi32, #tpu.memory_space<vmem>>)
      tpu.yield
    }) : () -> ()
    %scan3A_126 = arith.constant 0 : i32
    %scan3A_127 = arith.constant 0 : i32
    %scan3A_128 = arith.constant 16 : i32
    %scan3A_129 = arith.addi %scan3A_127, %scan3A_128 : i32
    %scan3A_130 = arith.constant 1 : i32
    scf.for %scan3A_260 = %scan3A_127 to %scan3A_129 step %scan3A_130  : i32 {
      %dma_start3A_261 = arith.constant 0 : i32
      %dma_start3A_262 = tpu.memref_slice %arg14[%scan3A_260, %dma_start3A_261] : memref<16x128xi32, #tpu.memory_space<vmem>> -> memref<1x128xi32, #tpu.memory_space<vmem>>
      %dma_start3A_263 = tpu.memref_squeeze %dma_start3A_262 : memref<1x128xi32, #tpu.memory_space<vmem>> -> memref<128xi32, #tpu.memory_space<vmem>>
      %dma_start3A_264 = arith.constant 0 : i32
      %dma_start3A_265 = tpu.memref_slice %arg12[%scan3A_260, %dma_start3A_264] : memref<16x128xi32, #tpu.memory_space<vmem>> -> memref<1x128xi32, #tpu.memory_space<vmem>>
      %dma_start3A_266 = tpu.memref_squeeze %dma_start3A_265 : memref<1x128xi32, #tpu.memory_space<vmem>> -> memref<128xi32, #tpu.memory_space<vmem>>
      %dma_start3A_267 = arith.constant 0 : i32
      %dma_start3A_268 = tpu.memref_slice %arg2[%dma_start3A_267] : memref<10240xi32, #tpu.memory_space<hbm>> -> memref<10240xi32, #tpu.memory_space<hbm>>
      tpu.enqueue_indirect_dma source(%dma_start3A_268 : memref<10240xi32, #tpu.memory_space<hbm>>) target(%dma_start3A_263 : memref<128xi32, #tpu.memory_space<vmem>>) offsets(%dma_start3A_266 : memref<128xi32, #tpu.memory_space<vmem>>) semaphore(%arg22 : memref<!tpu.dma_semaphore, #tpu.memory_space<semaphore_mem>>)
    }
    %scan3A_131 = arith.constant 16 : i32
    "tpu.trace_stop"() : () -> ()
    "tpu.trace_start"() <{level = 10 : i32, message = "pipe"}> : () -> ()
    %add3A_132 = arith.constant 32 : i32
    %add3A_133 = arith.addi %mul3A_19, %add3A_132 : i32
    %dma_wait3A_134 = arith.constant 0 : i32
    %dma_wait3A_135 = tpu.memref_slice %arg4[%add3A_133, %dma_wait3A_134] : memref<2560x128xi32, #tpu.memory_space<hbm>> -> memref<16x128xi32, #tpu.memory_space<hbm>>
    %dma_wait3A_136 = arith.constant 0 : i32
    %dma_wait3A_137 = tpu.memref_slice %arg4[%add3A_133, %dma_wait3A_136] : memref<2560x128xi32, #tpu.memory_space<hbm>> -> memref<16x128xi32, #tpu.memory_space<hbm>>
    tpu.wait_dma2 semaphore(%arg21 : memref<!tpu.dma_semaphore, #tpu.memory_space<semaphore_mem>>) src(%dma_wait3A_137 : memref<16x128xi32, #tpu.memory_space<hbm>>) dst(%arg11 : memref<16x128xi32, #tpu.memory_space<vmem>>)
    %dma_start3A_138 = arith.constant 0 : i32
    %dma_start3A_139 = arith.constant 0 : i32
    %dma_start3A_140 = tpu.memref_slice %arg11[%dma_start3A_138, %dma_start3A_139] : memref<16x128xi32, #tpu.memory_space<vmem>> -> memref<1x128xi32, #tpu.memory_space<vmem>>
    %dma_start3A_141 = tpu.memref_squeeze %dma_start3A_140 : memref<1x128xi32, #tpu.memory_space<vmem>> -> memref<128xi32, #tpu.memory_space<vmem>>
    %dma_start3A_142 = arith.constant 0 : i32
    %dma_start3A_143 = arith.constant 0 : i32
    %dma_start3A_144 = tpu.memref_slice %arg6[%dma_start3A_142, %dma_start3A_143] : memref<8192x128xf32, #tpu.memory_space<hbm>> -> memref<8192x128xf32, #tpu.memory_space<hbm>>
    tpu.enqueue_indirect_dma source(%dma_start3A_144 : memref<8192x128xf32, #tpu.memory_space<hbm>>) target(%arg16 : memref<128x128xf32, #tpu.memory_space<vmem>>) offsets(%dma_start3A_141 : memref<128xi32, #tpu.memory_space<vmem>>) semaphore(%arg19 : memref<!tpu.dma_semaphore, #tpu.memory_space<semaphore_mem>>)
    %scan3A_145 = arith.constant 0 : i32
    %scan3A_146 = arith.constant 0 : i32
    %scan3A_147 = arith.constant 8 : i32
    %scan3A_148 = arith.addi %scan3A_146, %scan3A_147 : i32
    %scan3A_149 = arith.constant 1 : i32
    scf.for %scan3A_260 = %scan3A_146 to %scan3A_148 step %scan3A_149  : i32 {
      %mul3A_261 = arith.constant 2 : i32
      %mul3A_262 = arith.muli %mul3A_261, %scan3A_260 : i32
      %gt3A = arith.constant 0 : i32
      %gt3A_263 = arith.cmpi sgt, %scan3A_260, %gt3A : i32
      %convert_element_type3A_264 = arith.extui %gt3A_263 : i1 to i32
      %cond3A_265 = arith.constant 0 : i32
      %cond3A_266 = arith.cmpi ne, %convert_element_type3A_264, %cond3A_265 : i32
      scf.if %cond3A_266 {
        %sub3A = arith.constant 1 : i32
        %sub3A_308 = arith.subi %mul3A_262, %sub3A : i32
        %dma_wait3A_309 = arith.constant 0 : i32
        %dma_wait3A_310 = tpu.memref_slice %arg10[%sub3A_308, %dma_wait3A_309] : memref<16x128xi32, #tpu.memory_space<vmem>> -> memref<1x128xi32, #tpu.memory_space<vmem>>
        %dma_wait3A_311 = tpu.memref_squeeze %dma_wait3A_310 : memref<1x128xi32, #tpu.memory_space<vmem>> -> memref<128xi32, #tpu.memory_space<vmem>>
        %dma_wait3A_312 = arith.constant 0 : i32
        %dma_wait3A_313 = arith.constant 0 : i32
        %dma_wait3A_314 = tpu.memref_slice %arg18[%dma_wait3A_312, %dma_wait3A_313] : memref<10240x128xf32, #tpu.memory_space<vmem_shared>> -> memref<10240x128xf32, #tpu.memory_space<vmem_shared>>
        tpu.wait_indirect_dma semaphore(%arg24 : memref<!tpu.dma_semaphore, #tpu.memory_space<semaphore_mem>>) src(%arg17 : memref<128x128xf32, #tpu.memory_space<vmem>>) dst(%dma_wait3A_314 : memref<10240x128xf32, #tpu.memory_space<vmem_shared>>)
      } else {
      }
      %add3A_267 = arith.constant 1 : i32
      %add3A_268 = arith.addi %mul3A_262, %add3A_267 : i32
      %dma_start3A_269 = arith.constant 0 : i32
      %dma_start3A_270 = tpu.memref_slice %arg11[%add3A_268, %dma_start3A_269] : memref<16x128xi32, #tpu.memory_space<vmem>> -> memref<1x128xi32, #tpu.memory_space<vmem>>
      %dma_start3A_271 = tpu.memref_squeeze %dma_start3A_270 : memref<1x128xi32, #tpu.memory_space<vmem>> -> memref<128xi32, #tpu.memory_space<vmem>>
      %dma_start3A_272 = arith.constant 0 : i32
      %dma_start3A_273 = arith.constant 0 : i32
      %dma_start3A_274 = tpu.memref_slice %arg6[%dma_start3A_272, %dma_start3A_273] : memref<8192x128xf32, #tpu.memory_space<hbm>> -> memref<8192x128xf32, #tpu.memory_space<hbm>>
      tpu.enqueue_indirect_dma source(%dma_start3A_274 : memref<8192x128xf32, #tpu.memory_space<hbm>>) target(%arg17 : memref<128x128xf32, #tpu.memory_space<vmem>>) offsets(%dma_start3A_271 : memref<128xi32, #tpu.memory_space<vmem>>) semaphore(%arg20 : memref<!tpu.dma_semaphore, #tpu.memory_space<semaphore_mem>>)
      %dma_wait3A_275 = arith.constant 0 : i32
      %dma_wait3A_276 = tpu.memref_slice %arg11[%mul3A_262, %dma_wait3A_275] : memref<16x128xi32, #tpu.memory_space<vmem>> -> memref<1x128xi32, #tpu.memory_space<vmem>>
      %dma_wait3A_277 = tpu.memref_squeeze %dma_wait3A_276 : memref<1x128xi32, #tpu.memory_space<vmem>> -> memref<128xi32, #tpu.memory_space<vmem>>
      %dma_wait3A_278 = arith.constant 0 : i32
      %dma_wait3A_279 = arith.constant 0 : i32
      %dma_wait3A_280 = tpu.memref_slice %arg6[%dma_wait3A_278, %dma_wait3A_279] : memref<8192x128xf32, #tpu.memory_space<hbm>> -> memref<8192x128xf32, #tpu.memory_space<hbm>>
      tpu.wait_indirect_dma semaphore(%arg19 : memref<!tpu.dma_semaphore, #tpu.memory_space<semaphore_mem>>) src(%dma_wait3A_280 : memref<8192x128xf32, #tpu.memory_space<hbm>>) dst(%arg16 : memref<128x128xf32, #tpu.memory_space<vmem>>)
      %dma_start3A_281 = arith.constant 0 : i32
      %dma_start3A_282 = tpu.memref_slice %arg10[%mul3A_262, %dma_start3A_281] : memref<16x128xi32, #tpu.memory_space<vmem>> -> memref<1x128xi32, #tpu.memory_space<vmem>>
      %dma_start3A_283 = tpu.memref_squeeze %dma_start3A_282 : memref<1x128xi32, #tpu.memory_space<vmem>> -> memref<128xi32, #tpu.memory_space<vmem>>
      %dma_start3A_284 = arith.constant 0 : i32
      %dma_start3A_285 = arith.constant 0 : i32
      %dma_start3A_286 = tpu.memref_slice %arg18[%dma_start3A_284, %dma_start3A_285] : memref<10240x128xf32, #tpu.memory_space<vmem_shared>> -> memref<10240x128xf32, #tpu.memory_space<vmem_shared>>
      tpu.enqueue_indirect_dma source(%arg16 : memref<128x128xf32, #tpu.memory_space<vmem>>) target(%dma_start3A_286 : memref<10240x128xf32, #tpu.memory_space<vmem_shared>>) offsets(%dma_start3A_283 : memref<128xi32, #tpu.memory_space<vmem>>) semaphore(%arg23 : memref<!tpu.dma_semaphore, #tpu.memory_space<semaphore_mem>>) {add = true}
      %lt3A_287 = arith.constant 7 : i32
      %lt3A_288 = arith.cmpi slt, %scan3A_260, %lt3A_287 : i32
      %convert_element_type3A_289 = arith.extui %lt3A_288 : i1 to i32
      %cond3A_290 = arith.constant 0 : i32
      %cond3A_291 = arith.cmpi ne, %convert_element_type3A_289, %cond3A_290 : i32
      scf.if %cond3A_291 {
        %dma_wait3A_308 = arith.constant 0 : i32
        %dma_wait3A_309 = tpu.memref_slice %arg10[%mul3A_262, %dma_wait3A_308] : memref<16x128xi32, #tpu.memory_space<vmem>> -> memref<1x128xi32, #tpu.memory_space<vmem>>
        %dma_wait3A_310 = tpu.memref_squeeze %dma_wait3A_309 : memref<1x128xi32, #tpu.memory_space<vmem>> -> memref<128xi32, #tpu.memory_space<vmem>>
        %dma_wait3A_311 = arith.constant 0 : i32
        %dma_wait3A_312 = arith.constant 0 : i32
        %dma_wait3A_313 = tpu.memref_slice %arg18[%dma_wait3A_311, %dma_wait3A_312] : memref<10240x128xf32, #tpu.memory_space<vmem_shared>> -> memref<10240x128xf32, #tpu.memory_space<vmem_shared>>
        tpu.wait_indirect_dma semaphore(%arg23 : memref<!tpu.dma_semaphore, #tpu.memory_space<semaphore_mem>>) src(%arg16 : memref<128x128xf32, #tpu.memory_space<vmem>>) dst(%dma_wait3A_313 : memref<10240x128xf32, #tpu.memory_space<vmem_shared>>)
        %add3A_314 = arith.constant 2 : i32
        %add3A_315 = arith.addi %mul3A_262, %add3A_314 : i32
        %dma_start3A_316 = arith.constant 0 : i32
        %dma_start3A_317 = tpu.memref_slice %arg11[%add3A_315, %dma_start3A_316] : memref<16x128xi32, #tpu.memory_space<vmem>> -> memref<1x128xi32, #tpu.memory_space<vmem>>
        %dma_start3A_318 = tpu.memref_squeeze %dma_start3A_317 : memref<1x128xi32, #tpu.memory_space<vmem>> -> memref<128xi32, #tpu.memory_space<vmem>>
        %dma_start3A_319 = arith.constant 0 : i32
        %dma_start3A_320 = arith.constant 0 : i32
        %dma_start3A_321 = tpu.memref_slice %arg6[%dma_start3A_319, %dma_start3A_320] : memref<8192x128xf32, #tpu.memory_space<hbm>> -> memref<8192x128xf32, #tpu.memory_space<hbm>>
        tpu.enqueue_indirect_dma source(%dma_start3A_321 : memref<8192x128xf32, #tpu.memory_space<hbm>>) target(%arg16 : memref<128x128xf32, #tpu.memory_space<vmem>>) offsets(%dma_start3A_318 : memref<128xi32, #tpu.memory_space<vmem>>) semaphore(%arg19 : memref<!tpu.dma_semaphore, #tpu.memory_space<semaphore_mem>>)
      } else {
      }
      %add3A_292 = arith.constant 1 : i32
      %add3A_293 = arith.addi %mul3A_262, %add3A_292 : i32
      %dma_wait3A_294 = arith.constant 0 : i32
      %dma_wait3A_295 = tpu.memref_slice %arg11[%add3A_293, %dma_wait3A_294] : memref<16x128xi32, #tpu.memory_space<vmem>> -> memref<1x128xi32, #tpu.memory_space<vmem>>
      %dma_wait3A_296 = tpu.memref_squeeze %dma_wait3A_295 : memref<1x128xi32, #tpu.memory_space<vmem>> -> memref<128xi32, #tpu.memory_space<vmem>>
      %dma_wait3A_297 = arith.constant 0 : i32
      %dma_wait3A_298 = arith.constant 0 : i32
      %dma_wait3A_299 = tpu.memref_slice %arg6[%dma_wait3A_297, %dma_wait3A_298] : memref<8192x128xf32, #tpu.memory_space<hbm>> -> memref<8192x128xf32, #tpu.memory_space<hbm>>
      tpu.wait_indirect_dma semaphore(%arg20 : memref<!tpu.dma_semaphore, #tpu.memory_space<semaphore_mem>>) src(%dma_wait3A_299 : memref<8192x128xf32, #tpu.memory_space<hbm>>) dst(%arg17 : memref<128x128xf32, #tpu.memory_space<vmem>>)
      %add3A_300 = arith.constant 1 : i32
      %add3A_301 = arith.addi %mul3A_262, %add3A_300 : i32
      %dma_start3A_302 = arith.constant 0 : i32
      %dma_start3A_303 = tpu.memref_slice %arg10[%add3A_301, %dma_start3A_302] : memref<16x128xi32, #tpu.memory_space<vmem>> -> memref<1x128xi32, #tpu.memory_space<vmem>>
      %dma_start3A_304 = tpu.memref_squeeze %dma_start3A_303 : memref<1x128xi32, #tpu.memory_space<vmem>> -> memref<128xi32, #tpu.memory_space<vmem>>
      %dma_start3A_305 = arith.constant 0 : i32
      %dma_start3A_306 = arith.constant 0 : i32
      %dma_start3A_307 = tpu.memref_slice %arg18[%dma_start3A_305, %dma_start3A_306] : memref<10240x128xf32, #tpu.memory_space<vmem_shared>> -> memref<10240x128xf32, #tpu.memory_space<vmem_shared>>
      tpu.enqueue_indirect_dma source(%arg17 : memref<128x128xf32, #tpu.memory_space<vmem>>) target(%dma_start3A_307 : memref<10240x128xf32, #tpu.memory_space<vmem_shared>>) offsets(%dma_start3A_304 : memref<128xi32, #tpu.memory_space<vmem>>) semaphore(%arg24 : memref<!tpu.dma_semaphore, #tpu.memory_space<semaphore_mem>>) {add = true}
    }
    %scan3A_150 = arith.constant 8 : i32
    %dma_wait3A_151 = arith.constant 14 : i32
    %dma_wait3A_152 = arith.constant 0 : i32
    %dma_wait3A_153 = tpu.memref_slice %arg10[%dma_wait3A_151, %dma_wait3A_152] : memref<16x128xi32, #tpu.memory_space<vmem>> -> memref<1x128xi32, #tpu.memory_space<vmem>>
    %dma_wait3A_154 = tpu.memref_squeeze %dma_wait3A_153 : memref<1x128xi32, #tpu.memory_space<vmem>> -> memref<128xi32, #tpu.memory_space<vmem>>
    %dma_wait3A_155 = arith.constant 0 : i32
    %dma_wait3A_156 = arith.constant 0 : i32
    %dma_wait3A_157 = tpu.memref_slice %arg18[%dma_wait3A_155, %dma_wait3A_156] : memref<10240x128xf32, #tpu.memory_space<vmem_shared>> -> memref<10240x128xf32, #tpu.memory_space<vmem_shared>>
    tpu.wait_indirect_dma semaphore(%arg23 : memref<!tpu.dma_semaphore, #tpu.memory_space<semaphore_mem>>) src(%arg16 : memref<128x128xf32, #tpu.memory_space<vmem>>) dst(%dma_wait3A_157 : memref<10240x128xf32, #tpu.memory_space<vmem_shared>>)
    %dma_wait3A_158 = arith.constant 15 : i32
    %dma_wait3A_159 = arith.constant 0 : i32
    %dma_wait3A_160 = tpu.memref_slice %arg10[%dma_wait3A_158, %dma_wait3A_159] : memref<16x128xi32, #tpu.memory_space<vmem>> -> memref<1x128xi32, #tpu.memory_space<vmem>>
    %dma_wait3A_161 = tpu.memref_squeeze %dma_wait3A_160 : memref<1x128xi32, #tpu.memory_space<vmem>> -> memref<128xi32, #tpu.memory_space<vmem>>
    %dma_wait3A_162 = arith.constant 0 : i32
    %dma_wait3A_163 = arith.constant 0 : i32
    %dma_wait3A_164 = tpu.memref_slice %arg18[%dma_wait3A_162, %dma_wait3A_163] : memref<10240x128xf32, #tpu.memory_space<vmem_shared>> -> memref<10240x128xf32, #tpu.memory_space<vmem_shared>>
    tpu.wait_indirect_dma semaphore(%arg24 : memref<!tpu.dma_semaphore, #tpu.memory_space<semaphore_mem>>) src(%arg17 : memref<128x128xf32, #tpu.memory_space<vmem>>) dst(%dma_wait3A_164 : memref<10240x128xf32, #tpu.memory_space<vmem_shared>>)
    "tpu.trace_stop"() : () -> ()
    "tpu.trace_start"() <{level = 10 : i32, message = "stage"}> : () -> ()
    %add3A_165 = arith.constant 64 : i32
    %add3A_166 = arith.addi %mul3A_19, %add3A_165 : i32
    "tpu.region"() ({
      %run_scoped3A = tpu.sem_alloc : memref<!tpu.dma_semaphore, #tpu.memory_space<semaphore_mem>>
      %dma_start3A_260 = arith.constant 0 : i32
      %dma_start3A_261 = tpu.memref_slice %arg4[%add3A_166, %dma_start3A_260] : memref<2560x128xi32, #tpu.memory_space<hbm>> -> memref<16x128xi32, #tpu.memory_space<hbm>>
      %dma_start3A_262 = arith.constant 0 : i32
      %dma_start3A_263 = tpu.memref_slice %arg4[%add3A_166, %dma_start3A_262] : memref<2560x128xi32, #tpu.memory_space<hbm>> -> memref<16x128xi32, #tpu.memory_space<hbm>>
      tpu.enqueue_dma source(%dma_start3A_263 : memref<16x128xi32, #tpu.memory_space<hbm>>) target(%arg9 : memref<16x128xi32, #tpu.memory_space<vmem>>) target_semaphore(%run_scoped3A : memref<!tpu.dma_semaphore, #tpu.memory_space<semaphore_mem>>)
      %dma_wait3A_264 = arith.constant 0 : i32
      %dma_wait3A_265 = tpu.memref_slice %arg4[%add3A_166, %dma_wait3A_264] : memref<2560x128xi32, #tpu.memory_space<hbm>> -> memref<16x128xi32, #tpu.memory_space<hbm>>
      %dma_wait3A_266 = arith.constant 0 : i32
      %dma_wait3A_267 = tpu.memref_slice %arg4[%add3A_166, %dma_wait3A_266] : memref<2560x128xi32, #tpu.memory_space<hbm>> -> memref<16x128xi32, #tpu.memory_space<hbm>>
      tpu.wait_dma2 semaphore(%run_scoped3A : memref<!tpu.dma_semaphore, #tpu.memory_space<semaphore_mem>>) src(%dma_wait3A_267 : memref<16x128xi32, #tpu.memory_space<hbm>>) dst(%arg9 : memref<16x128xi32, #tpu.memory_space<vmem>>)
      tpu.yield
    }) : () -> ()
    "tpu.region"() ({
      %run_scoped3A = tpu.sem_alloc : memref<!tpu.dma_semaphore, #tpu.memory_space<semaphore_mem>>
      %dma_start3A_260 = arith.constant 0 : i32
      %dma_start3A_261 = tpu.memref_slice %arg5[%add3A_166, %dma_start3A_260] : memref<2560x128xi32, #tpu.memory_space<hbm>> -> memref<16x128xi32, #tpu.memory_space<hbm>>
      %dma_start3A_262 = arith.constant 0 : i32
      %dma_start3A_263 = tpu.memref_slice %arg5[%add3A_166, %dma_start3A_262] : memref<2560x128xi32, #tpu.memory_space<hbm>> -> memref<16x128xi32, #tpu.memory_space<hbm>>
      tpu.enqueue_dma source(%dma_start3A_263 : memref<16x128xi32, #tpu.memory_space<hbm>>) target(%arg10 : memref<16x128xi32, #tpu.memory_space<vmem>>) target_semaphore(%run_scoped3A : memref<!tpu.dma_semaphore, #tpu.memory_space<semaphore_mem>>)
      %dma_wait3A_264 = arith.constant 0 : i32
      %dma_wait3A_265 = tpu.memref_slice %arg5[%add3A_166, %dma_wait3A_264] : memref<2560x128xi32, #tpu.memory_space<hbm>> -> memref<16x128xi32, #tpu.memory_space<hbm>>
      %dma_wait3A_266 = arith.constant 0 : i32
      %dma_wait3A_267 = tpu.memref_slice %arg5[%add3A_166, %dma_wait3A_266] : memref<2560x128xi32, #tpu.memory_space<hbm>> -> memref<16x128xi32, #tpu.memory_space<hbm>>
      tpu.wait_dma2 semaphore(%run_scoped3A : memref<!tpu.dma_semaphore, #tpu.memory_space<semaphore_mem>>) src(%dma_wait3A_267 : memref<16x128xi32, #tpu.memory_space<hbm>>) dst(%arg10 : memref<16x128xi32, #tpu.memory_space<vmem>>)
      tpu.yield
    }) : () -> ()
    %scan3A_167 = arith.constant 0 : i32
    %scan3A_168 = arith.constant 0 : i32
    %scan3A_169 = arith.constant 16 : i32
    %scan3A_170 = arith.addi %scan3A_168, %scan3A_169 : i32
    %scan3A_171 = arith.constant 1 : i32
    scf.for %scan3A_260 = %scan3A_168 to %scan3A_170 step %scan3A_171  : i32 {
      %dma_start3A_261 = arith.constant 0 : i32
      %dma_start3A_262 = tpu.memref_slice %arg11[%scan3A_260, %dma_start3A_261] : memref<16x128xi32, #tpu.memory_space<vmem>> -> memref<1x128xi32, #tpu.memory_space<vmem>>
      %dma_start3A_263 = tpu.memref_squeeze %dma_start3A_262 : memref<1x128xi32, #tpu.memory_space<vmem>> -> memref<128xi32, #tpu.memory_space<vmem>>
      %dma_start3A_264 = arith.constant 0 : i32
      %dma_start3A_265 = tpu.memref_slice %arg9[%scan3A_260, %dma_start3A_264] : memref<16x128xi32, #tpu.memory_space<vmem>> -> memref<1x128xi32, #tpu.memory_space<vmem>>
      %dma_start3A_266 = tpu.memref_squeeze %dma_start3A_265 : memref<1x128xi32, #tpu.memory_space<vmem>> -> memref<128xi32, #tpu.memory_space<vmem>>
      %dma_start3A_267 = arith.constant 0 : i32
      %dma_start3A_268 = tpu.memref_slice %arg2[%dma_start3A_267] : memref<10240xi32, #tpu.memory_space<hbm>> -> memref<10240xi32, #tpu.memory_space<hbm>>
      tpu.enqueue_indirect_dma source(%dma_start3A_268 : memref<10240xi32, #tpu.memory_space<hbm>>) target(%dma_start3A_263 : memref<128xi32, #tpu.memory_space<vmem>>) offsets(%dma_start3A_266 : memref<128xi32, #tpu.memory_space<vmem>>) semaphore(%arg21 : memref<!tpu.dma_semaphore, #tpu.memory_space<semaphore_mem>>)
    }
    %scan3A_172 = arith.constant 16 : i32
    "tpu.trace_stop"() : () -> ()
    "tpu.trace_start"() <{level = 10 : i32, message = "pipe"}> : () -> ()
    %add3A_173 = arith.constant 48 : i32
    %add3A_174 = arith.addi %mul3A_19, %add3A_173 : i32
    %dma_wait3A_175 = arith.constant 0 : i32
    %dma_wait3A_176 = tpu.memref_slice %arg4[%add3A_174, %dma_wait3A_175] : memref<2560x128xi32, #tpu.memory_space<hbm>> -> memref<16x128xi32, #tpu.memory_space<hbm>>
    %dma_wait3A_177 = arith.constant 0 : i32
    %dma_wait3A_178 = tpu.memref_slice %arg4[%add3A_174, %dma_wait3A_177] : memref<2560x128xi32, #tpu.memory_space<hbm>> -> memref<16x128xi32, #tpu.memory_space<hbm>>
    tpu.wait_dma2 semaphore(%arg22 : memref<!tpu.dma_semaphore, #tpu.memory_space<semaphore_mem>>) src(%dma_wait3A_178 : memref<16x128xi32, #tpu.memory_space<hbm>>) dst(%arg14 : memref<16x128xi32, #tpu.memory_space<vmem>>)
    %dma_start3A_179 = arith.constant 0 : i32
    %dma_start3A_180 = arith.constant 0 : i32
    %dma_start3A_181 = tpu.memref_slice %arg14[%dma_start3A_179, %dma_start3A_180] : memref<16x128xi32, #tpu.memory_space<vmem>> -> memref<1x128xi32, #tpu.memory_space<vmem>>
    %dma_start3A_182 = tpu.memref_squeeze %dma_start3A_181 : memref<1x128xi32, #tpu.memory_space<vmem>> -> memref<128xi32, #tpu.memory_space<vmem>>
    %dma_start3A_183 = arith.constant 0 : i32
    %dma_start3A_184 = arith.constant 0 : i32
    %dma_start3A_185 = tpu.memref_slice %arg6[%dma_start3A_183, %dma_start3A_184] : memref<8192x128xf32, #tpu.memory_space<hbm>> -> memref<8192x128xf32, #tpu.memory_space<hbm>>
    tpu.enqueue_indirect_dma source(%dma_start3A_185 : memref<8192x128xf32, #tpu.memory_space<hbm>>) target(%arg16 : memref<128x128xf32, #tpu.memory_space<vmem>>) offsets(%dma_start3A_182 : memref<128xi32, #tpu.memory_space<vmem>>) semaphore(%arg19 : memref<!tpu.dma_semaphore, #tpu.memory_space<semaphore_mem>>)
    %scan3A_186 = arith.constant 0 : i32
    %scan3A_187 = arith.constant 0 : i32
    %scan3A_188 = arith.constant 8 : i32
    %scan3A_189 = arith.addi %scan3A_187, %scan3A_188 : i32
    %scan3A_190 = arith.constant 1 : i32
    scf.for %scan3A_260 = %scan3A_187 to %scan3A_189 step %scan3A_190  : i32 {
      %mul3A_261 = arith.constant 2 : i32
      %mul3A_262 = arith.muli %mul3A_261, %scan3A_260 : i32
      %gt3A = arith.constant 0 : i32
      %gt3A_263 = arith.cmpi sgt, %scan3A_260, %gt3A : i32
      %convert_element_type3A_264 = arith.extui %gt3A_263 : i1 to i32
      %cond3A_265 = arith.constant 0 : i32
      %cond3A_266 = arith.cmpi ne, %convert_element_type3A_264, %cond3A_265 : i32
      scf.if %cond3A_266 {
        %sub3A = arith.constant 1 : i32
        %sub3A_308 = arith.subi %mul3A_262, %sub3A : i32
        %dma_wait3A_309 = arith.constant 0 : i32
        %dma_wait3A_310 = tpu.memref_slice %arg13[%sub3A_308, %dma_wait3A_309] : memref<16x128xi32, #tpu.memory_space<vmem>> -> memref<1x128xi32, #tpu.memory_space<vmem>>
        %dma_wait3A_311 = tpu.memref_squeeze %dma_wait3A_310 : memref<1x128xi32, #tpu.memory_space<vmem>> -> memref<128xi32, #tpu.memory_space<vmem>>
        %dma_wait3A_312 = arith.constant 0 : i32
        %dma_wait3A_313 = arith.constant 0 : i32
        %dma_wait3A_314 = tpu.memref_slice %arg18[%dma_wait3A_312, %dma_wait3A_313] : memref<10240x128xf32, #tpu.memory_space<vmem_shared>> -> memref<10240x128xf32, #tpu.memory_space<vmem_shared>>
        tpu.wait_indirect_dma semaphore(%arg24 : memref<!tpu.dma_semaphore, #tpu.memory_space<semaphore_mem>>) src(%arg17 : memref<128x128xf32, #tpu.memory_space<vmem>>) dst(%dma_wait3A_314 : memref<10240x128xf32, #tpu.memory_space<vmem_shared>>)
      } else {
      }
      %add3A_267 = arith.constant 1 : i32
      %add3A_268 = arith.addi %mul3A_262, %add3A_267 : i32
      %dma_start3A_269 = arith.constant 0 : i32
      %dma_start3A_270 = tpu.memref_slice %arg14[%add3A_268, %dma_start3A_269] : memref<16x128xi32, #tpu.memory_space<vmem>> -> memref<1x128xi32, #tpu.memory_space<vmem>>
      %dma_start3A_271 = tpu.memref_squeeze %dma_start3A_270 : memref<1x128xi32, #tpu.memory_space<vmem>> -> memref<128xi32, #tpu.memory_space<vmem>>
      %dma_start3A_272 = arith.constant 0 : i32
      %dma_start3A_273 = arith.constant 0 : i32
      %dma_start3A_274 = tpu.memref_slice %arg6[%dma_start3A_272, %dma_start3A_273] : memref<8192x128xf32, #tpu.memory_space<hbm>> -> memref<8192x128xf32, #tpu.memory_space<hbm>>
      tpu.enqueue_indirect_dma source(%dma_start3A_274 : memref<8192x128xf32, #tpu.memory_space<hbm>>) target(%arg17 : memref<128x128xf32, #tpu.memory_space<vmem>>) offsets(%dma_start3A_271 : memref<128xi32, #tpu.memory_space<vmem>>) semaphore(%arg20 : memref<!tpu.dma_semaphore, #tpu.memory_space<semaphore_mem>>)
      %dma_wait3A_275 = arith.constant 0 : i32
      %dma_wait3A_276 = tpu.memref_slice %arg14[%mul3A_262, %dma_wait3A_275] : memref<16x128xi32, #tpu.memory_space<vmem>> -> memref<1x128xi32, #tpu.memory_space<vmem>>
      %dma_wait3A_277 = tpu.memref_squeeze %dma_wait3A_276 : memref<1x128xi32, #tpu.memory_space<vmem>> -> memref<128xi32, #tpu.memory_space<vmem>>
      %dma_wait3A_278 = arith.constant 0 : i32
      %dma_wait3A_279 = arith.constant 0 : i32
      %dma_wait3A_280 = tpu.memref_slice %arg6[%dma_wait3A_278, %dma_wait3A_279] : memref<8192x128xf32, #tpu.memory_space<hbm>> -> memref<8192x128xf32, #tpu.memory_space<hbm>>
      tpu.wait_indirect_dma semaphore(%arg19 : memref<!tpu.dma_semaphore, #tpu.memory_space<semaphore_mem>>) src(%dma_wait3A_280 : memref<8192x128xf32, #tpu.memory_space<hbm>>) dst(%arg16 : memref<128x128xf32, #tpu.memory_space<vmem>>)
      %dma_start3A_281 = arith.constant 0 : i32
      %dma_start3A_282 = tpu.memref_slice %arg13[%mul3A_262, %dma_start3A_281] : memref<16x128xi32, #tpu.memory_space<vmem>> -> memref<1x128xi32, #tpu.memory_space<vmem>>
      %dma_start3A_283 = tpu.memref_squeeze %dma_start3A_282 : memref<1x128xi32, #tpu.memory_space<vmem>> -> memref<128xi32, #tpu.memory_space<vmem>>
      %dma_start3A_284 = arith.constant 0 : i32
      %dma_start3A_285 = arith.constant 0 : i32
      %dma_start3A_286 = tpu.memref_slice %arg18[%dma_start3A_284, %dma_start3A_285] : memref<10240x128xf32, #tpu.memory_space<vmem_shared>> -> memref<10240x128xf32, #tpu.memory_space<vmem_shared>>
      tpu.enqueue_indirect_dma source(%arg16 : memref<128x128xf32, #tpu.memory_space<vmem>>) target(%dma_start3A_286 : memref<10240x128xf32, #tpu.memory_space<vmem_shared>>) offsets(%dma_start3A_283 : memref<128xi32, #tpu.memory_space<vmem>>) semaphore(%arg23 : memref<!tpu.dma_semaphore, #tpu.memory_space<semaphore_mem>>) {add = true}
      %lt3A_287 = arith.constant 7 : i32
      %lt3A_288 = arith.cmpi slt, %scan3A_260, %lt3A_287 : i32
      %convert_element_type3A_289 = arith.extui %lt3A_288 : i1 to i32
      %cond3A_290 = arith.constant 0 : i32
      %cond3A_291 = arith.cmpi ne, %convert_element_type3A_289, %cond3A_290 : i32
      scf.if %cond3A_291 {
        %dma_wait3A_308 = arith.constant 0 : i32
        %dma_wait3A_309 = tpu.memref_slice %arg13[%mul3A_262, %dma_wait3A_308] : memref<16x128xi32, #tpu.memory_space<vmem>> -> memref<1x128xi32, #tpu.memory_space<vmem>>
        %dma_wait3A_310 = tpu.memref_squeeze %dma_wait3A_309 : memref<1x128xi32, #tpu.memory_space<vmem>> -> memref<128xi32, #tpu.memory_space<vmem>>
        %dma_wait3A_311 = arith.constant 0 : i32
        %dma_wait3A_312 = arith.constant 0 : i32
        %dma_wait3A_313 = tpu.memref_slice %arg18[%dma_wait3A_311, %dma_wait3A_312] : memref<10240x128xf32, #tpu.memory_space<vmem_shared>> -> memref<10240x128xf32, #tpu.memory_space<vmem_shared>>
        tpu.wait_indirect_dma semaphore(%arg23 : memref<!tpu.dma_semaphore, #tpu.memory_space<semaphore_mem>>) src(%arg16 : memref<128x128xf32, #tpu.memory_space<vmem>>) dst(%dma_wait3A_313 : memref<10240x128xf32, #tpu.memory_space<vmem_shared>>)
        %add3A_314 = arith.constant 2 : i32
        %add3A_315 = arith.addi %mul3A_262, %add3A_314 : i32
        %dma_start3A_316 = arith.constant 0 : i32
        %dma_start3A_317 = tpu.memref_slice %arg14[%add3A_315, %dma_start3A_316] : memref<16x128xi32, #tpu.memory_space<vmem>> -> memref<1x128xi32, #tpu.memory_space<vmem>>
        %dma_start3A_318 = tpu.memref_squeeze %dma_start3A_317 : memref<1x128xi32, #tpu.memory_space<vmem>> -> memref<128xi32, #tpu.memory_space<vmem>>
        %dma_start3A_319 = arith.constant 0 : i32
        %dma_start3A_320 = arith.constant 0 : i32
        %dma_start3A_321 = tpu.memref_slice %arg6[%dma_start3A_319, %dma_start3A_320] : memref<8192x128xf32, #tpu.memory_space<hbm>> -> memref<8192x128xf32, #tpu.memory_space<hbm>>
        tpu.enqueue_indirect_dma source(%dma_start3A_321 : memref<8192x128xf32, #tpu.memory_space<hbm>>) target(%arg16 : memref<128x128xf32, #tpu.memory_space<vmem>>) offsets(%dma_start3A_318 : memref<128xi32, #tpu.memory_space<vmem>>) semaphore(%arg19 : memref<!tpu.dma_semaphore, #tpu.memory_space<semaphore_mem>>)
      } else {
      }
      %add3A_292 = arith.constant 1 : i32
      %add3A_293 = arith.addi %mul3A_262, %add3A_292 : i32
      %dma_wait3A_294 = arith.constant 0 : i32
      %dma_wait3A_295 = tpu.memref_slice %arg14[%add3A_293, %dma_wait3A_294] : memref<16x128xi32, #tpu.memory_space<vmem>> -> memref<1x128xi32, #tpu.memory_space<vmem>>
      %dma_wait3A_296 = tpu.memref_squeeze %dma_wait3A_295 : memref<1x128xi32, #tpu.memory_space<vmem>> -> memref<128xi32, #tpu.memory_space<vmem>>
      %dma_wait3A_297 = arith.constant 0 : i32
      %dma_wait3A_298 = arith.constant 0 : i32
      %dma_wait3A_299 = tpu.memref_slice %arg6[%dma_wait3A_297, %dma_wait3A_298] : memref<8192x128xf32, #tpu.memory_space<hbm>> -> memref<8192x128xf32, #tpu.memory_space<hbm>>
      tpu.wait_indirect_dma semaphore(%arg20 : memref<!tpu.dma_semaphore, #tpu.memory_space<semaphore_mem>>) src(%dma_wait3A_299 : memref<8192x128xf32, #tpu.memory_space<hbm>>) dst(%arg17 : memref<128x128xf32, #tpu.memory_space<vmem>>)
      %add3A_300 = arith.constant 1 : i32
      %add3A_301 = arith.addi %mul3A_262, %add3A_300 : i32
      %dma_start3A_302 = arith.constant 0 : i32
      %dma_start3A_303 = tpu.memref_slice %arg13[%add3A_301, %dma_start3A_302] : memref<16x128xi32, #tpu.memory_space<vmem>> -> memref<1x128xi32, #tpu.memory_space<vmem>>
      %dma_start3A_304 = tpu.memref_squeeze %dma_start3A_303 : memref<1x128xi32, #tpu.memory_space<vmem>> -> memref<128xi32, #tpu.memory_space<vmem>>
      %dma_start3A_305 = arith.constant 0 : i32
      %dma_start3A_306 = arith.constant 0 : i32
      %dma_start3A_307 = tpu.memref_slice %arg18[%dma_start3A_305, %dma_start3A_306] : memref<10240x128xf32, #tpu.memory_space<vmem_shared>> -> memref<10240x128xf32, #tpu.memory_space<vmem_shared>>
      tpu.enqueue_indirect_dma source(%arg17 : memref<128x128xf32, #tpu.memory_space<vmem>>) target(%dma_start3A_307 : memref<10240x128xf32, #tpu.memory_space<vmem_shared>>) offsets(%dma_start3A_304 : memref<128xi32, #tpu.memory_space<vmem>>) semaphore(%arg24 : memref<!tpu.dma_semaphore, #tpu.memory_space<semaphore_mem>>) {add = true}
    }
    %scan3A_191 = arith.constant 8 : i32
    %dma_wait3A_192 = arith.constant 14 : i32
    %dma_wait3A_193 = arith.constant 0 : i32
    %dma_wait3A_194 = tpu.memref_slice %arg13[%dma_wait3A_192, %dma_wait3A_193] : memref<16x128xi32, #tpu.memory_space<vmem>> -> memref<1x128xi32, #tpu.memory_space<vmem>>
    %dma_wait3A_195 = tpu.memref_squeeze %dma_wait3A_194 : memref<1x128xi32, #tpu.memory_space<vmem>> -> memref<128xi32, #tpu.memory_space<vmem>>
    %dma_wait3A_196 = arith.constant 0 : i32
    %dma_wait3A_197 = arith.constant 0 : i32
    %dma_wait3A_198 = tpu.memref_slice %arg18[%dma_wait3A_196, %dma_wait3A_197] : memref<10240x128xf32, #tpu.memory_space<vmem_shared>> -> memref<10240x128xf32, #tpu.memory_space<vmem_shared>>
    tpu.wait_indirect_dma semaphore(%arg23 : memref<!tpu.dma_semaphore, #tpu.memory_space<semaphore_mem>>) src(%arg16 : memref<128x128xf32, #tpu.memory_space<vmem>>) dst(%dma_wait3A_198 : memref<10240x128xf32, #tpu.memory_space<vmem_shared>>)
    %dma_wait3A_199 = arith.constant 15 : i32
    %dma_wait3A_200 = arith.constant 0 : i32
    %dma_wait3A_201 = tpu.memref_slice %arg13[%dma_wait3A_199, %dma_wait3A_200] : memref<16x128xi32, #tpu.memory_space<vmem>> -> memref<1x128xi32, #tpu.memory_space<vmem>>
    %dma_wait3A_202 = tpu.memref_squeeze %dma_wait3A_201 : memref<1x128xi32, #tpu.memory_space<vmem>> -> memref<128xi32, #tpu.memory_space<vmem>>
    %dma_wait3A_203 = arith.constant 0 : i32
    %dma_wait3A_204 = arith.constant 0 : i32
    %dma_wait3A_205 = tpu.memref_slice %arg18[%dma_wait3A_203, %dma_wait3A_204] : memref<10240x128xf32, #tpu.memory_space<vmem_shared>> -> memref<10240x128xf32, #tpu.memory_space<vmem_shared>>
    tpu.wait_indirect_dma semaphore(%arg24 : memref<!tpu.dma_semaphore, #tpu.memory_space<semaphore_mem>>) src(%arg17 : memref<128x128xf32, #tpu.memory_space<vmem>>) dst(%dma_wait3A_205 : memref<10240x128xf32, #tpu.memory_space<vmem_shared>>)
    %add3A_206 = arith.constant 64 : i32
    %add3A_207 = arith.addi %mul3A_19, %add3A_206 : i32
    %dma_wait3A_208 = arith.constant 0 : i32
    %dma_wait3A_209 = tpu.memref_slice %arg4[%add3A_207, %dma_wait3A_208] : memref<2560x128xi32, #tpu.memory_space<hbm>> -> memref<16x128xi32, #tpu.memory_space<hbm>>
    %dma_wait3A_210 = arith.constant 0 : i32
    %dma_wait3A_211 = tpu.memref_slice %arg4[%add3A_207, %dma_wait3A_210] : memref<2560x128xi32, #tpu.memory_space<hbm>> -> memref<16x128xi32, #tpu.memory_space<hbm>>
    tpu.wait_dma2 semaphore(%arg21 : memref<!tpu.dma_semaphore, #tpu.memory_space<semaphore_mem>>) src(%dma_wait3A_211 : memref<16x128xi32, #tpu.memory_space<hbm>>) dst(%arg11 : memref<16x128xi32, #tpu.memory_space<vmem>>)
    %dma_start3A_212 = arith.constant 0 : i32
    %dma_start3A_213 = arith.constant 0 : i32
    %dma_start3A_214 = tpu.memref_slice %arg11[%dma_start3A_212, %dma_start3A_213] : memref<16x128xi32, #tpu.memory_space<vmem>> -> memref<1x128xi32, #tpu.memory_space<vmem>>
    %dma_start3A_215 = tpu.memref_squeeze %dma_start3A_214 : memref<1x128xi32, #tpu.memory_space<vmem>> -> memref<128xi32, #tpu.memory_space<vmem>>
    %dma_start3A_216 = arith.constant 0 : i32
    %dma_start3A_217 = arith.constant 0 : i32
    %dma_start3A_218 = tpu.memref_slice %arg6[%dma_start3A_216, %dma_start3A_217] : memref<8192x128xf32, #tpu.memory_space<hbm>> -> memref<8192x128xf32, #tpu.memory_space<hbm>>
    tpu.enqueue_indirect_dma source(%dma_start3A_218 : memref<8192x128xf32, #tpu.memory_space<hbm>>) target(%arg16 : memref<128x128xf32, #tpu.memory_space<vmem>>) offsets(%dma_start3A_215 : memref<128xi32, #tpu.memory_space<vmem>>) semaphore(%arg19 : memref<!tpu.dma_semaphore, #tpu.memory_space<semaphore_mem>>)
    %scan3A_219 = arith.constant 0 : i32
    %scan3A_220 = arith.constant 0 : i32
    %scan3A_221 = arith.constant 8 : i32
    %scan3A_222 = arith.addi %scan3A_220, %scan3A_221 : i32
    %scan3A_223 = arith.constant 1 : i32
    scf.for %scan3A_260 = %scan3A_220 to %scan3A_222 step %scan3A_223  : i32 {
      %mul3A_261 = arith.constant 2 : i32
      %mul3A_262 = arith.muli %mul3A_261, %scan3A_260 : i32
      %gt3A = arith.constant 0 : i32
      %gt3A_263 = arith.cmpi sgt, %scan3A_260, %gt3A : i32
      %convert_element_type3A_264 = arith.extui %gt3A_263 : i1 to i32
      %cond3A_265 = arith.constant 0 : i32
      %cond3A_266 = arith.cmpi ne, %convert_element_type3A_264, %cond3A_265 : i32
      scf.if %cond3A_266 {
        %sub3A = arith.constant 1 : i32
        %sub3A_308 = arith.subi %mul3A_262, %sub3A : i32
        %dma_wait3A_309 = arith.constant 0 : i32
        %dma_wait3A_310 = tpu.memref_slice %arg10[%sub3A_308, %dma_wait3A_309] : memref<16x128xi32, #tpu.memory_space<vmem>> -> memref<1x128xi32, #tpu.memory_space<vmem>>
        %dma_wait3A_311 = tpu.memref_squeeze %dma_wait3A_310 : memref<1x128xi32, #tpu.memory_space<vmem>> -> memref<128xi32, #tpu.memory_space<vmem>>
        %dma_wait3A_312 = arith.constant 0 : i32
        %dma_wait3A_313 = arith.constant 0 : i32
        %dma_wait3A_314 = tpu.memref_slice %arg18[%dma_wait3A_312, %dma_wait3A_313] : memref<10240x128xf32, #tpu.memory_space<vmem_shared>> -> memref<10240x128xf32, #tpu.memory_space<vmem_shared>>
        tpu.wait_indirect_dma semaphore(%arg24 : memref<!tpu.dma_semaphore, #tpu.memory_space<semaphore_mem>>) src(%arg17 : memref<128x128xf32, #tpu.memory_space<vmem>>) dst(%dma_wait3A_314 : memref<10240x128xf32, #tpu.memory_space<vmem_shared>>)
      } else {
      }
      %add3A_267 = arith.constant 1 : i32
      %add3A_268 = arith.addi %mul3A_262, %add3A_267 : i32
      %dma_start3A_269 = arith.constant 0 : i32
      %dma_start3A_270 = tpu.memref_slice %arg11[%add3A_268, %dma_start3A_269] : memref<16x128xi32, #tpu.memory_space<vmem>> -> memref<1x128xi32, #tpu.memory_space<vmem>>
      %dma_start3A_271 = tpu.memref_squeeze %dma_start3A_270 : memref<1x128xi32, #tpu.memory_space<vmem>> -> memref<128xi32, #tpu.memory_space<vmem>>
      %dma_start3A_272 = arith.constant 0 : i32
      %dma_start3A_273 = arith.constant 0 : i32
      %dma_start3A_274 = tpu.memref_slice %arg6[%dma_start3A_272, %dma_start3A_273] : memref<8192x128xf32, #tpu.memory_space<hbm>> -> memref<8192x128xf32, #tpu.memory_space<hbm>>
      tpu.enqueue_indirect_dma source(%dma_start3A_274 : memref<8192x128xf32, #tpu.memory_space<hbm>>) target(%arg17 : memref<128x128xf32, #tpu.memory_space<vmem>>) offsets(%dma_start3A_271 : memref<128xi32, #tpu.memory_space<vmem>>) semaphore(%arg20 : memref<!tpu.dma_semaphore, #tpu.memory_space<semaphore_mem>>)
      %dma_wait3A_275 = arith.constant 0 : i32
      %dma_wait3A_276 = tpu.memref_slice %arg11[%mul3A_262, %dma_wait3A_275] : memref<16x128xi32, #tpu.memory_space<vmem>> -> memref<1x128xi32, #tpu.memory_space<vmem>>
      %dma_wait3A_277 = tpu.memref_squeeze %dma_wait3A_276 : memref<1x128xi32, #tpu.memory_space<vmem>> -> memref<128xi32, #tpu.memory_space<vmem>>
      %dma_wait3A_278 = arith.constant 0 : i32
      %dma_wait3A_279 = arith.constant 0 : i32
      %dma_wait3A_280 = tpu.memref_slice %arg6[%dma_wait3A_278, %dma_wait3A_279] : memref<8192x128xf32, #tpu.memory_space<hbm>> -> memref<8192x128xf32, #tpu.memory_space<hbm>>
      tpu.wait_indirect_dma semaphore(%arg19 : memref<!tpu.dma_semaphore, #tpu.memory_space<semaphore_mem>>) src(%dma_wait3A_280 : memref<8192x128xf32, #tpu.memory_space<hbm>>) dst(%arg16 : memref<128x128xf32, #tpu.memory_space<vmem>>)
      %dma_start3A_281 = arith.constant 0 : i32
      %dma_start3A_282 = tpu.memref_slice %arg10[%mul3A_262, %dma_start3A_281] : memref<16x128xi32, #tpu.memory_space<vmem>> -> memref<1x128xi32, #tpu.memory_space<vmem>>
      %dma_start3A_283 = tpu.memref_squeeze %dma_start3A_282 : memref<1x128xi32, #tpu.memory_space<vmem>> -> memref<128xi32, #tpu.memory_space<vmem>>
      %dma_start3A_284 = arith.constant 0 : i32
      %dma_start3A_285 = arith.constant 0 : i32
      %dma_start3A_286 = tpu.memref_slice %arg18[%dma_start3A_284, %dma_start3A_285] : memref<10240x128xf32, #tpu.memory_space<vmem_shared>> -> memref<10240x128xf32, #tpu.memory_space<vmem_shared>>
      tpu.enqueue_indirect_dma source(%arg16 : memref<128x128xf32, #tpu.memory_space<vmem>>) target(%dma_start3A_286 : memref<10240x128xf32, #tpu.memory_space<vmem_shared>>) offsets(%dma_start3A_283 : memref<128xi32, #tpu.memory_space<vmem>>) semaphore(%arg23 : memref<!tpu.dma_semaphore, #tpu.memory_space<semaphore_mem>>) {add = true}
      %lt3A_287 = arith.constant 7 : i32
      %lt3A_288 = arith.cmpi slt, %scan3A_260, %lt3A_287 : i32
      %convert_element_type3A_289 = arith.extui %lt3A_288 : i1 to i32
      %cond3A_290 = arith.constant 0 : i32
      %cond3A_291 = arith.cmpi ne, %convert_element_type3A_289, %cond3A_290 : i32
      scf.if %cond3A_291 {
        %dma_wait3A_308 = arith.constant 0 : i32
        %dma_wait3A_309 = tpu.memref_slice %arg10[%mul3A_262, %dma_wait3A_308] : memref<16x128xi32, #tpu.memory_space<vmem>> -> memref<1x128xi32, #tpu.memory_space<vmem>>
        %dma_wait3A_310 = tpu.memref_squeeze %dma_wait3A_309 : memref<1x128xi32, #tpu.memory_space<vmem>> -> memref<128xi32, #tpu.memory_space<vmem>>
        %dma_wait3A_311 = arith.constant 0 : i32
        %dma_wait3A_312 = arith.constant 0 : i32
        %dma_wait3A_313 = tpu.memref_slice %arg18[%dma_wait3A_311, %dma_wait3A_312] : memref<10240x128xf32, #tpu.memory_space<vmem_shared>> -> memref<10240x128xf32, #tpu.memory_space<vmem_shared>>
        tpu.wait_indirect_dma semaphore(%arg23 : memref<!tpu.dma_semaphore, #tpu.memory_space<semaphore_mem>>) src(%arg16 : memref<128x128xf32, #tpu.memory_space<vmem>>) dst(%dma_wait3A_313 : memref<10240x128xf32, #tpu.memory_space<vmem_shared>>)
        %add3A_314 = arith.constant 2 : i32
        %add3A_315 = arith.addi %mul3A_262, %add3A_314 : i32
        %dma_start3A_316 = arith.constant 0 : i32
        %dma_start3A_317 = tpu.memref_slice %arg11[%add3A_315, %dma_start3A_316] : memref<16x128xi32, #tpu.memory_space<vmem>> -> memref<1x128xi32, #tpu.memory_space<vmem>>
        %dma_start3A_318 = tpu.memref_squeeze %dma_start3A_317 : memref<1x128xi32, #tpu.memory_space<vmem>> -> memref<128xi32, #tpu.memory_space<vmem>>
        %dma_start3A_319 = arith.constant 0 : i32
        %dma_start3A_320 = arith.constant 0 : i32
        %dma_start3A_321 = tpu.memref_slice %arg6[%dma_start3A_319, %dma_start3A_320] : memref<8192x128xf32, #tpu.memory_space<hbm>> -> memref<8192x128xf32, #tpu.memory_space<hbm>>
        tpu.enqueue_indirect_dma source(%dma_start3A_321 : memref<8192x128xf32, #tpu.memory_space<hbm>>) target(%arg16 : memref<128x128xf32, #tpu.memory_space<vmem>>) offsets(%dma_start3A_318 : memref<128xi32, #tpu.memory_space<vmem>>) semaphore(%arg19 : memref<!tpu.dma_semaphore, #tpu.memory_space<semaphore_mem>>)
      } else {
      }
      %add3A_292 = arith.constant 1 : i32
      %add3A_293 = arith.addi %mul3A_262, %add3A_292 : i32
      %dma_wait3A_294 = arith.constant 0 : i32
      %dma_wait3A_295 = tpu.memref_slice %arg11[%add3A_293, %dma_wait3A_294] : memref<16x128xi32, #tpu.memory_space<vmem>> -> memref<1x128xi32, #tpu.memory_space<vmem>>
      %dma_wait3A_296 = tpu.memref_squeeze %dma_wait3A_295 : memref<1x128xi32, #tpu.memory_space<vmem>> -> memref<128xi32, #tpu.memory_space<vmem>>
      %dma_wait3A_297 = arith.constant 0 : i32
      %dma_wait3A_298 = arith.constant 0 : i32
      %dma_wait3A_299 = tpu.memref_slice %arg6[%dma_wait3A_297, %dma_wait3A_298] : memref<8192x128xf32, #tpu.memory_space<hbm>> -> memref<8192x128xf32, #tpu.memory_space<hbm>>
      tpu.wait_indirect_dma semaphore(%arg20 : memref<!tpu.dma_semaphore, #tpu.memory_space<semaphore_mem>>) src(%dma_wait3A_299 : memref<8192x128xf32, #tpu.memory_space<hbm>>) dst(%arg17 : memref<128x128xf32, #tpu.memory_space<vmem>>)
      %add3A_300 = arith.constant 1 : i32
      %add3A_301 = arith.addi %mul3A_262, %add3A_300 : i32
      %dma_start3A_302 = arith.constant 0 : i32
      %dma_start3A_303 = tpu.memref_slice %arg10[%add3A_301, %dma_start3A_302] : memref<16x128xi32, #tpu.memory_space<vmem>> -> memref<1x128xi32, #tpu.memory_space<vmem>>
      %dma_start3A_304 = tpu.memref_squeeze %dma_start3A_303 : memref<1x128xi32, #tpu.memory_space<vmem>> -> memref<128xi32, #tpu.memory_space<vmem>>
      %dma_start3A_305 = arith.constant 0 : i32
      %dma_start3A_306 = arith.constant 0 : i32
      %dma_start3A_307 = tpu.memref_slice %arg18[%dma_start3A_305, %dma_start3A_306] : memref<10240x128xf32, #tpu.memory_space<vmem_shared>> -> memref<10240x128xf32, #tpu.memory_space<vmem_shared>>
      tpu.enqueue_indirect_dma source(%arg17 : memref<128x128xf32, #tpu.memory_space<vmem>>) target(%dma_start3A_307 : memref<10240x128xf32, #tpu.memory_space<vmem_shared>>) offsets(%dma_start3A_304 : memref<128xi32, #tpu.memory_space<vmem>>) semaphore(%arg24 : memref<!tpu.dma_semaphore, #tpu.memory_space<semaphore_mem>>) {add = true}
    }
    %scan3A_224 = arith.constant 8 : i32
    %dma_wait3A_225 = arith.constant 14 : i32
    %dma_wait3A_226 = arith.constant 0 : i32
    %dma_wait3A_227 = tpu.memref_slice %arg10[%dma_wait3A_225, %dma_wait3A_226] : memref<16x128xi32, #tpu.memory_space<vmem>> -> memref<1x128xi32, #tpu.memory_space<vmem>>
    %dma_wait3A_228 = tpu.memref_squeeze %dma_wait3A_227 : memref<1x128xi32, #tpu.memory_space<vmem>> -> memref<128xi32, #tpu.memory_space<vmem>>
    %dma_wait3A_229 = arith.constant 0 : i32
    %dma_wait3A_230 = arith.constant 0 : i32
    %dma_wait3A_231 = tpu.memref_slice %arg18[%dma_wait3A_229, %dma_wait3A_230] : memref<10240x128xf32, #tpu.memory_space<vmem_shared>> -> memref<10240x128xf32, #tpu.memory_space<vmem_shared>>
    tpu.wait_indirect_dma semaphore(%arg23 : memref<!tpu.dma_semaphore, #tpu.memory_space<semaphore_mem>>) src(%arg16 : memref<128x128xf32, #tpu.memory_space<vmem>>) dst(%dma_wait3A_231 : memref<10240x128xf32, #tpu.memory_space<vmem_shared>>)
    %dma_wait3A_232 = arith.constant 15 : i32
    %dma_wait3A_233 = arith.constant 0 : i32
    %dma_wait3A_234 = tpu.memref_slice %arg10[%dma_wait3A_232, %dma_wait3A_233] : memref<16x128xi32, #tpu.memory_space<vmem>> -> memref<1x128xi32, #tpu.memory_space<vmem>>
    %dma_wait3A_235 = tpu.memref_squeeze %dma_wait3A_234 : memref<1x128xi32, #tpu.memory_space<vmem>> -> memref<128xi32, #tpu.memory_space<vmem>>
    %dma_wait3A_236 = arith.constant 0 : i32
    %dma_wait3A_237 = arith.constant 0 : i32
    %dma_wait3A_238 = tpu.memref_slice %arg18[%dma_wait3A_236, %dma_wait3A_237] : memref<10240x128xf32, #tpu.memory_space<vmem_shared>> -> memref<10240x128xf32, #tpu.memory_space<vmem_shared>>
    tpu.wait_indirect_dma semaphore(%arg24 : memref<!tpu.dma_semaphore, #tpu.memory_space<semaphore_mem>>) src(%arg17 : memref<128x128xf32, #tpu.memory_space<vmem>>) dst(%dma_wait3A_238 : memref<10240x128xf32, #tpu.memory_space<vmem_shared>>)
    "tpu.trace_stop"() : () -> ()
    "tpu.trace_start"() <{level = 10 : i32, message = "writeout"}> : () -> ()
    %barrier3A_239 = arith.constant 0 : index
    tpu.barrier barrier_id(%barrier3A_239)
    %add3A_240 = arith.constant 0 : i32
    %add3A_241 = arith.addi %mul3A_7, %add3A_240 : i32
    "tpu.region"() ({
      %run_scoped3A = tpu.sem_alloc : memref<!tpu.dma_semaphore, #tpu.memory_space<semaphore_mem>>
      %dma_start3A_260 = arith.constant 0 : i32
      %dma_start3A_261 = tpu.memref_slice %arg18[%add3A_241, %dma_start3A_260] : memref<10240x128xf32, #tpu.memory_space<vmem_shared>> -> memref<128x128xf32, #tpu.memory_space<vmem_shared>>
      %dma_start3A_262 = arith.constant 0 : i32
      %dma_start3A_263 = tpu.memref_slice %arg18[%add3A_241, %dma_start3A_262] : memref<10240x128xf32, #tpu.memory_space<vmem_shared>> -> memref<128x128xf32, #tpu.memory_space<vmem_shared>>
      tpu.enqueue_dma source(%dma_start3A_263 : memref<128x128xf32, #tpu.memory_space<vmem_shared>>) target(%arg16 : memref<128x128xf32, #tpu.memory_space<vmem>>) target_semaphore(%run_scoped3A : memref<!tpu.dma_semaphore, #tpu.memory_space<semaphore_mem>>)
      %dma_wait3A_264 = arith.constant 0 : i32
      %dma_wait3A_265 = tpu.memref_slice %arg18[%add3A_241, %dma_wait3A_264] : memref<10240x128xf32, #tpu.memory_space<vmem_shared>> -> memref<128x128xf32, #tpu.memory_space<vmem_shared>>
      %dma_wait3A_266 = arith.constant 0 : i32
      %dma_wait3A_267 = tpu.memref_slice %arg18[%add3A_241, %dma_wait3A_266] : memref<10240x128xf32, #tpu.memory_space<vmem_shared>> -> memref<128x128xf32, #tpu.memory_space<vmem_shared>>
      tpu.wait_dma2 semaphore(%run_scoped3A : memref<!tpu.dma_semaphore, #tpu.memory_space<semaphore_mem>>) src(%dma_wait3A_267 : memref<128x128xf32, #tpu.memory_space<vmem_shared>>) dst(%arg16 : memref<128x128xf32, #tpu.memory_space<vmem>>)
      tpu.yield
    }) : () -> ()
    %add3A_242 = arith.constant 0 : i32
    %add3A_243 = arith.addi %mul3A_7, %add3A_242 : i32
    "tpu.region"() ({
      %run_scoped3A = tpu.sem_alloc : memref<!tpu.dma_semaphore, #tpu.memory_space<semaphore_mem>>
      %dma_start3A_260 = arith.constant 0 : i32
      %dma_start3A_261 = tpu.memref_slice %arg8[%arg0, %add3A_243, %dma_start3A_260] : memref<2x10240x128xf32, #tpu.memory_space<hbm>> -> memref<1x128x128xf32, #tpu.memory_space<hbm>>
      %dma_start3A_262 = tpu.memref_squeeze %dma_start3A_261 : memref<1x128x128xf32, #tpu.memory_space<hbm>> -> memref<128x128xf32, #tpu.memory_space<hbm>>
      %dma_start3A_263 = arith.constant 0 : i32
      %dma_start3A_264 = tpu.memref_slice %arg8[%arg0, %add3A_243, %dma_start3A_263] : memref<2x10240x128xf32, #tpu.memory_space<hbm>> -> memref<1x128x128xf32, #tpu.memory_space<hbm>>
      %dma_start3A_265 = tpu.memref_squeeze %dma_start3A_264 : memref<1x128x128xf32, #tpu.memory_space<hbm>> -> memref<128x128xf32, #tpu.memory_space<hbm>>
      tpu.enqueue_dma source(%arg16 : memref<128x128xf32, #tpu.memory_space<vmem>>) target(%dma_start3A_265 : memref<128x128xf32, #tpu.memory_space<hbm>>) target_semaphore(%run_scoped3A : memref<!tpu.dma_semaphore, #tpu.memory_space<semaphore_mem>>)
      %dma_wait3A_266 = arith.constant 0 : i32
      %dma_wait3A_267 = tpu.memref_slice %arg8[%arg0, %add3A_243, %dma_wait3A_266] : memref<2x10240x128xf32, #tpu.memory_space<hbm>> -> memref<1x128x128xf32, #tpu.memory_space<hbm>>
      %dma_wait3A_268 = tpu.memref_squeeze %dma_wait3A_267 : memref<1x128x128xf32, #tpu.memory_space<hbm>> -> memref<128x128xf32, #tpu.memory_space<hbm>>
      %dma_wait3A_269 = arith.constant 0 : i32
      %dma_wait3A_270 = tpu.memref_slice %arg8[%arg0, %add3A_243, %dma_wait3A_269] : memref<2x10240x128xf32, #tpu.memory_space<hbm>> -> memref<1x128x128xf32, #tpu.memory_space<hbm>>
      %dma_wait3A_271 = tpu.memref_squeeze %dma_wait3A_270 : memref<1x128x128xf32, #tpu.memory_space<hbm>> -> memref<128x128xf32, #tpu.memory_space<hbm>>
      tpu.wait_dma2 semaphore(%run_scoped3A : memref<!tpu.dma_semaphore, #tpu.memory_space<semaphore_mem>>) src(%arg16 : memref<128x128xf32, #tpu.memory_space<vmem>>) dst(%dma_wait3A_271 : memref<128x128xf32, #tpu.memory_space<hbm>>)
      tpu.yield
    }) : () -> ()
    %add3A_244 = arith.constant 128 : i32
    %add3A_245 = arith.addi %mul3A_7, %add3A_244 : i32
    "tpu.region"() ({
      %run_scoped3A = tpu.sem_alloc : memref<!tpu.dma_semaphore, #tpu.memory_space<semaphore_mem>>
      %dma_start3A_260 = arith.constant 0 : i32
      %dma_start3A_261 = tpu.memref_slice %arg18[%add3A_245, %dma_start3A_260] : memref<10240x128xf32, #tpu.memory_space<vmem_shared>> -> memref<128x128xf32, #tpu.memory_space<vmem_shared>>
      %dma_start3A_262 = arith.constant 0 : i32
      %dma_start3A_263 = tpu.memref_slice %arg18[%add3A_245, %dma_start3A_262] : memref<10240x128xf32, #tpu.memory_space<vmem_shared>> -> memref<128x128xf32, #tpu.memory_space<vmem_shared>>
      tpu.enqueue_dma source(%dma_start3A_263 : memref<128x128xf32, #tpu.memory_space<vmem_shared>>) target(%arg16 : memref<128x128xf32, #tpu.memory_space<vmem>>) target_semaphore(%run_scoped3A : memref<!tpu.dma_semaphore, #tpu.memory_space<semaphore_mem>>)
      %dma_wait3A_264 = arith.constant 0 : i32
      %dma_wait3A_265 = tpu.memref_slice %arg18[%add3A_245, %dma_wait3A_264] : memref<10240x128xf32, #tpu.memory_space<vmem_shared>> -> memref<128x128xf32, #tpu.memory_space<vmem_shared>>
      %dma_wait3A_266 = arith.constant 0 : i32
      %dma_wait3A_267 = tpu.memref_slice %arg18[%add3A_245, %dma_wait3A_266] : memref<10240x128xf32, #tpu.memory_space<vmem_shared>> -> memref<128x128xf32, #tpu.memory_space<vmem_shared>>
      tpu.wait_dma2 semaphore(%run_scoped3A : memref<!tpu.dma_semaphore, #tpu.memory_space<semaphore_mem>>) src(%dma_wait3A_267 : memref<128x128xf32, #tpu.memory_space<vmem_shared>>) dst(%arg16 : memref<128x128xf32, #tpu.memory_space<vmem>>)
      tpu.yield
    }) : () -> ()
    %add3A_246 = arith.constant 128 : i32
    %add3A_247 = arith.addi %mul3A_7, %add3A_246 : i32
    "tpu.region"() ({
      %run_scoped3A = tpu.sem_alloc : memref<!tpu.dma_semaphore, #tpu.memory_space<semaphore_mem>>
      %dma_start3A_260 = arith.constant 0 : i32
      %dma_start3A_261 = tpu.memref_slice %arg8[%arg0, %add3A_247, %dma_start3A_260] : memref<2x10240x128xf32, #tpu.memory_space<hbm>> -> memref<1x128x128xf32, #tpu.memory_space<hbm>>
      %dma_start3A_262 = tpu.memref_squeeze %dma_start3A_261 : memref<1x128x128xf32, #tpu.memory_space<hbm>> -> memref<128x128xf32, #tpu.memory_space<hbm>>
      %dma_start3A_263 = arith.constant 0 : i32
      %dma_start3A_264 = tpu.memref_slice %arg8[%arg0, %add3A_247, %dma_start3A_263] : memref<2x10240x128xf32, #tpu.memory_space<hbm>> -> memref<1x128x128xf32, #tpu.memory_space<hbm>>
      %dma_start3A_265 = tpu.memref_squeeze %dma_start3A_264 : memref<1x128x128xf32, #tpu.memory_space<hbm>> -> memref<128x128xf32, #tpu.memory_space<hbm>>
      tpu.enqueue_dma source(%arg16 : memref<128x128xf32, #tpu.memory_space<vmem>>) target(%dma_start3A_265 : memref<128x128xf32, #tpu.memory_space<hbm>>) target_semaphore(%run_scoped3A : memref<!tpu.dma_semaphore, #tpu.memory_space<semaphore_mem>>)
      %dma_wait3A_266 = arith.constant 0 : i32
      %dma_wait3A_267 = tpu.memref_slice %arg8[%arg0, %add3A_247, %dma_wait3A_266] : memref<2x10240x128xf32, #tpu.memory_space<hbm>> -> memref<1x128x128xf32, #tpu.memory_space<hbm>>
      %dma_wait3A_268 = tpu.memref_squeeze %dma_wait3A_267 : memref<1x128x128xf32, #tpu.memory_space<hbm>> -> memref<128x128xf32, #tpu.memory_space<hbm>>
      %dma_wait3A_269 = arith.constant 0 : i32
      %dma_wait3A_270 = tpu.memref_slice %arg8[%arg0, %add3A_247, %dma_wait3A_269] : memref<2x10240x128xf32, #tpu.memory_space<hbm>> -> memref<1x128x128xf32, #tpu.memory_space<hbm>>
      %dma_wait3A_271 = tpu.memref_squeeze %dma_wait3A_270 : memref<1x128x128xf32, #tpu.memory_space<hbm>> -> memref<128x128xf32, #tpu.memory_space<hbm>>
      tpu.wait_dma2 semaphore(%run_scoped3A : memref<!tpu.dma_semaphore, #tpu.memory_space<semaphore_mem>>) src(%arg16 : memref<128x128xf32, #tpu.memory_space<vmem>>) dst(%dma_wait3A_271 : memref<128x128xf32, #tpu.memory_space<hbm>>)
      tpu.yield
    }) : () -> ()
    %add3A_248 = arith.constant 256 : i32
    %add3A_249 = arith.addi %mul3A_7, %add3A_248 : i32
    "tpu.region"() ({
      %run_scoped3A = tpu.sem_alloc : memref<!tpu.dma_semaphore, #tpu.memory_space<semaphore_mem>>
      %dma_start3A_260 = arith.constant 0 : i32
      %dma_start3A_261 = tpu.memref_slice %arg18[%add3A_249, %dma_start3A_260] : memref<10240x128xf32, #tpu.memory_space<vmem_shared>> -> memref<128x128xf32, #tpu.memory_space<vmem_shared>>
      %dma_start3A_262 = arith.constant 0 : i32
      %dma_start3A_263 = tpu.memref_slice %arg18[%add3A_249, %dma_start3A_262] : memref<10240x128xf32, #tpu.memory_space<vmem_shared>> -> memref<128x128xf32, #tpu.memory_space<vmem_shared>>
      tpu.enqueue_dma source(%dma_start3A_263 : memref<128x128xf32, #tpu.memory_space<vmem_shared>>) target(%arg16 : memref<128x128xf32, #tpu.memory_space<vmem>>) target_semaphore(%run_scoped3A : memref<!tpu.dma_semaphore, #tpu.memory_space<semaphore_mem>>)
      %dma_wait3A_264 = arith.constant 0 : i32
      %dma_wait3A_265 = tpu.memref_slice %arg18[%add3A_249, %dma_wait3A_264] : memref<10240x128xf32, #tpu.memory_space<vmem_shared>> -> memref<128x128xf32, #tpu.memory_space<vmem_shared>>
      %dma_wait3A_266 = arith.constant 0 : i32
      %dma_wait3A_267 = tpu.memref_slice %arg18[%add3A_249, %dma_wait3A_266] : memref<10240x128xf32, #tpu.memory_space<vmem_shared>> -> memref<128x128xf32, #tpu.memory_space<vmem_shared>>
      tpu.wait_dma2 semaphore(%run_scoped3A : memref<!tpu.dma_semaphore, #tpu.memory_space<semaphore_mem>>) src(%dma_wait3A_267 : memref<128x128xf32, #tpu.memory_space<vmem_shared>>) dst(%arg16 : memref<128x128xf32, #tpu.memory_space<vmem>>)
      tpu.yield
    }) : () -> ()
    %add3A_250 = arith.constant 256 : i32
    %add3A_251 = arith.addi %mul3A_7, %add3A_250 : i32
    "tpu.region"() ({
      %run_scoped3A = tpu.sem_alloc : memref<!tpu.dma_semaphore, #tpu.memory_space<semaphore_mem>>
      %dma_start3A_260 = arith.constant 0 : i32
      %dma_start3A_261 = tpu.memref_slice %arg8[%arg0, %add3A_251, %dma_start3A_260] : memref<2x10240x128xf32, #tpu.memory_space<hbm>> -> memref<1x128x128xf32, #tpu.memory_space<hbm>>
      %dma_start3A_262 = tpu.memref_squeeze %dma_start3A_261 : memref<1x128x128xf32, #tpu.memory_space<hbm>> -> memref<128x128xf32, #tpu.memory_space<hbm>>
      %dma_start3A_263 = arith.constant 0 : i32
      %dma_start3A_264 = tpu.memref_slice %arg8[%arg0, %add3A_251, %dma_start3A_263] : memref<2x10240x128xf32, #tpu.memory_space<hbm>> -> memref<1x128x128xf32, #tpu.memory_space<hbm>>
      %dma_start3A_265 = tpu.memref_squeeze %dma_start3A_264 : memref<1x128x128xf32, #tpu.memory_space<hbm>> -> memref<128x128xf32, #tpu.memory_space<hbm>>
      tpu.enqueue_dma source(%arg16 : memref<128x128xf32, #tpu.memory_space<vmem>>) target(%dma_start3A_265 : memref<128x128xf32, #tpu.memory_space<hbm>>) target_semaphore(%run_scoped3A : memref<!tpu.dma_semaphore, #tpu.memory_space<semaphore_mem>>)
      %dma_wait3A_266 = arith.constant 0 : i32
      %dma_wait3A_267 = tpu.memref_slice %arg8[%arg0, %add3A_251, %dma_wait3A_266] : memref<2x10240x128xf32, #tpu.memory_space<hbm>> -> memref<1x128x128xf32, #tpu.memory_space<hbm>>
      %dma_wait3A_268 = tpu.memref_squeeze %dma_wait3A_267 : memref<1x128x128xf32, #tpu.memory_space<hbm>> -> memref<128x128xf32, #tpu.memory_space<hbm>>
      %dma_wait3A_269 = arith.constant 0 : i32
      %dma_wait3A_270 = tpu.memref_slice %arg8[%arg0, %add3A_251, %dma_wait3A_269] : memref<2x10240x128xf32, #tpu.memory_space<hbm>> -> memref<1x128x128xf32, #tpu.memory_space<hbm>>
      %dma_wait3A_271 = tpu.memref_squeeze %dma_wait3A_270 : memref<1x128x128xf32, #tpu.memory_space<hbm>> -> memref<128x128xf32, #tpu.memory_space<hbm>>
      tpu.wait_dma2 semaphore(%run_scoped3A : memref<!tpu.dma_semaphore, #tpu.memory_space<semaphore_mem>>) src(%arg16 : memref<128x128xf32, #tpu.memory_space<vmem>>) dst(%dma_wait3A_271 : memref<128x128xf32, #tpu.memory_space<hbm>>)
      tpu.yield
    }) : () -> ()
    %add3A_252 = arith.constant 384 : i32
    %add3A_253 = arith.addi %mul3A_7, %add3A_252 : i32
    "tpu.region"() ({
      %run_scoped3A = tpu.sem_alloc : memref<!tpu.dma_semaphore, #tpu.memory_space<semaphore_mem>>
      %dma_start3A_260 = arith.constant 0 : i32
      %dma_start3A_261 = tpu.memref_slice %arg18[%add3A_253, %dma_start3A_260] : memref<10240x128xf32, #tpu.memory_space<vmem_shared>> -> memref<128x128xf32, #tpu.memory_space<vmem_shared>>
      %dma_start3A_262 = arith.constant 0 : i32
      %dma_start3A_263 = tpu.memref_slice %arg18[%add3A_253, %dma_start3A_262] : memref<10240x128xf32, #tpu.memory_space<vmem_shared>> -> memref<128x128xf32, #tpu.memory_space<vmem_shared>>
      tpu.enqueue_dma source(%dma_start3A_263 : memref<128x128xf32, #tpu.memory_space<vmem_shared>>) target(%arg16 : memref<128x128xf32, #tpu.memory_space<vmem>>) target_semaphore(%run_scoped3A : memref<!tpu.dma_semaphore, #tpu.memory_space<semaphore_mem>>)
      %dma_wait3A_264 = arith.constant 0 : i32
      %dma_wait3A_265 = tpu.memref_slice %arg18[%add3A_253, %dma_wait3A_264] : memref<10240x128xf32, #tpu.memory_space<vmem_shared>> -> memref<128x128xf32, #tpu.memory_space<vmem_shared>>
      %dma_wait3A_266 = arith.constant 0 : i32
      %dma_wait3A_267 = tpu.memref_slice %arg18[%add3A_253, %dma_wait3A_266] : memref<10240x128xf32, #tpu.memory_space<vmem_shared>> -> memref<128x128xf32, #tpu.memory_space<vmem_shared>>
      tpu.wait_dma2 semaphore(%run_scoped3A : memref<!tpu.dma_semaphore, #tpu.memory_space<semaphore_mem>>) src(%dma_wait3A_267 : memref<128x128xf32, #tpu.memory_space<vmem_shared>>) dst(%arg16 : memref<128x128xf32, #tpu.memory_space<vmem>>)
      tpu.yield
    }) : () -> ()
    %add3A_254 = arith.constant 384 : i32
    %add3A_255 = arith.addi %mul3A_7, %add3A_254 : i32
    "tpu.region"() ({
      %run_scoped3A = tpu.sem_alloc : memref<!tpu.dma_semaphore, #tpu.memory_space<semaphore_mem>>
      %dma_start3A_260 = arith.constant 0 : i32
      %dma_start3A_261 = tpu.memref_slice %arg8[%arg0, %add3A_255, %dma_start3A_260] : memref<2x10240x128xf32, #tpu.memory_space<hbm>> -> memref<1x128x128xf32, #tpu.memory_space<hbm>>
      %dma_start3A_262 = tpu.memref_squeeze %dma_start3A_261 : memref<1x128x128xf32, #tpu.memory_space<hbm>> -> memref<128x128xf32, #tpu.memory_space<hbm>>
      %dma_start3A_263 = arith.constant 0 : i32
      %dma_start3A_264 = tpu.memref_slice %arg8[%arg0, %add3A_255, %dma_start3A_263] : memref<2x10240x128xf32, #tpu.memory_space<hbm>> -> memref<1x128x128xf32, #tpu.memory_space<hbm>>
      %dma_start3A_265 = tpu.memref_squeeze %dma_start3A_264 : memref<1x128x128xf32, #tpu.memory_space<hbm>> -> memref<128x128xf32, #tpu.memory_space<hbm>>
      tpu.enqueue_dma source(%arg16 : memref<128x128xf32, #tpu.memory_space<vmem>>) target(%dma_start3A_265 : memref<128x128xf32, #tpu.memory_space<hbm>>) target_semaphore(%run_scoped3A : memref<!tpu.dma_semaphore, #tpu.memory_space<semaphore_mem>>)
      %dma_wait3A_266 = arith.constant 0 : i32
      %dma_wait3A_267 = tpu.memref_slice %arg8[%arg0, %add3A_255, %dma_wait3A_266] : memref<2x10240x128xf32, #tpu.memory_space<hbm>> -> memref<1x128x128xf32, #tpu.memory_space<hbm>>
      %dma_wait3A_268 = tpu.memref_squeeze %dma_wait3A_267 : memref<1x128x128xf32, #tpu.memory_space<hbm>> -> memref<128x128xf32, #tpu.memory_space<hbm>>
      %dma_wait3A_269 = arith.constant 0 : i32
      %dma_wait3A_270 = tpu.memref_slice %arg8[%arg0, %add3A_255, %dma_wait3A_269] : memref<2x10240x128xf32, #tpu.memory_space<hbm>> -> memref<1x128x128xf32, #tpu.memory_space<hbm>>
      %dma_wait3A_271 = tpu.memref_squeeze %dma_wait3A_270 : memref<1x128x128xf32, #tpu.memory_space<hbm>> -> memref<128x128xf32, #tpu.memory_space<hbm>>
      tpu.wait_dma2 semaphore(%run_scoped3A : memref<!tpu.dma_semaphore, #tpu.memory_space<semaphore_mem>>) src(%arg16 : memref<128x128xf32, #tpu.memory_space<vmem>>) dst(%dma_wait3A_271 : memref<128x128xf32, #tpu.memory_space<hbm>>)
      tpu.yield
    }) : () -> ()
    %add3A_256 = arith.constant 512 : i32
    %add3A_257 = arith.addi %mul3A_7, %add3A_256 : i32
    "tpu.region"() ({
      %run_scoped3A = tpu.sem_alloc : memref<!tpu.dma_semaphore, #tpu.memory_space<semaphore_mem>>
      %dma_start3A_260 = arith.constant 0 : i32
      %dma_start3A_261 = tpu.memref_slice %arg18[%add3A_257, %dma_start3A_260] : memref<10240x128xf32, #tpu.memory_space<vmem_shared>> -> memref<128x128xf32, #tpu.memory_space<vmem_shared>>
      %dma_start3A_262 = arith.constant 0 : i32
      %dma_start3A_263 = tpu.memref_slice %arg18[%add3A_257, %dma_start3A_262] : memref<10240x128xf32, #tpu.memory_space<vmem_shared>> -> memref<128x128xf32, #tpu.memory_space<vmem_shared>>
      tpu.enqueue_dma source(%dma_start3A_263 : memref<128x128xf32, #tpu.memory_space<vmem_shared>>) target(%arg16 : memref<128x128xf32, #tpu.memory_space<vmem>>) target_semaphore(%run_scoped3A : memref<!tpu.dma_semaphore, #tpu.memory_space<semaphore_mem>>)
      %dma_wait3A_264 = arith.constant 0 : i32
      %dma_wait3A_265 = tpu.memref_slice %arg18[%add3A_257, %dma_wait3A_264] : memref<10240x128xf32, #tpu.memory_space<vmem_shared>> -> memref<128x128xf32, #tpu.memory_space<vmem_shared>>
      %dma_wait3A_266 = arith.constant 0 : i32
      %dma_wait3A_267 = tpu.memref_slice %arg18[%add3A_257, %dma_wait3A_266] : memref<10240x128xf32, #tpu.memory_space<vmem_shared>> -> memref<128x128xf32, #tpu.memory_space<vmem_shared>>
      tpu.wait_dma2 semaphore(%run_scoped3A : memref<!tpu.dma_semaphore, #tpu.memory_space<semaphore_mem>>) src(%dma_wait3A_267 : memref<128x128xf32, #tpu.memory_space<vmem_shared>>) dst(%arg16 : memref<128x128xf32, #tpu.memory_space<vmem>>)
      tpu.yield
    }) : () -> ()
    %add3A_258 = arith.constant 512 : i32
    %add3A_259 = arith.addi %mul3A_7, %add3A_258 : i32
    "tpu.region"() ({
      %run_scoped3A = tpu.sem_alloc : memref<!tpu.dma_semaphore, #tpu.memory_space<semaphore_mem>>
      %dma_start3A_260 = arith.constant 0 : i32
      %dma_start3A_261 = tpu.memref_slice %arg8[%arg0, %add3A_259, %dma_start3A_260] : memref<2x10240x128xf32, #tpu.memory_space<hbm>> -> memref<1x128x128xf32, #tpu.memory_space<hbm>>
      %dma_start3A_262 = tpu.memref_squeeze %dma_start3A_261 : memref<1x128x128xf32, #tpu.memory_space<hbm>> -> memref<128x128xf32, #tpu.memory_space<hbm>>
      %dma_start3A_263 = arith.constant 0 : i32
      %dma_start3A_264 = tpu.memref_slice %arg8[%arg0, %add3A_259, %dma_start3A_263] : memref<2x10240x128xf32, #tpu.memory_space<hbm>> -> memref<1x128x128xf32, #tpu.memory_space<hbm>>
      %dma_start3A_265 = tpu.memref_squeeze %dma_start3A_264 : memref<1x128x128xf32, #tpu.memory_space<hbm>> -> memref<128x128xf32, #tpu.memory_space<hbm>>
      tpu.enqueue_dma source(%arg16 : memref<128x128xf32, #tpu.memory_space<vmem>>) target(%dma_start3A_265 : memref<128x128xf32, #tpu.memory_space<hbm>>) target_semaphore(%run_scoped3A : memref<!tpu.dma_semaphore, #tpu.memory_space<semaphore_mem>>)
      %dma_wait3A_266 = arith.constant 0 : i32
      %dma_wait3A_267 = tpu.memref_slice %arg8[%arg0, %add3A_259, %dma_wait3A_266] : memref<2x10240x128xf32, #tpu.memory_space<hbm>> -> memref<1x128x128xf32, #tpu.memory_space<hbm>>
      %dma_wait3A_268 = tpu.memref_squeeze %dma_wait3A_267 : memref<1x128x128xf32, #tpu.memory_space<hbm>> -> memref<128x128xf32, #tpu.memory_space<hbm>>
      %dma_wait3A_269 = arith.constant 0 : i32
      %dma_wait3A_270 = tpu.memref_slice %arg8[%arg0, %add3A_259, %dma_wait3A_269] : memref<2x10240x128xf32, #tpu.memory_space<hbm>> -> memref<1x128x128xf32, #tpu.memory_space<hbm>>
      %dma_wait3A_271 = tpu.memref_squeeze %dma_wait3A_270 : memref<1x128x128xf32, #tpu.memory_space<hbm>> -> memref<128x128xf32, #tpu.memory_space<hbm>>
      tpu.wait_dma2 semaphore(%run_scoped3A : memref<!tpu.dma_semaphore, #tpu.memory_space<semaphore_mem>>) src(%arg16 : memref<128x128xf32, #tpu.memory_space<vmem>>) dst(%dma_wait3A_271 : memref<128x128xf32, #tpu.memory_space<hbm>>)
      tpu.yield
    }) : () -> ()
    "tpu.trace_stop"() : () -> ()
    return
  }
}

module attributes {stable_mosaic.version = 14 : i64} {
  func.func @_tc_dense(%arg0: memref<10240x128xf32, #tpu.memory_space<vmem>>, %arg1: memref<10240x128xf32, #tpu.memory_space<vmem>>, %arg2: memref<10240x128xf32, #tpu.memory_space<vmem>>, %arg3: memref<10240x1xf32, #tpu.memory_space<vmem>>, %arg4: memref<128x128xf32, #tpu.memory_space<vmem>>, %arg5: memref<128x128xf32, #tpu.memory_space<vmem>>, %arg6: memref<1x128xf32, #tpu.memory_space<vmem>>, %arg7: memref<128x128xf32, #tpu.memory_space<vmem>>, %arg8: memref<128x128xf32, #tpu.memory_space<vmem>>, %arg9: memref<1x128xf32, #tpu.memory_space<vmem>>, %arg10: memref<10240x10xf32, #tpu.memory_space<vmem>>, %arg11: memref<1x1xf32, #tpu.memory_space<vmem>>) attributes {dimension_semantics = [], scalar_prefetch = 0 : i64, scratch_operands = 0 : i64, tpu.core_type = #tpu.core_type<tc>} {
    %get3A = arith.constant 0 : index
    %get3A_0 = arith.constant 0 : index
    %get3A_1 = vector.load %arg0[%get3A, %get3A_0] : memref<10240x128xf32, #tpu.memory_space<vmem>>, vector<10240x128xf32>
    %get3A_2 = arith.constant 0 : index
    %get3A_3 = arith.constant 0 : index
    %get3A_4 = vector.load %arg1[%get3A_2, %get3A_3] : memref<10240x128xf32, #tpu.memory_space<vmem>>, vector<10240x128xf32>
    %get3A_5 = arith.constant 0 : index
    %get3A_6 = arith.constant 0 : index
    %get3A_7 = vector.load %arg2[%get3A_5, %get3A_6] : memref<10240x128xf32, #tpu.memory_space<vmem>>, vector<10240x128xf32>
    %add3A = arith.addf %get3A_4, %get3A_7 : vector<10240x128xf32>
    %get3A_8 = arith.constant 0 : index
    %get3A_9 = arith.constant 0 : index
    %get3A_10 = vector.load %arg4[%get3A_8, %get3A_9] : memref<128x128xf32, #tpu.memory_space<vmem>>, vector<128x128xf32>
    %dot_general3A = arith.constant dense<0.000000e+00> : vector<10240x128xf32>
    %dot_general3A_11 = tpu.matmul %get3A_1, %get3A_10, %dot_general3A {dimension_numbers = #tpu.dot_dimension_numbers<[1], [0], [0], [1], [0, 0, 1, 1], [], []>, transpose_lhs_hint = false} : vector<10240x128xf32>, vector<128x128xf32>, vector<10240x128xf32> -> vector<10240x128xf32>
    %get3A_12 = arith.constant 0 : index
    %get3A_13 = arith.constant 0 : index
    %get3A_14 = vector.load %arg5[%get3A_12, %get3A_13] : memref<128x128xf32, #tpu.memory_space<vmem>>, vector<128x128xf32>
    %dot_general3A_15 = arith.constant dense<0.000000e+00> : vector<10240x128xf32>
    %dot_general3A_16 = tpu.matmul %add3A, %get3A_14, %dot_general3A_15 {dimension_numbers = #tpu.dot_dimension_numbers<[1], [0], [0], [1], [0, 0, 1, 1], [], []>, transpose_lhs_hint = false} : vector<10240x128xf32>, vector<128x128xf32>, vector<10240x128xf32> -> vector<10240x128xf32>
    %add3A_17 = arith.addf %dot_general3A_11, %dot_general3A_16 : vector<10240x128xf32>
    %get3A_18 = arith.constant 0 : index
    %get3A_19 = arith.constant 0 : index
    %get3A_20 = vector.load %arg6[%get3A_18, %get3A_19] : memref<1x128xf32, #tpu.memory_space<vmem>>, vector<1x128xf32>
    %add3A_21 = vector.broadcast %get3A_20 : vector<1x128xf32> to vector<10240x128xf32>
    %add3A_22 = arith.addf %add3A_17, %add3A_21 : vector<10240x128xf32>
    %max3A = arith.constant 0.000000e+00 : f32
    %max3A_23 = vector.broadcast %max3A : f32 to vector<10240x128xf32>
    %max3A_24 = arith.maximumf %add3A_22, %max3A_23 : vector<10240x128xf32>
    %get3A_25 = arith.constant 0 : index
    %get3A_26 = arith.constant 0 : index
    %get3A_27 = vector.load %arg7[%get3A_25, %get3A_26] : memref<128x128xf32, #tpu.memory_space<vmem>>, vector<128x128xf32>
    %dot_general3A_28 = arith.constant dense<0.000000e+00> : vector<10240x128xf32>
    %dot_general3A_29 = tpu.matmul %get3A_1, %get3A_27, %dot_general3A_28 {dimension_numbers = #tpu.dot_dimension_numbers<[1], [0], [0], [1], [0, 0, 1, 1], [], []>, transpose_lhs_hint = false} : vector<10240x128xf32>, vector<128x128xf32>, vector<10240x128xf32> -> vector<10240x128xf32>
    %get3A_30 = arith.constant 0 : index
    %get3A_31 = arith.constant 0 : index
    %get3A_32 = vector.load %arg8[%get3A_30, %get3A_31] : memref<128x128xf32, #tpu.memory_space<vmem>>, vector<128x128xf32>
    %dot_general3A_33 = arith.constant dense<0.000000e+00> : vector<10240x128xf32>
    %dot_general3A_34 = tpu.matmul %max3A_24, %get3A_32, %dot_general3A_33 {dimension_numbers = #tpu.dot_dimension_numbers<[1], [0], [0], [1], [0, 0, 1, 1], [], []>, transpose_lhs_hint = false} : vector<10240x128xf32>, vector<128x128xf32>, vector<10240x128xf32> -> vector<10240x128xf32>
    %add3A_35 = arith.addf %dot_general3A_29, %dot_general3A_34 : vector<10240x128xf32>
    %get3A_36 = arith.constant 0 : index
    %get3A_37 = arith.constant 0 : index
    %get3A_38 = vector.load %arg9[%get3A_36, %get3A_37] : memref<1x128xf32, #tpu.memory_space<vmem>>, vector<1x128xf32>
    %add3A_39 = vector.broadcast %get3A_38 : vector<1x128xf32> to vector<10240x128xf32>
    %add3A_40 = arith.addf %add3A_35, %add3A_39 : vector<10240x128xf32>
    %slice3A = vector.extract_strided_slice %add3A_40 {offsets = [0, 0], sizes = [10240, 10], strides = [1, 1]} : vector<10240x128xf32> to vector<10240x10xf32>
    %swap3A = arith.constant 0 : index
    %swap3A_41 = arith.constant 0 : index
    %swap3A_42 = vector.load %arg10[%swap3A, %swap3A_41] : memref<10240x10xf32, #tpu.memory_space<vmem>>, vector<10240x10xf32>
    tpu.vector_store %arg10[%swap3A, %swap3A_41], %slice3A {strides = array<i32>} : memref<10240x10xf32, #tpu.memory_space<vmem>>, vector<10240x10xf32>,
    %reduce_max3A = arith.constant dense<0xFF800000> : vector<10240xf32>
    %reduce_max3A_43 = vector.multi_reduction <maximumf>, %add3A_40, %reduce_max3A [1] : vector<10240x128xf32> to vector<10240xf32>
    %broadcast_in_dim3A = vector.shape_cast %reduce_max3A_43 : vector<10240xf32> to vector<10240x1xf32>
    %sub3A = vector.broadcast %broadcast_in_dim3A : vector<10240x1xf32> to vector<10240x128xf32>
    %sub3A_44 = arith.subf %add3A_40, %sub3A : vector<10240x128xf32>
    %exp3A = math.exp %sub3A_44 : vector<10240x128xf32>
    %reduce_sum3A = arith.constant dense<0.000000e+00> : vector<10240xf32>
    %reduce_sum3A_45 = vector.multi_reduction <add>, %exp3A, %reduce_sum3A [1] : vector<10240x128xf32> to vector<10240xf32>
    %broadcast_in_dim3A_46 = vector.shape_cast %reduce_sum3A_45 : vector<10240xf32> to vector<10240x1xf32>
    %log3A = math.log %broadcast_in_dim3A_46 : vector<10240x1xf32>
    %add3A_47 = arith.addf %broadcast_in_dim3A, %log3A : vector<10240x1xf32>
    %iota3A = tpu.iota {dimensions = array<i32: 1>} : vector<10240x128xi32>
    %convert_element_type3A = arith.sitofp %iota3A : vector<10240x128xi32> to vector<10240x128xf32>
    %get3A_48 = arith.constant 0 : index
    %get3A_49 = arith.constant 0 : index
    %get3A_50 = vector.load %arg3[%get3A_48, %get3A_49] : memref<10240x1xf32, #tpu.memory_space<vmem>>, vector<10240x1xf32>
    %eq3A = vector.broadcast %get3A_50 : vector<10240x1xf32> to vector<10240x128xf32>
    %eq3A_51 = arith.cmpf oeq, %convert_element_type3A, %eq3A : vector<10240x128xf32>
    %jit3A = arith.constant 0.000000e+00 : f32
    %broadcast_in_dim3A_52 = vector.broadcast %jit3A : f32 to vector<10240x128xf32>
    %select_n3A = arith.select %eq3A_51, %add3A_40, %broadcast_in_dim3A_52 : vector<10240x128xi1>, vector<10240x128xf32>
    %reduce_sum3A_53 = arith.constant dense<0.000000e+00> : vector<10240xf32>
    %reduce_sum3A_54 = vector.multi_reduction <add>, %select_n3A, %reduce_sum3A_53 [1] : vector<10240x128xf32> to vector<10240xf32>
    %broadcast_in_dim3A_55 = vector.shape_cast %reduce_sum3A_54 : vector<10240xf32> to vector<10240x1xf32>
    %iota3A_56 = tpu.iota {dimensions = array<i32: 0>} : vector<10240x1xi32>
    %lt3A = arith.constant 10000 : i32
    %lt3A_57 = vector.broadcast %lt3A : i32 to vector<10240x1xi32>
    %lt3A_58 = arith.cmpi slt, %iota3A_56, %lt3A_57 : vector<10240x1xi32>
    %sub3A_59 = arith.subf %add3A_47, %broadcast_in_dim3A_55 : vector<10240x1xf32>
    %jit3A_60 = arith.constant 0.000000e+00 : f32
    %broadcast_in_dim3A_61 = vector.broadcast %jit3A_60 : f32 to vector<10240x1xf32>
    %select_n3A_62 = arith.select %lt3A_58, %sub3A_59, %broadcast_in_dim3A_61 : vector<10240x1xi1>, vector<10240x1xf32>
    %reduce_sum3A_63 = vector.shape_cast %select_n3A_62 : vector<10240x1xf32> to vector<1x10240x1xf32>
    %reduce_sum3A_64 = arith.constant dense<0.000000e+00> : vector<1xf32>
    %reduce_sum3A_65 = vector.multi_reduction <add>, %reduce_sum3A_63, %reduce_sum3A_64 [1, 2] : vector<1x10240x1xf32> to vector<1xf32>
    %reduce_sum3A_66 = vector.shape_cast %reduce_sum3A_65 : vector<1xf32> to vector<1x1x1xf32>
    %reduce_sum3A_67 = vector.extract %reduce_sum3A_66[0, 0, 0] : f32 from vector<1x1x1xf32>
    %mul3A = arith.constant 9.99999974E-5 : f32
    %mul3A_68 = arith.mulf %reduce_sum3A_67, %mul3A : f32
    %reshape3A = vector.broadcast %mul3A_68 : f32 to vector<1x1xf32>
    %swap3A_69 = arith.constant 0 : index
    %swap3A_70 = arith.constant 0 : index
    %swap3A_71 = vector.load %arg11[%swap3A_69, %swap3A_70] : memref<1x1xf32, #tpu.memory_space<vmem>>, vector<1x1xf32>
    tpu.vector_store %arg11[%swap3A_69, %swap3A_70], %reshape3A {strides = array<i32>} : memref<1x1xf32, #tpu.memory_space<vmem>>, vector<1x1xf32>,
    return
  }
}

</mosaic_0001>

<sc_bundles>
// kernel: kernel.4.cloned.1.call-start
scs
__scs_entry_jumppad:
0x0: {  	(pc) =	sbr.rel $0x88, $3  }
0x1: {  	(tag) =	ssettag $0x0;
	lr =	simm.s32 $0x1  }
0x2: {  	[smem:$0x3F98] =	sst lr;
	_ =	strace $0xD0000000  }
0x3: {  	_ = 	snop  }
0x4: {  	_ = 	snop  }
0x5: {  	_ = 	snop  }
0x6: {  	_ = 	snop  }
0x7: {  	_ = 	snop  }
__scs_overlays_trampoline_lowered:
0x8: {  	[smem:$0x3FA7] =	sst s0  }
0x9: {  	[smem:$0x3FA8] =	sst s1  }
0xa: {  	[smem:$0x3FA9] =	sst s2  }
0xb: {  	[smem:$0x3FAA] =	sst s3  }
0xc: {  	[smem:$0x3FAB] =	sst s4  }
0xd: {  	[smem:$0x3FAC] =	sst s5  }
0xe: {  	[smem:$0x3FAD] =	sst s6  }
0xf: {  	[smem:$0x3FAE] =	sst s7  }
0x10: {  	[smem:$0x3FAF] =	sst s8  }
0x11: {  	[smem:$0x3FB0] =	sst s9;
	s0 =	simm.s32 @!p0 $0x0  }
0x12: {  	s1 =	sld [smem:$0x3F96];
	s0 =	simm.s32 @p0 $0x1  }
0x13: {  	[smem:$0x3FB1] =	sst s0;
	s0 =	simm.s32 @!p1 $0x0  }
0x14: {  	s2 =	sld [smem:$0x3F95];
	s0 =	simm.s32 @p1 $0x1  }
0x15: {  	[smem:$0x3FB2] =	sst s0;
	s0 =	simm.s32 @!p2 $0x0  }
0x16: {  	s3 =	sld [smem:$0x3FDB];
	s0 =	simm.s32 @p2 $0x1  }
0x17: {  	s4 =	simm.s32 $0x1BF5;
	[smem:$0x3FB4] =	sst s0  }
0x18: {  	s0 =	sld [smem:$0x3F97];
	_ =	swait.ge [sflag:s4], $0x0  }
0x19: {  	s7 =	sld [smem:$0x3F98]  }
0x1a: {  	s8 =	sadd.s32 $0xFFFFE003, lr  }
0x1b: {  	s9 =	sadd.s32 $0xFFFFFEF7, lr;
	s5 =	simm.s32 $0xFFFFFFFF;
	p2 =	slt.u32 s8, $0xFFFFF086  }
0x1c: {  	p1 =	slt.u32 s9, $0xF7A;
	s5 =	simm.s32 @!p2 $0x0  }
0x1d: {  	s5 =	simm.s32 @p1 $0x1;
	p0 =	seq.s32 s7, s2  }
0x1e: {  	s7 =	smul.u32 @!p0 $0xF7A, s2;
	p2 =	seq.s32 @!p0 s5, $0x0  }
0x1f: {  	s9 =	smul.u32 $0xF7A, s1;
	s8 =	simm.s32 @!p0 $0x1BF5;
	p2 =	por !p2, p0  }
0x20: {  	[sflag:s8] =	ssyncset.s32 @!p0 $0xFFFFF086;
	s6 =	sadd.s32 @!p0 s3, s7;
	s7 =	simm.s32 @!p0 $0x108  }
0x21: {  	s3 =	sadd.s32 s3, s9;
	s6 =	sadd.s32 @!p0 $0x88, s6;
	s7 =	simm.s32 @p2 $0x1082  }
0x22: {  	[simem:s7], [sflag:s8] =	dma.local @!p0 [hbm:s6], $0xF7A  }
0x23: {  	s9 =	sor.u32 $0xD0000000, s2;
	s6 =	simm.s32 $0x108;
	_ =	swait.ge @!p0 [sflag:s8], $0x0  }
0x24: {  	s3 =	sadd.s32 $0x88, s3;
	s6 =	simm.s32 @!p1 $0x1082;
	[sflag:s4] =	ssyncset.s32 $0xFFFFF086  }
0x25: {  	[simem:s6], [sflag:s4] =	dma.local [hbm:s3], $0xF7A  }
0x26: {  	[smem:$0x3F98] =	sst s1;
	(tag) =	ssettag s2;
	_ =	strace s9  }
0x27: {  	s1 =	sld [smem:$0x3FA8]  }
0x28: {  	s2 =	sld [smem:$0x3FA9]  }
0x29: {  	s4 =	sld [smem:$0x3FAB]  }
0x2a: {  	p0 =	seq.s32 s5, $0x0;
	s5 =	sld [smem:$0x3FAC]  }
0x2b: {  	s6 =	sld [smem:$0x3FAD]  }
0x2c: {  	s7 =	sld [smem:$0x3FAE]  }
0x2d: {  	s3 =	simm.s32 $0x108;
	s8 =	sld [smem:$0x3FAF]  }
0x2e: {  	s3 =	simm.s32 @!p0 $0x1082;
	s9 =	sld [smem:$0x3FB0]  }
0x2f: {  	lr =	sadd.s32 s0, s3;
	s0 =	sld [smem:$0x3FA7]  }
0x30: {  	s3 =	sld [smem:$0x3FAA]  }
0x31: {  	[smem:$0x3FB3] =	sst s10  }
0x32: {  	s10 =	sld [smem:$0x3FB1];
	_ =	sdelay $0x3  }
0x33: {  	p0 =	seq.s32 s10, $0x1;
	s10 =	sld [smem:$0x3FB3];
	_ =	sdelay $0x3  }
0x34: {  	[smem:$0x3FB3] =	sst s10  }
0x35: {  	s10 =	sld [smem:$0x3FB2];
	_ =	sdelay $0x3  }
0x36: {  	p1 =	seq.s32 s10, $0x1;
	s10 =	sld [smem:$0x3FB3];
	_ =	sdelay $0x3  }
0x37: {  	[smem:$0x3FB3] =	sst s10  }
0x38: {  	s10 =	sld [smem:$0x3FB4]  }
0x39: {  	_ = 	snop;
	(pc) =	sbr.ind lr, $3  }
0x3a: {  	_ = 	snop  }
0x3b: {  	_ = 	snop  }
0x3c: {  	p2 =	seq.s32 s10, $0x1;
	s10 =	sld [smem:$0x3FB3]  }
0x3d: {  	_ =	shalt  }
0x3e: {  	_ =	shalt  }
0x3f: {  	_ =	shalt  }
0x40: {  	_ =	shalt  }
0x41: {  	_ =	shalt  }
0x42: {  	_ =	shalt  }
0x43: {  	_ =	shalt  }
0x44: {  	_ =	shalt  }
0x45: {  	_ =	shalt  }
0x46: {  	_ =	shalt  }
0x47: {  	_ =	shalt  }
0x48: {  	_ =	shalt  }
0x49: {  	_ =	shalt  }
0x4a: {  	_ =	shalt  }
0x4b: {  	_ =	shalt  }
0x4c: {  	_ =	shalt  }
0x4d: {  	_ =	shalt  }
0x4e: {  	_ =	shalt  }
0x4f: {  	_ =	shalt  }
0x50: {  	_ =	shalt  }
0x51: {  	_ =	shalt  }
0x52: {  	_ =	shalt  }
0x53: {  	_ =	shalt  }
0x54: {  	_ =	shalt  }
0x55: {  	_ =	shalt  }
0x56: {  	_ =	shalt  }
0x57: {  	_ =	shalt  }
0x58: {  	_ =	shalt  }
0x59: {  	_ =	shalt  }
0x5a: {  	_ =	shalt  }
0x5b: {  	_ =	shalt  }
0x5c: {  	_ =	shalt  }
0x5d: {  	_ =	shalt  }
0x5e: {  	_ =	shalt  }
0x5f: {  	_ =	shalt  }
0x60: {  	_ =	shalt  }
0x61: {  	_ =	shalt  }
0x62: {  	_ =	shalt  }
0x63: {  	_ =	shalt  }
0x64: {  	_ =	shalt  }
0x65: {  	_ =	shalt  }
0x66: {  	_ =	shalt  }
0x67: {  	_ =	shalt  }
0x68: {  	_ =	shalt  }
0x69: {  	_ =	shalt  }
0x6a: {  	_ =	shalt  }
0x6b: {  	_ =	shalt  }
0x6c: {  	_ =	shalt  }
0x6d: {  	_ =	shalt  }
0x6e: {  	_ =	shalt  }
0x6f: {  	_ =	shalt  }
0x70: {  	_ =	shalt  }
0x71: {  	_ =	shalt  }
0x72: {  	_ =	shalt  }
0x73: {  	_ =	shalt  }
0x74: {  	_ =	shalt  }
0x75: {  	_ =	shalt  }
0x76: {  	_ =	shalt  }
0x77: {  	_ =	shalt  }
0x78: {  	_ =	shalt  }
0x79: {  	_ =	shalt  }
0x7a: {  	_ =	shalt  }
0x7b: {  	_ =	shalt  }
0x7c: {  	_ =	shalt  }
0x7d: {  	_ =	shalt  }
0x7e: {  	_ =	shalt  }
0x7f: {  	_ =	shalt  }
0x80: {  	_ =	shalt  }
0x81: {  	_ =	shalt  }
0x82: {  	_ =	shalt  }
0x83: {  	_ =	shalt  }
0x84: {  	_ =	shalt  }
0x85: {  	_ =	shalt  }
0x86: {  	_ =	shalt  }
0x87: {  	_ =	shalt  }
.Lfunc_end0:
.L_simem_size_0:
called_computation_lowered:
.L_overlay_start_0:
0x88: {  	s2 =	sld [smem:$0x3FD9]  }
0x89: {  	s3 =	sld [smem:$0x3FFE];
	_ =	sdelay $0x1  }
0x8a: {  	s1 =	srdreg.scid  }
0x8b: {  	s0 =	sand.u32 $0x1, s1  }
0x8c: {  	s14 =	sshll.u32 s0, $0xA;
	s2 =	sadd.s32 s3, s2  }
0x8d: {  	s2 =	sadd.s32 s2, s14  }
0x8e: {  	[smem:$0x3FBF] =	sst s2  }
0x8f: {  	_ = 	snop  }
0x90: {  	s2 =	sld [smem:$0x3FD0];
	_ =	sdelay $0x2  }
0x91: {  	s4 =	simm.s32 $0xA;
	s5 =	simm.s32 $0x10;
	s15 =	sld [smem:$0x3FC6]  }
0x92: {  	[smem:s5], [sflag:s4] =	dma.local [hbm:s2], $0x1  }
0x93: {  	_ =	swait.eq [sflag:s4], $0x1  }
0x94: {  	[sflag:s4] =	ssyncset.done $0x0  }
0x95: {  	[sflag:s4] =	ssyncadd.s32 $0xFFFFFFFF  }
0x96: {  	s16 =	sld [smem:$0x10];
	(tm) =	ssettm $0x1  }
0x97: {  	s17 =	sld [smem:$0x3FFB];
	_ =	sdelay $0x3  }
0x98: {  	_ =	strace s17  }
0x99: {  	s4 =	sld [smem:$0x3FFC];
	_ =	sdelay $0x3  }
0x9a: {  	_ =	strace s4  }
0x9b: {  	s4 =	sld [smem:$0x3FFD];
	_ =	sdelay $0x3  }
0x9c: {  	_ =	strace s4  }
0x9d: {  	_ =	strace $0x8FFFFFFF  }
0x9e: {  	s18 =	sld [smem:$0x3FDB];
	_ =	sdelay $0x1  }
0x9f: {  	s19 =	simm.s32 $_scs_section_size  }
0xa0: {  	s6 =	simm.s32 $_size__tile_overlayer_lowered;
	s7 =	simm.s32 $_tile_overlayer_lowered  }
0xa1: {  	s22 =	simm.s32 $0x1BFF;
	s21 =	sshll.u32 s7, $0x1;
	s4 =	sadd.s32 s19, s18  }
0xa2: {  	s8 =	simm.s32 $0x0;
	s20 =	sshll.u32 s6, $0x1;
	s6 =	sadd.s32 s21, s4  }
0xa3: {  	[timem:s8], [sflag:s22] =	dma.local [hbm:s6], s20  }
0xa4: {  	_ =	swait.ge [sflag:s22], s20  }
0xa5: {  	s5 =	ssub.s32 $0x0, s20;
	[sflag:s22] =	ssyncset.done $0x0  }
0xa6: {  	[sflag:s22] =	ssyncadd.s32 s5;
	_ =	sdelay $0x1  }
0xa7: {  	s23 =	simm.s32 $0x1B8B  }
0xa8: {  	_ =	swait.ge [sflag:s23], $0x1  }
0xa9: {  	[sflag:s23] =	ssyncset.done $0x0  }
0xaa: {  	s25 =	simm.s32 $0x1B8E;
	s24 =	sld [smem:$0x3FFE];
	[sflag:s23] =	ssyncadd.s32 $0xFFFFFFFF  }
0xab: {  	s26 =	simm.s32 $execute0_lowered;
	[smem:$0x3FD2] =	sst s25  }
0xac: {  	s6 =	sshll.u32 s26, $0x1;
	_ =	strace $0x80000046;
	[dreg:$0x1] =	wrdreg $0xFFFFFFFF  }
0xad: {  	s28 =	simm.s32 $_size_execute0_lowered;
	s4 =	sadd.s32 s4, s6;
	[dreg:$0x0] =	wrdreg $0x0  }
0xae: {  	s6 =	sshll.u32 s28, $0x1;
	[dreg:$0x2] =	wrdreg s4  }
0xaf: {  	[dreg:$0x3] =	wrdreg s6  }
0xb0: {  	[dreg:$0x4] =	wrdreg $0xC0  }
0xb1: {  	_ =	task [dreg:s8], $0x5FFFF  }
0xb2: {  	[dreg:$0x1] =	wrdreg $0xFFFFFFFF  }
0xb3: {  	[dreg:$0x0] =	wrdreg $0x60  }
0xb4: {  	[dreg:$0x2] =	wrdreg s24  }
0xb5: {  	[dreg:$0x3] =	wrdreg s16  }
0xb6: {  	[dreg:$0x4] =	wrdreg s15  }
0xb7: {  	[dreg:$0x5] =	wrdreg $0xB0800  }
0xb8: {  	[dreg:$0x6] =	wrdreg $0x9  }
0xb9: {  	_ =	task.clear_ibuf [dreg:s8], $0x7FFFF;
	_ =	strace $0x90000046  }
0xba: {  	s29 =	simm.s32 $0x9;
	_ =	strace $0x80000054  }
0xbb: {  	_ =	swait.ge [sflag:s29], $0x1  }
0xbc: {  	[sflag:s29] =	ssyncadd.s32 $0xFFFFFFFF  }
0xbd: {  	_ =	strace $0x90000054  }
0xbe: {  	_ =	sfence  }
0xbf: {  	s30 =	sld [smem:$0x0];
	_ =	sdelay $0x2  }
0xc0: {  	s31 =	sshll.u32 s1, $0xD;
	s1 =	sshrl.u32 s1, $0x2  }
0xc1: {  	s3 =	sand.u32 $0x4000, s31;
	s1 =	sadd.s32 s1, s30  }
0xc2: {  	s0 =	sor.u32 s3, s0;
	s1 =	sshll.u32 s1, $0x11  }
0xc3: {  	s0 =	sor.u32 s1, s0  }
0xc4: {  	s0 =	sadd.s32 $0x8F2B, s0  }
0xc5: {  	[sflag:s0] =	ssyncadd.remote.s32 $0x1  }
0xc6: {  	_ =	sfence.sel $0xFFFF  }
0xc7: {  	[dreg:$0x0] =	wrdreg $0xFFFFFFFF;
	(pc) =	sbr.abs _section_cstart, $3  }
0xc8: {  	[dreg:$0x1] =	wrdreg $0xFFFFFFFF  }
0xc9: {  	_ =	task.clear_ibuf [dreg:s8], $0x2FFFF;
	_ =	strace $0x9FFFFFFF  }
0xca: {  	(tm) =	ssettm $0x7FFFFFFF  }
0xcb: {  	_ =	shalt  }
tec
execute0_lowered:
.L_overlay_start_1:
0x0: {  	(tag) =	ssettag $0x1  }
0x1: {  	s0 =	rddreg [dreg:$0x0]  }
0x2: {  	s6 =	rddreg [dreg:$0x1]  }
0x3: {  	s25 =	simm.s32 $0x0;
	s2 =	srdreg.scid;
	s18 =	stileid.u32  }
0x4: {  	s29 =	simm.s32 $0x7080;
	s30 =	simm.s32 $0x5;
	s31 =	simm.s32 $0x2  }
0x5: {  	[smem:$0x7FF] =	sst s25;
	s7 =	sadd.s32 $0x2600, s0;
	s8 =	sadd.s32 $0xC600, s0  }
0x6: {  	s9 =	sand.u32 $0x1, s2;
	s19 =	sshll.u32 s18, $0x1;
	s11 =	smul.u32 $0x14000, s18  }
0x7: {  	s12 =	sadd.s32 $0x66600, s0;
	p0 =	sgt.u32 s18, $0x7;
	s3 =	ssub.s32 $0x2, s9  }
0x8: {  	s10 =	sor.u32 s9, s19;
	s9 =	smul.u32 $0x140000, s9;
	s20 =	sshrl.u32 s3, $0x1  }
0x9: {  	s13 =	smul.u32 $0x500, s10;
	s4 =	sadd.s32 $0x8000, s11;
	s5 =	sadd.s32 $0xC000, s11  }
0xa: {  	s21 =	sshll.u32 s10, $0x7;
	s22 =	sshll.u32 s10, $0x4;
	s15 =	sor.u32 $0x20, s10  }
0xb: {  	s16 =	sshll.u32 s10, $0xB;
	s17 =	sor.u32 $0x40, s10;
	s10 =	smul.u32 $0x2800, s10  }
0xc: {  	s2 =	ssub.s32 s3, s20;
	s3 =	sadd.s32 $0x4000, s11;
	s23 =	sshll.u32 s15, $0x7  }
0xd: {  	s16 =	sadd.s32 s12, s16;
	s24 =	sshll.u32 s17, $0x7;
	s26 =	sshll.u32 s15, $0xB  }
0xe: {  	s28 =	sshll.u32 s17, $0xB;
	s14 =	sadd.s32 s7, s13;
	[dreg:$0x8] =	wrdreg s16  }
0xf: {  	s13 =	sadd.s32 s8, s13;
	s16 =	sand.u32 $0x2400, s24;
	[dreg:$0x5] =	wrdreg s14  }
0x10: {  	s10 =	sshrl.u32 s10, $0x3;
	s24 =	sadd.s32 $0x16600, s0;
	[dreg:$0x6] =	wrdreg s13  }
0x11: {  	s14 =	sadd.s32 s6, s22;
	s1 =	sadd.s32 $0x100, s10;
	s15 =	sadd.s32 $0x200, s10  }
0x12: {  	s19 =	sadd.s32 $0x300, s10;
	[dreg:$0x7] =	wrdreg s14;
	s17 =	sadd.s32 s7, s15  }
0x13: {  	s10 =	sadd.s32 $0x400, s10;
	s20 =	sadd.s32 s7, s19;
	[dreg:$0xf] =	wrdreg s17  }
0x14: {  	s13 =	sand.u32 $0x380, s21;
	s21 =	sadd.s32 s7, s10;
	[dreg:$0x11] =	wrdreg s20  }
0x15: {  	s14 =	sand.u32 $0x1C00, s23;
	s22 =	sadd.s32 s8, s10;
	[dreg:$0x13] =	wrdreg s21  }
0x16: {  	s14 =	sor.u32 s13, s14;
	s13 =	sor.u32 s13, s16;
	[dreg:$0x14] =	wrdreg s22  }
0x17: {  	s16 =	sadd.s32 s8, s1;
	s22 =	rddreg [dreg:$0x2];
	s14 =	sshrl.u32 s14, $0x3  }
0x18: {  	s13 =	sshrl.u32 s13, $0x3;
	[dreg:$0xe] =	wrdreg s16;
	s14 =	sadd.s32 s6, s14  }
0x19: {  	s23 =	sadd.s32 s11, s9;
	s6 =	sadd.s32 s6, s13;
	[dreg:$0x9] =	wrdreg s14  }
0x1a: {  	s14 =	sadd.s32 s12, s26;
	[dreg:$0xb] =	wrdreg s6;
	s6 =	sadd.s32 s12, s28  }
0x1b: {  	s26 =	sadd.s32 s9, s3;
	s12 =	sadd.s32 s9, s5;
	[dreg:$0xa] =	wrdreg s14  }
0x1c: {  	[dreg:$0xc] =	wrdreg s6;
	s14 =	sadd.s32 s7, s1;
	s6 =	sadd.s32 s8, s15  }
0x1d: {  	s7 =	sshrl.u32 s23, $0x3;
	s28 =	sshrl.u32 s26, $0x3;
	s23 =	rddreg [dreg:$0x3]  }
0x1e: {  	s1 =	sadd.s32 s9, s4;
	s13 =	sshrl.u32 s12, $0x3;
	[dreg:$0xd] =	wrdreg s14  }
0x1f: {  	[dreg:$0x10] =	wrdreg s6;
	s6 =	sadd.s32 s8, s19;
	s7 =	sadd.s32 s24, s7  }
0x20: {  	s14 =	smul.u32 $0x50000, s18;
	[dreg:$0x12] =	wrdreg s6;
	s6 =	sadd.s32 $0x10000, s11  }
0x21: {  	[dreg:$0x15] =	wrdreg s7;
	s7 =	sadd.s32 s24, s28;
	s11 =	sshrl.u32 s1, $0x3  }
0x22: {  	[dreg:$0x16] =	wrdreg s7;
	s7 =	sadd.s32 s24, s11;
	s9 =	sadd.s32 s9, s6  }
0x23: {  	[dreg:$0x17] =	wrdreg s7;
	s7 =	sadd.s32 s24, s13;
	s15 =	sshrl.u32 s9, $0x3  }
0x24: {  	s16 =	sshrl.u32 s14, $0x2;
	[dreg:$0x18] =	wrdreg s7;
	s7 =	sadd.s32 s24, s15  }
0x25: {  	s26 =	sadd.s32 $0x2000, s0;
	s17 =	sadd.s32 s16, s23;
	[dreg:$0x19] =	wrdreg s7  }
0x26: {  	s19 =	sadd.s32 s3, s23;
	_ =	strace $0x80000047;
	[dreg:$0x1a] =	wrdreg s17  }
0x27: {  	s20 =	sadd.s32 s4, s23;
	s21 =	sadd.s32 s5, s23;
	[dreg:$0x1b] =	wrdreg s19  }
0x28: {  	s3 =	simm.s32 $0x7;
	s5 =	simm.s32 $0x80;
	[dreg:$0x1c] =	wrdreg s20  }
0x29: {  	s4 =	simm.s32 $0x0;
	s24 =	sadd.s32 s6, s23;
	[dreg:$0x1d] =	wrdreg s21  }
0x2a: {  	s28 =	smax.u32 s2, $0x1;
	s2 =	simm.s32 $0x3080;
	[dreg:$0x1e] =	wrdreg s24  }
0x2b: {  	v0 =	vimm.f32 $0.0e+00;
	s16 =	simm.s32 $0x1;
	[dreg:$0x1f] =	wrdreg s28;
	s21 =	simm.s32 $0x6  }
.LBB2_1:
0x2c: {  	[smem:$0x7FD] =	sst s4  }
0x2d: {  	s6 =	simm.s32 $0x0;
	s7 =	simm.s32 $0x200;
	_ =	strace $0x80000048  }
.LBB2_2:
0x2e: {  	p1 =	sne.s32 s7, $0xFE00;
	[tilespmem:s6+$0x30F0] =	vst v0  }
0x2f: {  	[tilespmem:s6+$0x3080] =	vst v0  }
0x30: {  	[tilespmem:s6+$0x3090] =	vst v0  }
.Ltmp0:
0x31: {  	[tilespmem:s6+$0x30A0] =	vst v0;
	(pc) =	sbr.rel @p1 .LBB2_2-.Ltmp0, $4  }
0x32: {  	[tilespmem:s6+$0x30B0] =	vst v0  }
0x33: {  	[tilespmem:s6+$0x30C0] =	vst v0  }
0x34: {  	[tilespmem:s6+$0x30D0] =	vst v0  }
0x35: {  	[tilespmem:s6+$0x30E0] =	vst v0;
	s6 =	sshra.s32 s7, $0x2;
	s7 =	sadd.s32 $0x200, s7  }
0x36: {  	[tilespmem:s6+$0x30F0] =	vst v0  }
0x37: {  	[tilespmem:s6+$0x3080] =	vst v0  }
0x38: {  	[tilespmem:s6+$0x3090] =	vst v0  }
0x39: {  	[tilespmem:s6+$0x30A0] =	vst v0  }
0x3a: {  	[tilespmem:s6+$0x30B0] =	vst v0  }
0x3b: {  	[tilespmem:s6+$0x30C0] =	vst v0  }
0x3c: {  	[tilespmem:s6+$0x30D0] =	vst v0  }
0x3d: {  	[tilespmem:s6+$0x30E0] =	vst v0;
	s0 =	rddreg [dreg:$0x1a]  }
0x3e: {  	[spmem:s0] =	stream.linear.scatter [tilespmem:s2], [sflag:$0x7], $0x4000, $0x200038;
	[tilespmem:$0x1F080] =	vst v63  }
0x3f: {  	_ =	swait.ge [sflag:s3], $0x4000  }
0x40: {  	[sflag:s3] =	ssyncset.done $0x0  }
0x41: {  	s6 =	rddreg [dreg:$0x1b];
	[sflag:s3] =	ssyncadd.s32 $0xFFFFC000  }
0x42: {  	[spmem:s6] =	stream.linear.scatter [tilespmem:s2], [sflag:$0x7], $0x4000, $0x200038;
	[tilespmem:$0x1F080] =	vst v63  }
0x43: {  	_ =	swait.ge [sflag:s3], $0x4000  }
0x44: {  	[sflag:s3] =	ssyncset.done $0x0  }
0x45: {  	s7 =	rddreg [dreg:$0x1c];
	[sflag:s3] =	ssyncadd.s32 $0xFFFFC000  }
0x46: {  	[spmem:s7] =	stream.linear.scatter [tilespmem:s2], [sflag:$0x7], $0x4000, $0x200038;
	[tilespmem:$0x1F080] =	vst v63  }
0x47: {  	_ =	swait.ge [sflag:s3], $0x4000  }
0x48: {  	[sflag:s3] =	ssyncset.done $0x0  }
0x49: {  	s8 =	rddreg [dreg:$0x1d];
	[sflag:s3] =	ssyncadd.s32 $0xFFFFC000  }
0x4a: {  	[spmem:s8] =	stream.linear.scatter [tilespmem:s2], [sflag:$0x7], $0x4000, $0x200038;
	[tilespmem:$0x1F080] =	vst v63  }
0x4b: {  	_ =	swait.ge [sflag:s3], $0x4000  }
0x4c: {  	[sflag:s3] =	ssyncset.done $0x0  }
0x4d: {  	s9 =	rddreg [dreg:$0x1e];
	[sflag:s3] =	ssyncadd.s32 $0xFFFFC000  }
0x4e: {  	[spmem:s9] =	stream.linear.scatter [tilespmem:s2], [sflag:$0x7], $0x4000, $0x200038;
	[tilespmem:$0x1F080] =	vst v63  }
0x4f: {  	_ =	swait.ge [sflag:s3], $0x4000  }
0x50: {  	[sflag:s3] =	ssyncset.done $0x0  }
0x51: {  	[sflag:s3] =	ssyncadd.s32 $0xFFFFC000  }
0x52: {  	[bflag:$0x0] =	sbarrier.arrive $0xFFFF  }
0x53: {  	_ =	strace $0x90000048  }
0x54: {  	_ =	strace $0x80000049  }
0x55: {  	s10 =	rddreg [dreg:$0x5]  }
0x56: {  	[tilespmem:s25], [sflag:$0x7] =	stream.linear.gather [hbm4b:s10+s25], $0x800, $0x200038;
	[tilespmem:$0x1F080] =	vst v63  }
0x57: {  	_ =	swait.ge [sflag:s3], $0x800  }
0x58: {  	[sflag:s3] =	ssyncset.done $0x0  }
0x59: {  	s12 =	simm.s32 $0x800;
	s11 =	rddreg [dreg:$0x6];
	[sflag:s3] =	ssyncadd.s32 $0xFFFFF800  }
0x5a: {  	[tilespmem:s12], [sflag:$0x7] =	stream.linear.gather [hbm4b:s11+s25], $0x800, $0x200038;
	[tilespmem:$0x1F080] =	vst v63  }
0x5b: {  	_ =	swait.ge [sflag:s3], $0x800  }
0x5c: {  	[sflag:s3] =	ssyncset.done $0x0  }
0x5d: {  	s13 =	simm.s32 $0x1000;
	[sflag:s3] =	ssyncadd.s32 $0xFFFFF800  }
0x5e: {  	[tilespmem:s13], [sflag:$0x3] =	stream.indirect.gather [hbm4b:s26+s5], $0x1, s25, s5, $0x2000b8;
	[tilespmem:$0x1F080] =	vst v63  }
0x5f: {  	s14 =	simm.s32 $0x1080  }
0x60: {  	[tilespmem:s14], [sflag:$0x3] =	stream.indirect.gather [hbm4b:s26+s5], $0x1, s5, s5, $0x2000b8;
	[tilespmem:$0x1F080] =	vst v63  }
0x61: {  	s4 =	simm.s32 $0x100;
	s15 =	simm.s32 $0x1100  }
0x62: {  	[tilespmem:s15], [sflag:$0x3] =	stream.indirect.gather [hbm4b:s26+s5], $0x1, s4, s5, $0x2000b8;
	[tilespmem:$0x1F080] =	vst v63  }
0x63: {  	s17 =	simm.s32 $0x180;
	s18 =	simm.s32 $0x1180  }
0x64: {  	[tilespmem:s18], [sflag:$0x3] =	stream.indirect.gather [hbm4b:s26+s5], $0x1, s17, s5, $0x2000b8;
	[tilespmem:$0x1F080] =	vst v63  }
0x65: {  	s19 =	simm.s32 $0x200;
	s28 =	simm.s32 $0x1200  }
0x66: {  	[tilespmem:s28], [sflag:$0x3] =	stream.indirect.gather [hbm4b:s26+s5], $0x1, s19, s5, $0x2000b8;
	[tilespmem:$0x1F080] =	vst v63  }
0x67: {  	s7 =	simm.s32 $0x280;
	s8 =	simm.s32 $0x1280  }
0x68: {  	[tilespmem:s8], [sflag:$0x3] =	stream.indirect.gather [hbm4b:s26+s5], $0x1, s7, s5, $0x2000b8;
	[tilespmem:$0x1F080] =	vst v63  }
0x69: {  	s9 =	simm.s32 $0x300;
	s10 =	simm.s32 $0x1300  }
0x6a: {  	[tilespmem:s10], [sflag:$0x3] =	stream.indirect.gather [hbm4b:s26+s5], $0x1, s9, s5, $0x2000b8;
	[tilespmem:$0x1F080] =	vst v63  }
0x6b: {  	s11 =	simm.s32 $0x380;
	s12 =	simm.s32 $0x1380  }
0x6c: {  	[tilespmem:s12], [sflag:$0x3] =	stream.indirect.gather [hbm4b:s26+s5], $0x1, s11, s5, $0x2000b8;
	[tilespmem:$0x1F080] =	vst v63  }
0x6d: {  	s13 =	simm.s32 $0x400;
	s14 =	simm.s32 $0x1400  }
0x6e: {  	[tilespmem:s14], [sflag:$0x3] =	stream.indirect.gather [hbm4b:s26+s5], $0x1, s13, s5, $0x2000b8;
	[tilespmem:$0x1F080] =	vst v63  }
0x6f: {  	s15 =	simm.s32 $0x480;
	s28 =	simm.s32 $0x1480  }
0x70: {  	[tilespmem:s28], [sflag:$0x3] =	stream.indirect.gather [hbm4b:s26+s5], $0x1, s15, s5, $0x2000b8;
	[tilespmem:$0x1F080] =	vst v63  }
0x71: {  	s0 =	simm.s32 $0x500;
	s7 =	simm.s32 $0x1500  }
0x72: {  	[tilespmem:s7], [sflag:$0x3] =	stream.indirect.gather [hbm4b:s26+s5], $0x1, s0, s5, $0x2000b8;
	[tilespmem:$0x1F080] =	vst v63  }
0x73: {  	s8 =	simm.s32 $0x580;
	s9 =	simm.s32 $0x1580  }
0x74: {  	[tilespmem:s9], [sflag:$0x3] =	stream.indirect.gather [hbm4b:s26+s5], $0x1, s8, s5, $0x2000b8;
	[tilespmem:$0x1F080] =	vst v63  }
0x75: {  	s10 =	simm.s32 $0x600;
	s11 =	simm.s32 $0x1600  }
0x76: {  	[tilespmem:s11], [sflag:$0x3] =	stream.indirect.gather [hbm4b:s26+s5], $0x1, s10, s5, $0x2000b8;
	[tilespmem:$0x1F080] =	vst v63  }
0x77: {  	s13 =	simm.s32 $0x680;
	s28 =	simm.s32 $0x1680  }
0x78: {  	[tilespmem:s28], [sflag:$0x3] =	stream.indirect.gather [hbm4b:s26+s5], $0x1, s13, s5, $0x2000b8;
	[tilespmem:$0x1F080] =	vst v63  }
0x79: {  	s7 =	simm.s32 $0x700;
	s8 =	simm.s32 $0x1700  }
0x7a: {  	[tilespmem:s8], [sflag:$0x3] =	stream.indirect.gather [hbm4b:s26+s5], $0x1, s7, s5, $0x2000b8;
	[tilespmem:$0x1F080] =	vst v63  }
0x7b: {  	s9 =	simm.s32 $0x780;
	s11 =	simm.s32 $0x1780  }
0x7c: {  	[tilespmem:s11], [sflag:$0x3] =	stream.indirect.gather [hbm4b:s26+s5], $0x1, s9, s5, $0x2000b8;
	[tilespmem:$0x1F080] =	vst v63  }
0x7d: {  	_ =	strace $0x90000049  }
0x7e: {  	_ =	strace $0x8000004A  }
0x7f: {  	s7 =	simm.s32 $0x3000;
	s13 =	rddreg [dreg:$0x7]  }
0x80: {  	[tilespmem:s7], [sflag:$0x7] =	stream.linear.gather [hbm4b:s13+s25], $0x80, $0x200038;
	[tilespmem:$0x1F080] =	vst v63  }
0x81: {  	_ =	swait.ge [sflag:s3], $0x80  }
0x82: {  	[sflag:s3] =	ssyncset.done $0x0  }
0x83: {  	[sflag:s3] =	ssyncadd.s32 $0xFFFFFF80  }
0x84: {  	[tilespmem:s2], [sflag:$0x1] =	stream.indirect.gather [hbm4b:s22+s5], $0x80, s7, s5, $0x2000b8;
	[tilespmem:$0x1F080] =	vst v63  }
0x85: {  	_ =	swait.ge [sflag:s16], $0x4000  }
0x86: {  	[sflag:s16] =	ssyncset.done $0x0  }
0x87: {  	s28 =	rddreg [dreg:$0x8];
	[sflag:s16] =	ssyncadd.s32 $0xFFFFC000  }
0x88: {  	[hbm4b:s28+s25] =	stream.linear.scatter [tilespmem:s2], [sflag:$0x7], $0x4000, $0x200038;
	[tilespmem:$0x1F080] =	vst v63  }
0x89: {  	_ =	swait.ge [sflag:s3], $0x4000  }
0x8a: {  	[sflag:s3] =	ssyncset.done $0x0  }
0x8b: {  	s0 =	rddreg [dreg:$0x9];
	[sflag:s3] =	ssyncadd.s32 $0xFFFFC000  }
0x8c: {  	[tilespmem:s7], [sflag:$0x7] =	stream.linear.gather [hbm4b:s0+s25], $0x80, $0x200038;
	[tilespmem:$0x1F080] =	vst v63  }
0x8d: {  	_ =	swait.ge [sflag:s3], $0x80  }
0x8e: {  	[sflag:s3] =	ssyncset.done $0x0  }
0x8f: {  	[sflag:s3] =	ssyncadd.s32 $0xFFFFFF80  }
0x90: {  	[tilespmem:s2], [sflag:$0x1] =	stream.indirect.gather [hbm4b:s22+s5], $0x80, s7, s5, $0x2000b8;
	[tilespmem:$0x1F080] =	vst v63  }
0x91: {  	_ =	swait.ge [sflag:s16], $0x4000  }
0x92: {  	[sflag:s16] =	ssyncset.done $0x0  }
0x93: {  	s8 =	rddreg [dreg:$0xa];
	[sflag:s16] =	ssyncadd.s32 $0xFFFFC000  }
0x94: {  	[hbm4b:s8+s25] =	stream.linear.scatter [tilespmem:s2], [sflag:$0x7], $0x4000, $0x200038;
	[tilespmem:$0x1F080] =	vst v63  }
0x95: {  	_ =	swait.ge [sflag:s3], $0x4000  }
0x96: {  	s6 =	simm.s32 @!p0 $0x0;
	[sflag:s3] =	ssyncset.done $0x0  }
0x97: {  	s7 =	simm.s32 @!p0 $0x3000;
	s9 =	rddreg [dreg:$0xb];
	[sflag:s3] =	ssyncadd.s32 $0xFFFFC000  }
0x98: {  	[tilespmem:s7], [sflag:$0x7] =	stream.linear.gather @!p0 [hbm4b:s9+s6], $0x80, $0x200038;
	[tilespmem:$0x1F080] =	vst v63  }
0x99: {  	s9 =	simm.s32 @!p0 $0x7  }
0x9a: {  	_ =	swait.ge @!p0 [sflag:s9], $0x80  }
0x9b: {  	[sflag:s9] =	ssyncset.done @!p0 $0x0  }
0x9c: {  	s11 =	simm.s32 @!p0 $0x80;
	s13 =	simm.s32 @!p0 $0x3080;
	[sflag:s9] =	ssyncadd.s32 @!p0 $0xFFFFFF80  }
0x9d: {  	[tilespmem:s13], [sflag:$0x1] =	stream.indirect.gather @!p0 [hbm4b:s22+s11], $0x80, s7, s11, $0x2000b8;
	[tilespmem:$0x1F080] =	vst v63  }
0x9e: {  	s7 =	simm.s32 @!p0 $0x1  }
0x9f: {  	_ =	swait.ge @!p0 [sflag:s7], $0x4000  }
0xa0: {  	[sflag:s7] =	ssyncset.done @!p0 $0x0  }
0xa1: {  	[sflag:s7] =	ssyncadd.s32 @!p0 $0xFFFFC000;
	s7 =	rddreg [dreg:$0xc]  }
0xa2: {  	[hbm4b:s7+s6] =	stream.linear.scatter @!p0 [tilespmem:s13], [sflag:$0x7], $0x4000, $0x200038;
	[tilespmem:$0x1F080] =	vst v63  }
0xa3: {  	_ =	swait.ge @!p0 [sflag:s9], $0x4000  }
0xa4: {  	[sflag:s9] =	ssyncset.done @!p0 $0x0  }
0xa5: {  	[sflag:s9] =	ssyncadd.s32 @!p0 $0xFFFFC000  }
0xa6: {  	_ =	strace $0x9000004A  }
0xa7: {  	_ =	strace $0x8000004B  }
0xa8: {  	s13 =	simm.s32 $0x1800;
	s9 =	rddreg [dreg:$0xd]  }
0xa9: {  	[tilespmem:s13], [sflag:$0x7] =	stream.linear.gather [hbm4b:s9+s25], $0x800, $0x200038;
	[tilespmem:$0x1F080] =	vst v63  }
0xaa: {  	_ =	swait.ge [sflag:s3], $0x800  }
0xab: {  	[sflag:s3] =	ssyncset.done $0x0  }
0xac: {  	s28 =	simm.s32 $0x2000;
	s11 =	rddreg [dreg:$0xe];
	[sflag:s3] =	ssyncadd.s32 $0xFFFFF800  }
0xad: {  	[tilespmem:s28], [sflag:$0x7] =	stream.linear.gather [hbm4b:s11+s25], $0x800, $0x200038;
	[tilespmem:$0x1F080] =	vst v63  }
0xae: {  	_ =	swait.ge [sflag:s3], $0x800  }
0xaf: {  	[sflag:s3] =	ssyncset.done $0x0  }
0xb0: {  	s7 =	simm.s32 $0x2800;
	[sflag:s3] =	ssyncadd.s32 $0xFFFFF800  }
0xb1: {  	[tilespmem:s7], [sflag:$0x4] =	stream.indirect.gather [hbm4b:s26+s5], $0x1, s13, s5, $0x2000b8;
	[tilespmem:$0x1F080] =	vst v63  }
0xb2: {  	s8 =	simm.s32 $0x1880;
	s9 =	simm.s32 $0x2880  }
0xb3: {  	[tilespmem:s9], [sflag:$0x4] =	stream.indirect.gather [hbm4b:s26+s5], $0x1, s8, s5, $0x2000b8;
	[tilespmem:$0x1F080] =	vst v63  }
0xb4: {  	s11 =	simm.s32 $0x1900;
	s28 =	simm.s32 $0x2900  }
0xb5: {  	[tilespmem:s28], [sflag:$0x4] =	stream.indirect.gather [hbm4b:s26+s5], $0x1, s11, s5, $0x2000b8;
	[tilespmem:$0x1F080] =	vst v63  }
0xb6: {  	s0 =	simm.s32 $0x1980;
	s7 =	simm.s32 $0x2980  }
0xb7: {  	[tilespmem:s7], [sflag:$0x4] =	stream.indirect.gather [hbm4b:s26+s5], $0x1, s0, s5, $0x2000b8;
	[tilespmem:$0x1F080] =	vst v63  }
0xb8: {  	s8 =	simm.s32 $0x1A00;
	s9 =	simm.s32 $0x2A00  }
0xb9: {  	[tilespmem:s9], [sflag:$0x4] =	stream.indirect.gather [hbm4b:s26+s5], $0x1, s8, s5, $0x2000b8;
	[tilespmem:$0x1F080] =	vst v63  }
0xba: {  	s11 =	simm.s32 $0x1A80;
	s28 =	simm.s32 $0x2A80  }
0xbb: {  	[tilespmem:s28], [sflag:$0x4] =	stream.indirect.gather [hbm4b:s26+s5], $0x1, s11, s5, $0x2000b8;
	[tilespmem:$0x1F080] =	vst v63  }
0xbc: {  	s0 =	simm.s32 $0x1B00;
	s7 =	simm.s32 $0x2B00  }
0xbd: {  	[tilespmem:s7], [sflag:$0x4] =	stream.indirect.gather [hbm4b:s26+s5], $0x1, s0, s5, $0x2000b8;
	[tilespmem:$0x1F080] =	vst v63  }
0xbe: {  	s8 =	simm.s32 $0x1B80;
	s9 =	simm.s32 $0x2B80  }
0xbf: {  	[tilespmem:s9], [sflag:$0x4] =	stream.indirect.gather [hbm4b:s26+s5], $0x1, s8, s5, $0x2000b8;
	[tilespmem:$0x1F080] =	vst v63  }
0xc0: {  	s11 =	simm.s32 $0x1C00;
	s28 =	simm.s32 $0x2C00  }
0xc1: {  	[tilespmem:s28], [sflag:$0x4] =	stream.indirect.gather [hbm4b:s26+s5], $0x1, s11, s5, $0x2000b8;
	[tilespmem:$0x1F080] =	vst v63  }
0xc2: {  	s0 =	simm.s32 $0x1C80;
	s7 =	simm.s32 $0x2C80  }
0xc3: {  	[tilespmem:s7], [sflag:$0x4] =	stream.indirect.gather [hbm4b:s26+s5], $0x1, s0, s5, $0x2000b8;
	[tilespmem:$0x1F080] =	vst v63  }
0xc4: {  	s8 =	simm.s32 $0x1D00;
	s9 =	simm.s32 $0x2D00  }
0xc5: {  	[tilespmem:s9], [sflag:$0x4] =	stream.indirect.gather [hbm4b:s26+s5], $0x1, s8, s5, $0x2000b8;
	[tilespmem:$0x1F080] =	vst v63  }
0xc6: {  	s11 =	simm.s32 $0x1D80;
	s28 =	simm.s32 $0x2D80  }
0xc7: {  	[tilespmem:s28], [sflag:$0x4] =	stream.indirect.gather [hbm4b:s26+s5], $0x1, s11, s5, $0x2000b8;
	[tilespmem:$0x1F080] =	vst v63  }
0xc8: {  	s0 =	simm.s32 $0x1E00;
	s7 =	simm.s32 $0x2E00  }
0xc9: {  	[tilespmem:s7], [sflag:$0x4] =	stream.indirect.gather [hbm4b:s26+s5], $0x1, s0, s5, $0x2000b8;
	[tilespmem:$0x1F080] =	vst v63  }
0xca: {  	s8 =	simm.s32 $0x1E80;
	s9 =	simm.s32 $0x2E80  }
0xcb: {  	[tilespmem:s9], [sflag:$0x4] =	stream.indirect.gather [hbm4b:s26+s5], $0x1, s8, s5, $0x2000b8;
	[tilespmem:$0x1F080] =	vst v63  }
0xcc: {  	s11 =	simm.s32 $0x1F00;
	s28 =	simm.s32 $0x2F00  }
0xcd: {  	[tilespmem:s28], [sflag:$0x4] =	stream.indirect.gather [hbm4b:s26+s5], $0x1, s11, s5, $0x2000b8;
	[tilespmem:$0x1F080] =	vst v63  }
0xce: {  	s7 =	simm.s32 $0x1F80;
	s8 =	simm.s32 $0x2F80  }
0xcf: {  	[tilespmem:s8], [sflag:$0x4] =	stream.indirect.gather [hbm4b:s26+s5], $0x1, s7, s5, $0x2000b8;
	[tilespmem:$0x1F080] =	vst v63  }
0xd0: {  	_ =	strace $0x9000004B  }
0xd1: {  	s9 =	simm.s32 $0x3;
	_ =	strace $0x8000004C  }
0xd2: {  	_ =	swait.ge [sflag:s9], $0x800  }
0xd3: {  	[sflag:s9] =	ssyncset.done $0x0  }
0xd4: {  	s24 =	simm.s32 $0x1000;
	[sflag:s9] =	ssyncadd.s32 $0xFFFFF800  }
0xd5: {  	[tilespmem:s2], [sflag:$0x1] =	stream.indirect.gather [hbm4b:s22+s5], $0x80, s24, s5, $0x2000b8;
	[tilespmem:$0x1F080] =	vst v63  }
0xd6: {  	s1 =	simm.s32 $0x1080  }
0xd7: {  	[tilespmem:s29], [sflag:$0x2] =	stream.indirect.gather [hbm4b:s22+s5], $0x80, s1, s5, $0x2000b8;
	[tilespmem:$0x1F080] =	vst v63  }
0xd8: {  	_ =	swait.ge [sflag:s16], $0x4000  }
0xd9: {  	[sflag:s16] =	ssyncset.done $0x0  }
0xda: {  	s20 =	simm.s32 $0x800;
	[sflag:s16] =	ssyncadd.s32 $0xFFFFC000  }
0xdb: {  	[spmem:s23] =	stream.indirect.scatter.add.f32 [tilespmem:s2], [sflag:$0x5], $0x80, s20, s5, $0x2000b8;
	[tilespmem:$0x1F080] =	vst v63  }
0xdc: {  	_ =	swait.ge [sflag:s30], $0x4000  }
0xdd: {  	[sflag:s30] =	ssyncset.done $0x0  }
0xde: {  	s24 =	simm.s32 $0x1100;
	[sflag:s30] =	ssyncadd.s32 $0xFFFFC000  }
0xdf: {  	[tilespmem:s2], [sflag:$0x1] =	stream.indirect.gather [hbm4b:s22+s5], $0x80, s24, s5, $0x2000b8;
	[tilespmem:$0x1F080] =	vst v63  }
0xe0: {  	_ =	swait.ge [sflag:s31], $0x4000  }
0xe1: {  	[sflag:s31] =	ssyncset.done $0x0  }
0xe2: {  	s11 =	simm.s32 $0x880;
	[sflag:s31] =	ssyncadd.s32 $0xFFFFC000  }
0xe3: {  	[spmem:s23] =	stream.indirect.scatter.add.f32 [tilespmem:s29], [sflag:$0x6], $0x80, s11, s5, $0x2000b8;
	[tilespmem:$0x1F080] =	vst v63  }
0xe4: {  	_ =	swait.ge [sflag:s21], $0x4000  }
0xe5: {  	[sflag:s21] =	ssyncset.done $0x0  }
0xe6: {  	s4 =	simm.s32 $0x1180;
	[sflag:s21] =	ssyncadd.s32 $0xFFFFC000  }
0xe7: {  	[tilespmem:s29], [sflag:$0x2] =	stream.indirect.gather [hbm4b:s22+s5], $0x80, s4, s5, $0x2000b8;
	[tilespmem:$0x1F080] =	vst v63  }
0xe8: {  	_ =	swait.ge [sflag:s16], $0x4000  }
0xe9: {  	[sflag:s16] =	ssyncset.done $0x0  }
0xea: {  	s20 =	simm.s32 $0x900;
	[sflag:s16] =	ssyncadd.s32 $0xFFFFC000  }
0xeb: {  	[spmem:s23] =	stream.indirect.scatter.add.f32 [tilespmem:s2], [sflag:$0x5], $0x80, s20, s5, $0x2000b8;
	[tilespmem:$0x1F080] =	vst v63  }
0xec: {  	_ =	swait.ge [sflag:s30], $0x4000  }
0xed: {  	[sflag:s30] =	ssyncset.done $0x0  }
0xee: {  	s7 =	simm.s32 $0x1200;
	[sflag:s30] =	ssyncadd.s32 $0xFFFFC000  }
0xef: {  	[tilespmem:s2], [sflag:$0x1] =	stream.indirect.gather [hbm4b:s22+s5], $0x80, s7, s5, $0x2000b8;
	[tilespmem:$0x1F080] =	vst v63  }
0xf0: {  	_ =	swait.ge [sflag:s31], $0x4000  }
0xf1: {  	[sflag:s31] =	ssyncset.done $0x0  }
0xf2: {  	s1 =	simm.s32 $0x980;
	[sflag:s31] =	ssyncadd.s32 $0xFFFFC000  }
0xf3: {  	[spmem:s23] =	stream.indirect.scatter.add.f32 [tilespmem:s29], [sflag:$0x6], $0x80, s1, s5, $0x2000b8;
	[tilespmem:$0x1F080] =	vst v63  }
0xf4: {  	_ =	swait.ge [sflag:s21], $0x4000  }
0xf5: {  	[sflag:s21] =	ssyncset.done $0x0  }
0xf6: {  	s1 =	simm.s32 $0x1280;
	[sflag:s21] =	ssyncadd.s32 $0xFFFFC000  }
0xf7: {  	[tilespmem:s29], [sflag:$0x2] =	stream.indirect.gather [hbm4b:s22+s5], $0x80, s1, s5, $0x2000b8;
	[tilespmem:$0x1F080] =	vst v63  }
0xf8: {  	_ =	swait.ge [sflag:s16], $0x4000  }
0xf9: {  	[sflag:s16] =	ssyncset.done $0x0  }
0xfa: {  	s6 =	simm.s32 $0xA00;
	[sflag:s16] =	ssyncadd.s32 $0xFFFFC000  }
0xfb: {  	[spmem:s23] =	stream.indirect.scatter.add.f32 [tilespmem:s2], [sflag:$0x5], $0x80, s6, s5, $0x2000b8;
	[tilespmem:$0x1F080] =	vst v63  }
0xfc: {  	_ =	swait.ge [sflag:s30], $0x4000  }
0xfd: {  	[sflag:s30] =	ssyncset.done $0x0  }
0xfe: {  	s19 =	simm.s32 $0x1300;
	[sflag:s30] =	ssyncadd.s32 $0xFFFFC000  }
0xff: {  	[tilespmem:s2], [sflag:$0x1] =	stream.indirect.gather [hbm4b:s22+s5], $0x80, s19, s5, $0x2000b8;
	[tilespmem:$0x1F080] =	vst v63  }
0x100: {  	_ =	swait.ge [sflag:s31], $0x4000  }
0x101: {  	[sflag:s31] =	ssyncset.done $0x0  }
0x102: {  	s11 =	simm.s32 $0xA80;
	[sflag:s31] =	ssyncadd.s32 $0xFFFFC000  }
0x103: {  	[spmem:s23] =	stream.indirect.scatter.add.f32 [tilespmem:s29], [sflag:$0x6], $0x80, s11, s5, $0x2000b8;
	[tilespmem:$0x1F080] =	vst v63  }
0x104: {  	_ =	swait.ge [sflag:s21], $0x4000  }
0x105: {  	[sflag:s21] =	ssyncset.done $0x0  }
0x106: {  	s18 =	simm.s32 $0x1380;
	[sflag:s21] =	ssyncadd.s32 $0xFFFFC000  }
0x107: {  	[tilespmem:s29], [sflag:$0x2] =	stream.indirect.gather [hbm4b:s22+s5], $0x80, s18, s5, $0x2000b8;
	[tilespmem:$0x1F080] =	vst v63  }
0x108: {  	_ =	swait.ge [sflag:s16], $0x4000  }
0x109: {  	[sflag:s16] =	ssyncset.done $0x0  }
0x10a: {  	s20 =	simm.s32 $0xB00;
	[sflag:s16] =	ssyncadd.s32 $0xFFFFC000  }
0x10b: {  	[spmem:s23] =	stream.indirect.scatter.add.f32 [tilespmem:s2], [sflag:$0x5], $0x80, s20, s5, $0x2000b8;
	[tilespmem:$0x1F080] =	vst v63  }
0x10c: {  	_ =	swait.ge [sflag:s30], $0x4000  }
0x10d: {  	[sflag:s30] =	ssyncset.done $0x0  }
0x10e: {  	s17 =	simm.s32 $0x1400;
	[sflag:s30] =	ssyncadd.s32 $0xFFFFC000  }
0x10f: {  	[tilespmem:s2], [sflag:$0x1] =	stream.indirect.gather [hbm4b:s22+s5], $0x80, s17, s5, $0x2000b8;
	[tilespmem:$0x1F080] =	vst v63  }
0x110: {  	_ =	swait.ge [sflag:s31], $0x4000  }
0x111: {  	[sflag:s31] =	ssyncset.done $0x0  }
0x112: {  	s6 =	simm.s32 $0xB80;
	[sflag:s31] =	ssyncadd.s32 $0xFFFFC000  }
0x113: {  	[spmem:s23] =	stream.indirect.scatter.add.f32 [tilespmem:s29], [sflag:$0x6], $0x80, s6, s5, $0x2000b8;
	[tilespmem:$0x1F080] =	vst v63  }
0x114: {  	_ =	swait.ge [sflag:s21], $0x4000  }
0x115: {  	[sflag:s21] =	ssyncset.done $0x0  }
0x116: {  	s15 =	simm.s32 $0x1480;
	[sflag:s21] =	ssyncadd.s32 $0xFFFFC000  }
0x117: {  	[tilespmem:s29], [sflag:$0x2] =	stream.indirect.gather [hbm4b:s22+s5], $0x80, s15, s5, $0x2000b8;
	[tilespmem:$0x1F080] =	vst v63  }
0x118: {  	_ =	swait.ge [sflag:s16], $0x4000  }
0x119: {  	[sflag:s16] =	ssyncset.done $0x0  }
0x11a: {  	s11 =	simm.s32 $0xC00;
	[sflag:s16] =	ssyncadd.s32 $0xFFFFC000  }
0x11b: {  	[spmem:s23] =	stream.indirect.scatter.add.f32 [tilespmem:s2], [sflag:$0x5], $0x80, s11, s5, $0x2000b8;
	[tilespmem:$0x1F080] =	vst v63  }
0x11c: {  	_ =	swait.ge [sflag:s30], $0x4000  }
0x11d: {  	[sflag:s30] =	ssyncset.done $0x0  }
0x11e: {  	s14 =	simm.s32 $0x1500;
	[sflag:s30] =	ssyncadd.s32 $0xFFFFC000  }
0x11f: {  	[tilespmem:s2], [sflag:$0x1] =	stream.indirect.gather [hbm4b:s22+s5], $0x80, s14, s5, $0x2000b8;
	[tilespmem:$0x1F080] =	vst v63  }
0x120: {  	_ =	swait.ge [sflag:s31], $0x4000  }
0x121: {  	[sflag:s31] =	ssyncset.done $0x0  }
0x122: {  	s20 =	simm.s32 $0xC80;
	[sflag:s31] =	ssyncadd.s32 $0xFFFFC000  }
0x123: {  	[spmem:s23] =	stream.indirect.scatter.add.f32 [tilespmem:s29], [sflag:$0x6], $0x80, s20, s5, $0x2000b8;
	[tilespmem:$0x1F080] =	vst v63  }
0x124: {  	_ =	swait.ge [sflag:s21], $0x4000  }
0x125: {  	[sflag:s21] =	ssyncset.done $0x0  }
0x126: {  	s12 =	simm.s32 $0x1580;
	[sflag:s21] =	ssyncadd.s32 $0xFFFFC000  }
0x127: {  	[tilespmem:s29], [sflag:$0x2] =	stream.indirect.gather [hbm4b:s22+s5], $0x80, s12, s5, $0x2000b8;
	[tilespmem:$0x1F080] =	vst v63  }
0x128: {  	_ =	swait.ge [sflag:s16], $0x4000  }
0x129: {  	[sflag:s16] =	ssyncset.done $0x0  }
0x12a: {  	s6 =	simm.s32 $0xD00;
	[sflag:s16] =	ssyncadd.s32 $0xFFFFC000  }
0x12b: {  	[spmem:s23] =	stream.indirect.scatter.add.f32 [tilespmem:s2], [sflag:$0x5], $0x80, s6, s5, $0x2000b8;
	[tilespmem:$0x1F080] =	vst v63  }
0x12c: {  	_ =	swait.ge [sflag:s30], $0x4000  }
0x12d: {  	[sflag:s30] =	ssyncset.done $0x0  }
0x12e: {  	s10 =	simm.s32 $0x1600;
	[sflag:s30] =	ssyncadd.s32 $0xFFFFC000  }
0x12f: {  	[tilespmem:s2], [sflag:$0x1] =	stream.indirect.gather [hbm4b:s22+s5], $0x80, s10, s5, $0x2000b8;
	[tilespmem:$0x1F080] =	vst v63  }
0x130: {  	_ =	swait.ge [sflag:s31], $0x4000  }
0x131: {  	[sflag:s31] =	ssyncset.done $0x0  }
0x132: {  	s11 =	simm.s32 $0xD80;
	[sflag:s31] =	ssyncadd.s32 $0xFFFFC000  }
0x133: {  	[spmem:s23] =	stream.indirect.scatter.add.f32 [tilespmem:s29], [sflag:$0x6], $0x80, s11, s5, $0x2000b8;
	[tilespmem:$0x1F080] =	vst v63  }
0x134: {  	_ =	swait.ge [sflag:s21], $0x4000  }
0x135: {  	[sflag:s21] =	ssyncset.done $0x0  }
0x136: {  	s11 =	simm.s32 $0x1680;
	[sflag:s21] =	ssyncadd.s32 $0xFFFFC000  }
0x137: {  	[tilespmem:s29], [sflag:$0x2] =	stream.indirect.gather [hbm4b:s22+s5], $0x80, s11, s5, $0x2000b8;
	[tilespmem:$0x1F080] =	vst v63  }
0x138: {  	_ =	swait.ge [sflag:s16], $0x4000  }
0x139: {  	[sflag:s16] =	ssyncset.done $0x0  }
0x13a: {  	s20 =	simm.s32 $0xE00;
	[sflag:s16] =	ssyncadd.s32 $0xFFFFC000  }
0x13b: {  	[spmem:s23] =	stream.indirect.scatter.add.f32 [tilespmem:s2], [sflag:$0x5], $0x80, s20, s5, $0x2000b8;
	[tilespmem:$0x1F080] =	vst v63  }
0x13c: {  	_ =	swait.ge [sflag:s30], $0x4000  }
0x13d: {  	[sflag:s30] =	ssyncset.done $0x0  }
0x13e: {  	s20 =	simm.s32 $0x1700;
	[sflag:s30] =	ssyncadd.s32 $0xFFFFC000  }
0x13f: {  	[tilespmem:s2], [sflag:$0x1] =	stream.indirect.gather [hbm4b:s22+s5], $0x80, s20, s5, $0x2000b8;
	[tilespmem:$0x1F080] =	vst v63  }
0x140: {  	_ =	swait.ge [sflag:s31], $0x4000  }
0x141: {  	[sflag:s31] =	ssyncset.done $0x0  }
0x142: {  	s6 =	simm.s32 $0xE80;
	[sflag:s31] =	ssyncadd.s32 $0xFFFFC000  }
0x143: {  	[spmem:s23] =	stream.indirect.scatter.add.f32 [tilespmem:s29], [sflag:$0x6], $0x80, s6, s5, $0x2000b8;
	[tilespmem:$0x1F080] =	vst v63  }
0x144: {  	_ =	swait.ge [sflag:s21], $0x4000  }
0x145: {  	[sflag:s21] =	ssyncset.done $0x0  }
0x146: {  	s4 =	simm.s32 $0x1780;
	[sflag:s21] =	ssyncadd.s32 $0xFFFFC000  }
0x147: {  	[tilespmem:s29], [sflag:$0x2] =	stream.indirect.gather [hbm4b:s22+s5], $0x80, s4, s5, $0x2000b8;
	[tilespmem:$0x1F080] =	vst v63  }
0x148: {  	_ =	swait.ge [sflag:s16], $0x4000  }
0x149: {  	[sflag:s16] =	ssyncset.done $0x0  }
0x14a: {  	s6 =	simm.s32 $0xF00;
	[sflag:s16] =	ssyncadd.s32 $0xFFFFC000  }
0x14b: {  	[spmem:s23] =	stream.indirect.scatter.add.f32 [tilespmem:s2], [sflag:$0x5], $0x80, s6, s5, $0x2000b8;
	[tilespmem:$0x1F080] =	vst v63  }
0x14c: {  	_ =	swait.ge [sflag:s31], $0x4000  }
0x14d: {  	[sflag:s31] =	ssyncset.done $0x0  }
0x14e: {  	s6 =	simm.s32 $0xF80;
	[sflag:s31] =	ssyncadd.s32 $0xFFFFC000  }
0x14f: {  	[spmem:s23] =	stream.indirect.scatter.add.f32 [tilespmem:s29], [sflag:$0x6], $0x80, s6, s5, $0x2000b8;
	[tilespmem:$0x1F080] =	vst v63  }
0x150: {  	_ =	swait.ge [sflag:s30], $0x4000  }
0x151: {  	[sflag:s30] =	ssyncset.done $0x0  }
0x152: {  	[sflag:s30] =	ssyncadd.s32 $0xFFFFC000  }
0x153: {  	_ =	swait.ge [sflag:s21], $0x4000  }
0x154: {  	[sflag:s21] =	ssyncset.done $0x0  }
0x155: {  	[sflag:s21] =	ssyncadd.s32 $0xFFFFC000  }
0x156: {  	_ =	strace $0x9000004C  }
0x157: {  	_ =	strace $0x8000004D  }
0x158: {  	s6 =	rddreg [dreg:$0xf]  }
0x159: {  	[tilespmem:s25], [sflag:$0x7] =	stream.linear.gather [hbm4b:s6+s25], $0x800, $0x200038;
	[tilespmem:$0x1F080] =	vst v63  }
0x15a: {  	_ =	swait.ge [sflag:s3], $0x800  }
0x15b: {  	[sflag:s3] =	ssyncset.done $0x0  }
0x15c: {  	s0 =	simm.s32 $0x800;
	s6 =	rddreg [dreg:$0x10];
	[sflag:s3] =	ssyncadd.s32 $0xFFFFF800  }
0x15d: {  	[tilespmem:s0], [sflag:$0x7] =	stream.linear.gather [hbm4b:s6+s25], $0x800, $0x200038;
	[tilespmem:$0x1F080] =	vst v63  }
0x15e: {  	_ =	swait.ge [sflag:s3], $0x800  }
0x15f: {  	[sflag:s3] =	ssyncset.done $0x0  }
0x160: {  	s28 =	simm.s32 $0x1000;
	[sflag:s3] =	ssyncadd.s32 $0xFFFFF800  }
0x161: {  	[tilespmem:s28], [sflag:$0x3] =	stream.indirect.gather [hbm4b:s26+s5], $0x1, s25, s5, $0x2000b8;
	[tilespmem:$0x1F080] =	vst v63  }
0x162: {  	s9 =	simm.s32 $0x1080  }
0x163: {  	[tilespmem:s9], [sflag:$0x3] =	stream.indirect.gather [hbm4b:s26+s5], $0x1, s5, s5, $0x2000b8;
	[tilespmem:$0x1F080] =	vst v63  }
0x164: {  	s9 =	simm.s32 $0x100  }
0x165: {  	[tilespmem:s24], [sflag:$0x3] =	stream.indirect.gather [hbm4b:s26+s5], $0x1, s9, s5, $0x2000b8;
	[tilespmem:$0x1F080] =	vst v63  }
0x166: {  	s8 =	simm.s32 $0x1180;
	s28 =	simm.s32 $0x180  }
0x167: {  	[tilespmem:s8], [sflag:$0x3] =	stream.indirect.gather [hbm4b:s26+s5], $0x1, s28, s5, $0x2000b8;
	[tilespmem:$0x1F080] =	vst v63  }
0x168: {  	s6 =	simm.s32 $0x200  }
0x169: {  	[tilespmem:s7], [sflag:$0x3] =	stream.indirect.gather [hbm4b:s26+s5], $0x1, s6, s5, $0x2000b8;
	[tilespmem:$0x1F080] =	vst v63  }
0x16a: {  	s8 =	simm.s32 $0x280  }
0x16b: {  	[tilespmem:s1], [sflag:$0x3] =	stream.indirect.gather [hbm4b:s26+s5], $0x1, s8, s5, $0x2000b8;
	[tilespmem:$0x1F080] =	vst v63  }
0x16c: {  	s9 =	simm.s32 $0x300  }
0x16d: {  	[tilespmem:s19], [sflag:$0x3] =	stream.indirect.gather [hbm4b:s26+s5], $0x1, s9, s5, $0x2000b8;
	[tilespmem:$0x1F080] =	vst v63  }
0x16e: {  	s19 =	simm.s32 $0x380  }
0x16f: {  	[tilespmem:s18], [sflag:$0x3] =	stream.indirect.gather [hbm4b:s26+s5], $0x1, s19, s5, $0x2000b8;
	[tilespmem:$0x1F080] =	vst v63  }
0x170: {  	s24 =	simm.s32 $0x400  }
0x171: {  	[tilespmem:s17], [sflag:$0x3] =	stream.indirect.gather [hbm4b:s26+s5], $0x1, s24, s5, $0x2000b8;
	[tilespmem:$0x1F080] =	vst v63  }
0x172: {  	s28 =	simm.s32 $0x480  }
0x173: {  	[tilespmem:s15], [sflag:$0x3] =	stream.indirect.gather [hbm4b:s26+s5], $0x1, s28, s5, $0x2000b8;
	[tilespmem:$0x1F080] =	vst v63  }
0x174: {  	s1 =	simm.s32 $0x500  }
0x175: {  	[tilespmem:s14], [sflag:$0x3] =	stream.indirect.gather [hbm4b:s26+s5], $0x1, s1, s5, $0x2000b8;
	[tilespmem:$0x1F080] =	vst v63  }
0x176: {  	s6 =	simm.s32 $0x580  }
0x177: {  	[tilespmem:s12], [sflag:$0x3] =	stream.indirect.gather [hbm4b:s26+s5], $0x1, s6, s5, $0x2000b8;
	[tilespmem:$0x1F080] =	vst v63  }
0x178: {  	s7 =	simm.s32 $0x600  }
0x179: {  	[tilespmem:s10], [sflag:$0x3] =	stream.indirect.gather [hbm4b:s26+s5], $0x1, s7, s5, $0x2000b8;
	[tilespmem:$0x1F080] =	vst v63  }
0x17a: {  	s8 =	simm.s32 $0x680  }
0x17b: {  	[tilespmem:s11], [sflag:$0x3] =	stream.indirect.gather [hbm4b:s26+s5], $0x1, s8, s5, $0x2000b8;
	[tilespmem:$0x1F080] =	vst v63  }
0x17c: {  	s9 =	simm.s32 $0x700  }
0x17d: {  	[tilespmem:s20], [sflag:$0x3] =	stream.indirect.gather [hbm4b:s26+s5], $0x1, s9, s5, $0x2000b8;
	[tilespmem:$0x1F080] =	vst v63  }
0x17e: {  	s10 =	simm.s32 $0x780  }
0x17f: {  	[tilespmem:s4], [sflag:$0x3] =	stream.indirect.gather [hbm4b:s26+s5], $0x1, s10, s5, $0x2000b8;
	[tilespmem:$0x1F080] =	vst v63  }
0x180: {  	_ =	strace $0x9000004D  }
0x181: {  	s4 =	simm.s32 $0x4;
	_ =	strace $0x8000004E  }
0x182: {  	_ =	swait.ge [sflag:s4], $0x800  }
0x183: {  	[sflag:s4] =	ssyncset.done $0x0  }
0x184: {  	s11 =	simm.s32 $0x2800;
	[sflag:s4] =	ssyncadd.s32 $0xFFFFF800  }
0x185: {  	[tilespmem:s2], [sflag:$0x1] =	stream.indirect.gather [hbm4b:s22+s5], $0x80, s11, s5, $0x2000b8;
	[tilespmem:$0x1F080] =	vst v63  }
0x186: {  	s12 =	simm.s32 $0x2880  }
0x187: {  	[tilespmem:s29], [sflag:$0x2] =	stream.indirect.gather [hbm4b:s22+s5], $0x80, s12, s5, $0x2000b8;
	[tilespmem:$0x1F080] =	vst v63  }
0x188: {  	_ =	swait.ge [sflag:s16], $0x4000  }
0x189: {  	[sflag:s16] =	ssyncset.done $0x0  }
0x18a: {  	s28 =	simm.s32 $0x2000;
	[sflag:s16] =	ssyncadd.s32 $0xFFFFC000  }
0x18b: {  	[spmem:s23] =	stream.indirect.scatter.add.f32 [tilespmem:s2], [sflag:$0x5], $0x80, s28, s5, $0x2000b8;
	[tilespmem:$0x1F080] =	vst v63  }
0x18c: {  	_ =	swait.ge [sflag:s30], $0x4000  }
0x18d: {  	[sflag:s30] =	ssyncset.done $0x0  }
0x18e: {  	s7 =	simm.s32 $0x2900;
	[sflag:s30] =	ssyncadd.s32 $0xFFFFC000  }
0x18f: {  	[tilespmem:s2], [sflag:$0x1] =	stream.indirect.gather [hbm4b:s22+s5], $0x80, s7, s5, $0x2000b8;
	[tilespmem:$0x1F080] =	vst v63  }
0x190: {  	_ =	swait.ge [sflag:s31], $0x4000  }
0x191: {  	[sflag:s31] =	ssyncset.done $0x0  }
0x192: {  	s14 =	simm.s32 $0x2080;
	[sflag:s31] =	ssyncadd.s32 $0xFFFFC000  }
0x193: {  	[spmem:s23] =	stream.indirect.scatter.add.f32 [tilespmem:s29], [sflag:$0x6], $0x80, s14, s5, $0x2000b8;
	[tilespmem:$0x1F080] =	vst v63  }
0x194: {  	_ =	swait.ge [sflag:s21], $0x4000  }
0x195: {  	[sflag:s21] =	ssyncset.done $0x0  }
0x196: {  	s24 =	simm.s32 $0x2980;
	[sflag:s21] =	ssyncadd.s32 $0xFFFFC000  }
0x197: {  	[tilespmem:s29], [sflag:$0x2] =	stream.indirect.gather [hbm4b:s22+s5], $0x80, s24, s5, $0x2000b8;
	[tilespmem:$0x1F080] =	vst v63  }
0x198: {  	_ =	swait.ge [sflag:s16], $0x4000  }
0x199: {  	[sflag:s16] =	ssyncset.done $0x0  }
0x19a: {  	s15 =	simm.s32 $0x2100;
	[sflag:s16] =	ssyncadd.s32 $0xFFFFC000  }
0x19b: {  	[spmem:s23] =	stream.indirect.scatter.add.f32 [tilespmem:s2], [sflag:$0x5], $0x80, s15, s5, $0x2000b8;
	[tilespmem:$0x1F080] =	vst v63  }
0x19c: {  	_ =	swait.ge [sflag:s30], $0x4000  }
0x19d: {  	[sflag:s30] =	ssyncset.done $0x0  }
0x19e: {  	s20 =	simm.s32 $0x2A00;
	[sflag:s30] =	ssyncadd.s32 $0xFFFFC000  }
0x19f: {  	[tilespmem:s2], [sflag:$0x1] =	stream.indirect.gather [hbm4b:s22+s5], $0x80, s20, s5, $0x2000b8;
	[tilespmem:$0x1F080] =	vst v63  }
0x1a0: {  	_ =	swait.ge [sflag:s31], $0x4000  }
0x1a1: {  	[sflag:s31] =	ssyncset.done $0x0  }
0x1a2: {  	s17 =	simm.s32 $0x2180;
	[sflag:s31] =	ssyncadd.s32 $0xFFFFC000  }
0x1a3: {  	[spmem:s23] =	stream.indirect.scatter.add.f32 [tilespmem:s29], [sflag:$0x6], $0x80, s17, s5, $0x2000b8;
	[tilespmem:$0x1F080] =	vst v63  }
0x1a4: {  	_ =	swait.ge [sflag:s21], $0x4000  }
0x1a5: {  	[sflag:s21] =	ssyncset.done $0x0  }
0x1a6: {  	s19 =	simm.s32 $0x2A80;
	[sflag:s21] =	ssyncadd.s32 $0xFFFFC000  }
0x1a7: {  	[tilespmem:s29], [sflag:$0x2] =	stream.indirect.gather [hbm4b:s22+s5], $0x80, s19, s5, $0x2000b8;
	[tilespmem:$0x1F080] =	vst v63  }
0x1a8: {  	_ =	swait.ge [sflag:s16], $0x4000  }
0x1a9: {  	[sflag:s16] =	ssyncset.done $0x0  }
0x1aa: {  	s18 =	simm.s32 $0x2200;
	[sflag:s16] =	ssyncadd.s32 $0xFFFFC000  }
0x1ab: {  	[spmem:s23] =	stream.indirect.scatter.add.f32 [tilespmem:s2], [sflag:$0x5], $0x80, s18, s5, $0x2000b8;
	[tilespmem:$0x1F080] =	vst v63  }
0x1ac: {  	_ =	swait.ge [sflag:s30], $0x4000  }
0x1ad: {  	[sflag:s30] =	ssyncset.done $0x0  }
0x1ae: {  	s18 =	simm.s32 $0x2B00;
	[sflag:s30] =	ssyncadd.s32 $0xFFFFC000  }
0x1af: {  	[tilespmem:s2], [sflag:$0x1] =	stream.indirect.gather [hbm4b:s22+s5], $0x80, s18, s5, $0x2000b8;
	[tilespmem:$0x1F080] =	vst v63  }
0x1b0: {  	_ =	swait.ge [sflag:s31], $0x4000  }
0x1b1: {  	[sflag:s31] =	ssyncset.done $0x0  }
0x1b2: {  	s1 =	simm.s32 $0x2280;
	[sflag:s31] =	ssyncadd.s32 $0xFFFFC000  }
0x1b3: {  	[spmem:s23] =	stream.indirect.scatter.add.f32 [tilespmem:s29], [sflag:$0x6], $0x80, s1, s5, $0x2000b8;
	[tilespmem:$0x1F080] =	vst v63  }
0x1b4: {  	_ =	swait.ge [sflag:s21], $0x4000  }
0x1b5: {  	[sflag:s21] =	ssyncset.done $0x0  }
0x1b6: {  	s17 =	simm.s32 $0x2B80;
	[sflag:s21] =	ssyncadd.s32 $0xFFFFC000  }
0x1b7: {  	[tilespmem:s29], [sflag:$0x2] =	stream.indirect.gather [hbm4b:s22+s5], $0x80, s17, s5, $0x2000b8;
	[tilespmem:$0x1F080] =	vst v63  }
0x1b8: {  	_ =	swait.ge [sflag:s16], $0x4000  }
0x1b9: {  	[sflag:s16] =	ssyncset.done $0x0  }
0x1ba: {  	s6 =	simm.s32 $0x2300;
	[sflag:s16] =	ssyncadd.s32 $0xFFFFC000  }
0x1bb: {  	[spmem:s23] =	stream.indirect.scatter.add.f32 [tilespmem:s2], [sflag:$0x5], $0x80, s6, s5, $0x2000b8;
	[tilespmem:$0x1F080] =	vst v63  }
0x1bc: {  	_ =	swait.ge [sflag:s30], $0x4000  }
0x1bd: {  	[sflag:s30] =	ssyncset.done $0x0  }
0x1be: {  	s15 =	simm.s32 $0x2C00;
	[sflag:s30] =	ssyncadd.s32 $0xFFFFC000  }
0x1bf: {  	[tilespmem:s2], [sflag:$0x1] =	stream.indirect.gather [hbm4b:s22+s5], $0x80, s15, s5, $0x2000b8;
	[tilespmem:$0x1F080] =	vst v63  }
0x1c0: {  	_ =	swait.ge [sflag:s31], $0x4000  }
0x1c1: {  	[sflag:s31] =	ssyncset.done $0x0  }
0x1c2: {  	s8 =	simm.s32 $0x2380;
	[sflag:s31] =	ssyncadd.s32 $0xFFFFC000  }
0x1c3: {  	[spmem:s23] =	stream.indirect.scatter.add.f32 [tilespmem:s29], [sflag:$0x6], $0x80, s8, s5, $0x2000b8;
	[tilespmem:$0x1F080] =	vst v63  }
0x1c4: {  	_ =	swait.ge [sflag:s21], $0x4000  }
0x1c5: {  	[sflag:s21] =	ssyncset.done $0x0  }
0x1c6: {  	s1 =	simm.s32 $0x2C80;
	[sflag:s21] =	ssyncadd.s32 $0xFFFFC000  }
0x1c7: {  	[tilespmem:s29], [sflag:$0x2] =	stream.indirect.gather [hbm4b:s22+s5], $0x80, s1, s5, $0x2000b8;
	[tilespmem:$0x1F080] =	vst v63  }
0x1c8: {  	_ =	swait.ge [sflag:s16], $0x4000  }
0x1c9: {  	[sflag:s16] =	ssyncset.done $0x0  }
0x1ca: {  	s9 =	simm.s32 $0x2400;
	[sflag:s16] =	ssyncadd.s32 $0xFFFFC000  }
0x1cb: {  	[spmem:s23] =	stream.indirect.scatter.add.f32 [tilespmem:s2], [sflag:$0x5], $0x80, s9, s5, $0x2000b8;
	[tilespmem:$0x1F080] =	vst v63  }
0x1cc: {  	_ =	swait.ge [sflag:s30], $0x4000  }
0x1cd: {  	[sflag:s30] =	ssyncset.done $0x0  }
0x1ce: {  	s9 =	simm.s32 $0x2D00;
	[sflag:s30] =	ssyncadd.s32 $0xFFFFC000  }
0x1cf: {  	[tilespmem:s2], [sflag:$0x1] =	stream.indirect.gather [hbm4b:s22+s5], $0x80, s9, s5, $0x2000b8;
	[tilespmem:$0x1F080] =	vst v63  }
0x1d0: {  	_ =	swait.ge [sflag:s31], $0x4000  }
0x1d1: {  	[sflag:s31] =	ssyncset.done $0x0  }
0x1d2: {  	s10 =	simm.s32 $0x2480;
	[sflag:s31] =	ssyncadd.s32 $0xFFFFC000  }
0x1d3: {  	[spmem:s23] =	stream.indirect.scatter.add.f32 [tilespmem:s29], [sflag:$0x6], $0x80, s10, s5, $0x2000b8;
	[tilespmem:$0x1F080] =	vst v63  }
0x1d4: {  	_ =	swait.ge [sflag:s21], $0x4000  }
0x1d5: {  	[sflag:s21] =	ssyncset.done $0x0  }
0x1d6: {  	s14 =	simm.s32 $0x2D80;
	[sflag:s21] =	ssyncadd.s32 $0xFFFFC000  }
0x1d7: {  	[tilespmem:s29], [sflag:$0x2] =	stream.indirect.gather [hbm4b:s22+s5], $0x80, s14, s5, $0x2000b8;
	[tilespmem:$0x1F080] =	vst v63  }
0x1d8: {  	_ =	swait.ge [sflag:s16], $0x4000  }
0x1d9: {  	[sflag:s16] =	ssyncset.done $0x0  }
0x1da: {  	s12 =	simm.s32 $0x2500;
	[sflag:s16] =	ssyncadd.s32 $0xFFFFC000  }
0x1db: {  	[spmem:s23] =	stream.indirect.scatter.add.f32 [tilespmem:s2], [sflag:$0x5], $0x80, s12, s5, $0x2000b8;
	[tilespmem:$0x1F080] =	vst v63  }
0x1dc: {  	_ =	swait.ge [sflag:s30], $0x4000  }
0x1dd: {  	[sflag:s30] =	ssyncset.done $0x0  }
0x1de: {  	s12 =	simm.s32 $0x2E00;
	[sflag:s30] =	ssyncadd.s32 $0xFFFFC000  }
0x1df: {  	[tilespmem:s2], [sflag:$0x1] =	stream.indirect.gather [hbm4b:s22+s5], $0x80, s12, s5, $0x2000b8;
	[tilespmem:$0x1F080] =	vst v63  }
0x1e0: {  	_ =	swait.ge [sflag:s31], $0x4000  }
0x1e1: {  	[sflag:s31] =	ssyncset.done $0x0  }
0x1e2: {  	s6 =	simm.s32 $0x2580;
	[sflag:s31] =	ssyncadd.s32 $0xFFFFC000  }
0x1e3: {  	[spmem:s23] =	stream.indirect.scatter.add.f32 [tilespmem:s29], [sflag:$0x6], $0x80, s6, s5, $0x2000b8;
	[tilespmem:$0x1F080] =	vst v63  }
0x1e4: {  	_ =	swait.ge [sflag:s21], $0x4000  }
0x1e5: {  	[sflag:s21] =	ssyncset.done $0x0  }
0x1e6: {  	s10 =	simm.s32 $0x2E80;
	[sflag:s21] =	ssyncadd.s32 $0xFFFFC000  }
0x1e7: {  	[tilespmem:s29], [sflag:$0x2] =	stream.indirect.gather [hbm4b:s22+s5], $0x80, s10, s5, $0x2000b8;
	[tilespmem:$0x1F080] =	vst v63  }
0x1e8: {  	_ =	swait.ge [sflag:s16], $0x4000  }
0x1e9: {  	[sflag:s16] =	ssyncset.done $0x0  }
0x1ea: {  	s8 =	simm.s32 $0x2600;
	[sflag:s16] =	ssyncadd.s32 $0xFFFFC000  }
0x1eb: {  	[spmem:s23] =	stream.indirect.scatter.add.f32 [tilespmem:s2], [sflag:$0x5], $0x80, s8, s5, $0x2000b8;
	[tilespmem:$0x1F080] =	vst v63  }
0x1ec: {  	_ =	swait.ge [sflag:s30], $0x4000  }
0x1ed: {  	[sflag:s30] =	ssyncset.done $0x0  }
0x1ee: {  	s8 =	simm.s32 $0x2F00;
	[sflag:s30] =	ssyncadd.s32 $0xFFFFC000  }
0x1ef: {  	[tilespmem:s2], [sflag:$0x1] =	stream.indirect.gather [hbm4b:s22+s5], $0x80, s8, s5, $0x2000b8;
	[tilespmem:$0x1F080] =	vst v63  }
0x1f0: {  	_ =	swait.ge [sflag:s31], $0x4000  }
0x1f1: {  	[sflag:s31] =	ssyncset.done $0x0  }
0x1f2: {  	s6 =	simm.s32 $0x2680;
	[sflag:s31] =	ssyncadd.s32 $0xFFFFC000  }
0x1f3: {  	[spmem:s23] =	stream.indirect.scatter.add.f32 [tilespmem:s29], [sflag:$0x6], $0x80, s6, s5, $0x2000b8;
	[tilespmem:$0x1F080] =	vst v63  }
0x1f4: {  	_ =	swait.ge [sflag:s21], $0x4000  }
0x1f5: {  	[sflag:s21] =	ssyncset.done $0x0  }
0x1f6: {  	s0 =	simm.s32 $0x2F80;
	[sflag:s21] =	ssyncadd.s32 $0xFFFFC000  }
0x1f7: {  	[tilespmem:s29], [sflag:$0x2] =	stream.indirect.gather [hbm4b:s22+s5], $0x80, s0, s5, $0x2000b8;
	[tilespmem:$0x1F080] =	vst v63  }
0x1f8: {  	_ =	swait.ge [sflag:s16], $0x4000  }
0x1f9: {  	[sflag:s16] =	ssyncset.done $0x0  }
0x1fa: {  	s6 =	simm.s32 $0x2700;
	[sflag:s16] =	ssyncadd.s32 $0xFFFFC000  }
0x1fb: {  	[spmem:s23] =	stream.indirect.scatter.add.f32 [tilespmem:s2], [sflag:$0x5], $0x80, s6, s5, $0x2000b8;
	[tilespmem:$0x1F080] =	vst v63  }
0x1fc: {  	_ =	swait.ge [sflag:s31], $0x4000  }
0x1fd: {  	[sflag:s31] =	ssyncset.done $0x0  }
0x1fe: {  	s6 =	simm.s32 $0x2780;
	[sflag:s31] =	ssyncadd.s32 $0xFFFFC000  }
0x1ff: {  	[spmem:s23] =	stream.indirect.scatter.add.f32 [tilespmem:s29], [sflag:$0x6], $0x80, s6, s5, $0x2000b8;
	[tilespmem:$0x1F080] =	vst v63  }
0x200: {  	_ =	swait.ge [sflag:s30], $0x4000  }
0x201: {  	[sflag:s30] =	ssyncset.done $0x0  }
0x202: {  	[sflag:s30] =	ssyncadd.s32 $0xFFFFC000  }
0x203: {  	_ =	swait.ge [sflag:s21], $0x4000  }
0x204: {  	[sflag:s21] =	ssyncset.done $0x0  }
0x205: {  	[sflag:s21] =	ssyncadd.s32 $0xFFFFC000  }
0x206: {  	_ =	strace $0x9000004E  }
0x207: {  	_ =	strace $0x8000004F  }
0x208: {  	s6 =	rddreg [dreg:$0x11]  }
0x209: {  	[tilespmem:s13], [sflag:$0x7] =	stream.linear.gather [hbm4b:s6+s25], $0x800, $0x200038;
	[tilespmem:$0x1F080] =	vst v63  }
0x20a: {  	_ =	swait.ge [sflag:s3], $0x800  }
0x20b: {  	[sflag:s3] =	ssyncset.done $0x0  }
0x20c: {  	s6 =	rddreg [dreg:$0x12];
	[sflag:s3] =	ssyncadd.s32 $0xFFFFF800  }
0x20d: {  	[tilespmem:s28], [sflag:$0x7] =	stream.linear.gather [hbm4b:s6+s25], $0x800, $0x200038;
	[tilespmem:$0x1F080] =	vst v63  }
0x20e: {  	_ =	swait.ge [sflag:s3], $0x800  }
0x20f: {  	[sflag:s3] =	ssyncset.done $0x0  }
0x210: {  	s11 =	simm.s32 $0x2800;
	[sflag:s3] =	ssyncadd.s32 $0xFFFFF800  }
0x211: {  	[tilespmem:s11], [sflag:$0x4] =	stream.indirect.gather [hbm4b:s26+s5], $0x1, s13, s5, $0x2000b8;
	[tilespmem:$0x1F080] =	vst v63  }
0x212: {  	s28 =	simm.s32 $0x1880;
	s13 =	simm.s32 $0x2880  }
0x213: {  	[tilespmem:s13], [sflag:$0x4] =	stream.indirect.gather [hbm4b:s26+s5], $0x1, s28, s5, $0x2000b8;
	[tilespmem:$0x1F080] =	vst v63  }
0x214: {  	s11 =	simm.s32 $0x1900  }
0x215: {  	[tilespmem:s7], [sflag:$0x4] =	stream.indirect.gather [hbm4b:s26+s5], $0x1, s11, s5, $0x2000b8;
	[tilespmem:$0x1F080] =	vst v63  }
0x216: {  	s13 =	simm.s32 $0x1980  }
0x217: {  	[tilespmem:s24], [sflag:$0x4] =	stream.indirect.gather [hbm4b:s26+s5], $0x1, s13, s5, $0x2000b8;
	[tilespmem:$0x1F080] =	vst v63  }
0x218: {  	s24 =	simm.s32 $0x1A00  }
0x219: {  	[tilespmem:s20], [sflag:$0x4] =	stream.indirect.gather [hbm4b:s26+s5], $0x1, s24, s5, $0x2000b8;
	[tilespmem:$0x1F080] =	vst v63  }
0x21a: {  	s28 =	simm.s32 $0x1A80  }
0x21b: {  	[tilespmem:s19], [sflag:$0x4] =	stream.indirect.gather [hbm4b:s26+s5], $0x1, s28, s5, $0x2000b8;
	[tilespmem:$0x1F080] =	vst v63  }
0x21c: {  	s7 =	simm.s32 $0x1B00  }
0x21d: {  	[tilespmem:s18], [sflag:$0x4] =	stream.indirect.gather [hbm4b:s26+s5], $0x1, s7, s5, $0x2000b8;
	[tilespmem:$0x1F080] =	vst v63  }
0x21e: {  	s11 =	simm.s32 $0x1B80  }
0x21f: {  	[tilespmem:s17], [sflag:$0x4] =	stream.indirect.gather [hbm4b:s26+s5], $0x1, s11, s5, $0x2000b8;
	[tilespmem:$0x1F080] =	vst v63  }
0x220: {  	s13 =	simm.s32 $0x1C00  }
0x221: {  	[tilespmem:s15], [sflag:$0x4] =	stream.indirect.gather [hbm4b:s26+s5], $0x1, s13, s5, $0x2000b8;
	[tilespmem:$0x1F080] =	vst v63  }
0x222: {  	s15 =	simm.s32 $0x1C80  }
0x223: {  	[tilespmem:s1], [sflag:$0x4] =	stream.indirect.gather [hbm4b:s26+s5], $0x1, s15, s5, $0x2000b8;
	[tilespmem:$0x1F080] =	vst v63  }
0x224: {  	s17 =	simm.s32 $0x1D00  }
0x225: {  	[tilespmem:s9], [sflag:$0x4] =	stream.indirect.gather [hbm4b:s26+s5], $0x1, s17, s5, $0x2000b8;
	[tilespmem:$0x1F080] =	vst v63  }
0x226: {  	s18 =	simm.s32 $0x1D80  }
0x227: {  	[tilespmem:s14], [sflag:$0x4] =	stream.indirect.gather [hbm4b:s26+s5], $0x1, s18, s5, $0x2000b8;
	[tilespmem:$0x1F080] =	vst v63  }
0x228: {  	s19 =	simm.s32 $0x1E00  }
0x229: {  	[tilespmem:s12], [sflag:$0x4] =	stream.indirect.gather [hbm4b:s26+s5], $0x1, s19, s5, $0x2000b8;
	[tilespmem:$0x1F080] =	vst v63  }
0x22a: {  	s20 =	simm.s32 $0x1E80  }
0x22b: {  	[tilespmem:s10], [sflag:$0x4] =	stream.indirect.gather [hbm4b:s26+s5], $0x1, s20, s5, $0x2000b8;
	[tilespmem:$0x1F080] =	vst v63  }
0x22c: {  	s24 =	simm.s32 $0x1F00  }
0x22d: {  	[tilespmem:s8], [sflag:$0x4] =	stream.indirect.gather [hbm4b:s26+s5], $0x1, s24, s5, $0x2000b8;
	[tilespmem:$0x1F080] =	vst v63  }
0x22e: {  	s28 =	simm.s32 $0x1F80  }
0x22f: {  	[tilespmem:s0], [sflag:$0x4] =	stream.indirect.gather [hbm4b:s26+s5], $0x1, s28, s5, $0x2000b8;
	[tilespmem:$0x1F080] =	vst v63  }
0x230: {  	_ =	strace $0x9000004F  }
0x231: {  	s6 =	simm.s32 $0x3;
	_ =	strace $0x80000050  }
0x232: {  	_ =	swait.ge [sflag:s6], $0x800  }
0x233: {  	[sflag:s6] =	ssyncset.done $0x0  }
0x234: {  	s28 =	simm.s32 $0x1000;
	[sflag:s6] =	ssyncadd.s32 $0xFFFFF800  }
0x235: {  	[tilespmem:s2], [sflag:$0x1] =	stream.indirect.gather [hbm4b:s22+s5], $0x80, s28, s5, $0x2000b8;
	[tilespmem:$0x1F080] =	vst v63  }
0x236: {  	s11 =	simm.s32 $0x1080  }
0x237: {  	[tilespmem:s29], [sflag:$0x2] =	stream.indirect.gather [hbm4b:s22+s5], $0x80, s11, s5, $0x2000b8;
	[tilespmem:$0x1F080] =	vst v63  }
0x238: {  	_ =	swait.ge [sflag:s16], $0x4000  }
0x239: {  	[sflag:s16] =	ssyncset.done $0x0  }
0x23a: {  	s24 =	simm.s32 $0x800;
	[sflag:s16] =	ssyncadd.s32 $0xFFFFC000  }
0x23b: {  	[spmem:s23] =	stream.indirect.scatter.add.f32 [tilespmem:s2], [sflag:$0x5], $0x80, s24, s5, $0x2000b8;
	[tilespmem:$0x1F080] =	vst v63  }
0x23c: {  	_ =	swait.ge [sflag:s30], $0x4000  }
0x23d: {  	[sflag:s30] =	ssyncset.done $0x0  }
0x23e: {  	s9 =	simm.s32 $0x1100;
	[sflag:s30] =	ssyncadd.s32 $0xFFFFC000  }
0x23f: {  	[tilespmem:s2], [sflag:$0x1] =	stream.indirect.gather [hbm4b:s22+s5], $0x80, s9, s5, $0x2000b8;
	[tilespmem:$0x1F080] =	vst v63  }
0x240: {  	_ =	swait.ge [sflag:s31], $0x4000  }
0x241: {  	[sflag:s31] =	ssyncset.done $0x0  }
0x242: {  	s7 =	simm.s32 $0x880;
	[sflag:s31] =	ssyncadd.s32 $0xFFFFC000  }
0x243: {  	[spmem:s23] =	stream.indirect.scatter.add.f32 [tilespmem:s29], [sflag:$0x6], $0x80, s7, s5, $0x2000b8;
	[tilespmem:$0x1F080] =	vst v63  }
0x244: {  	_ =	swait.ge [sflag:s21], $0x4000  }
0x245: {  	[sflag:s21] =	ssyncset.done $0x0  }
0x246: {  	s13 =	simm.s32 $0x1180;
	[sflag:s21] =	ssyncadd.s32 $0xFFFFC000  }
0x247: {  	[tilespmem:s29], [sflag:$0x2] =	stream.indirect.gather [hbm4b:s22+s5], $0x80, s13, s5, $0x2000b8;
	[tilespmem:$0x1F080] =	vst v63  }
0x248: {  	_ =	swait.ge [sflag:s16], $0x4000  }
0x249: {  	[sflag:s16] =	ssyncset.done $0x0  }
0x24a: {  	s8 =	simm.s32 $0x900;
	[sflag:s16] =	ssyncadd.s32 $0xFFFFC000  }
0x24b: {  	[spmem:s23] =	stream.indirect.scatter.add.f32 [tilespmem:s2], [sflag:$0x5], $0x80, s8, s5, $0x2000b8;
	[tilespmem:$0x1F080] =	vst v63  }
0x24c: {  	_ =	swait.ge [sflag:s30], $0x4000  }
0x24d: {  	[sflag:s30] =	ssyncset.done $0x0  }
0x24e: {  	s20 =	simm.s32 $0x1200;
	[sflag:s30] =	ssyncadd.s32 $0xFFFFC000  }
0x24f: {  	[tilespmem:s2], [sflag:$0x1] =	stream.indirect.gather [hbm4b:s22+s5], $0x80, s20, s5, $0x2000b8;
	[tilespmem:$0x1F080] =	vst v63  }
0x250: {  	_ =	swait.ge [sflag:s31], $0x4000  }
0x251: {  	[sflag:s31] =	ssyncset.done $0x0  }
0x252: {  	s10 =	simm.s32 $0x980;
	[sflag:s31] =	ssyncadd.s32 $0xFFFFC000  }
0x253: {  	[spmem:s23] =	stream.indirect.scatter.add.f32 [tilespmem:s29], [sflag:$0x6], $0x80, s10, s5, $0x2000b8;
	[tilespmem:$0x1F080] =	vst v63  }
0x254: {  	_ =	swait.ge [sflag:s21], $0x4000  }
0x255: {  	[sflag:s21] =	ssyncset.done $0x0  }
0x256: {  	s19 =	simm.s32 $0x1280;
	[sflag:s21] =	ssyncadd.s32 $0xFFFFC000  }
0x257: {  	[tilespmem:s29], [sflag:$0x2] =	stream.indirect.gather [hbm4b:s22+s5], $0x80, s19, s5, $0x2000b8;
	[tilespmem:$0x1F080] =	vst v63  }
0x258: {  	_ =	swait.ge [sflag:s16], $0x4000  }
0x259: {  	[sflag:s16] =	ssyncset.done $0x0  }
0x25a: {  	s12 =	simm.s32 $0xA00;
	[sflag:s16] =	ssyncadd.s32 $0xFFFFC000  }
0x25b: {  	[spmem:s23] =	stream.indirect.scatter.add.f32 [tilespmem:s2], [sflag:$0x5], $0x80, s12, s5, $0x2000b8;
	[tilespmem:$0x1F080] =	vst v63  }
0x25c: {  	_ =	swait.ge [sflag:s30], $0x4000  }
0x25d: {  	[sflag:s30] =	ssyncset.done $0x0  }
0x25e: {  	s18 =	simm.s32 $0x1300;
	[sflag:s30] =	ssyncadd.s32 $0xFFFFC000  }
0x25f: {  	[tilespmem:s2], [sflag:$0x1] =	stream.indirect.gather [hbm4b:s22+s5], $0x80, s18, s5, $0x2000b8;
	[tilespmem:$0x1F080] =	vst v63  }
0x260: {  	_ =	swait.ge [sflag:s31], $0x4000  }
0x261: {  	[sflag:s31] =	ssyncset.done $0x0  }
0x262: {  	s14 =	simm.s32 $0xA80;
	[sflag:s31] =	ssyncadd.s32 $0xFFFFC000  }
0x263: {  	[spmem:s23] =	stream.indirect.scatter.add.f32 [tilespmem:s29], [sflag:$0x6], $0x80, s14, s5, $0x2000b8;
	[tilespmem:$0x1F080] =	vst v63  }
0x264: {  	_ =	swait.ge [sflag:s21], $0x4000  }
0x265: {  	[sflag:s21] =	ssyncset.done $0x0  }
0x266: {  	s17 =	simm.s32 $0x1380;
	[sflag:s21] =	ssyncadd.s32 $0xFFFFC000  }
0x267: {  	[tilespmem:s29], [sflag:$0x2] =	stream.indirect.gather [hbm4b:s22+s5], $0x80, s17, s5, $0x2000b8;
	[tilespmem:$0x1F080] =	vst v63  }
0x268: {  	_ =	swait.ge [sflag:s16], $0x4000  }
0x269: {  	[sflag:s16] =	ssyncset.done $0x0  }
0x26a: {  	s15 =	simm.s32 $0xB00;
	[sflag:s16] =	ssyncadd.s32 $0xFFFFC000  }
0x26b: {  	[spmem:s23] =	stream.indirect.scatter.add.f32 [tilespmem:s2], [sflag:$0x5], $0x80, s15, s5, $0x2000b8;
	[tilespmem:$0x1F080] =	vst v63  }
0x26c: {  	_ =	swait.ge [sflag:s30], $0x4000  }
0x26d: {  	[sflag:s30] =	ssyncset.done $0x0  }
0x26e: {  	s15 =	simm.s32 $0x1400;
	[sflag:s30] =	ssyncadd.s32 $0xFFFFC000  }
0x26f: {  	[tilespmem:s2], [sflag:$0x1] =	stream.indirect.gather [hbm4b:s22+s5], $0x80, s15, s5, $0x2000b8;
	[tilespmem:$0x1F080] =	vst v63  }
0x270: {  	_ =	swait.ge [sflag:s31], $0x4000  }
0x271: {  	[sflag:s31] =	ssyncset.done $0x0  }
0x272: {  	s0 =	simm.s32 $0xB80;
	[sflag:s31] =	ssyncadd.s32 $0xFFFFC000  }
0x273: {  	[spmem:s23] =	stream.indirect.scatter.add.f32 [tilespmem:s29], [sflag:$0x6], $0x80, s0, s5, $0x2000b8;
	[tilespmem:$0x1F080] =	vst v63  }
0x274: {  	_ =	swait.ge [sflag:s21], $0x4000  }
0x275: {  	[sflag:s21] =	ssyncset.done $0x0  }
0x276: {  	s14 =	simm.s32 $0x1480;
	[sflag:s21] =	ssyncadd.s32 $0xFFFFC000  }
0x277: {  	[tilespmem:s29], [sflag:$0x2] =	stream.indirect.gather [hbm4b:s22+s5], $0x80, s14, s5, $0x2000b8;
	[tilespmem:$0x1F080] =	vst v63  }
0x278: {  	_ =	swait.ge [sflag:s16], $0x4000  }
0x279: {  	[sflag:s16] =	ssyncset.done $0x0  }
0x27a: {  	s1 =	simm.s32 $0xC00;
	[sflag:s16] =	ssyncadd.s32 $0xFFFFC000  }
0x27b: {  	[spmem:s23] =	stream.indirect.scatter.add.f32 [tilespmem:s2], [sflag:$0x5], $0x80, s1, s5, $0x2000b8;
	[tilespmem:$0x1F080] =	vst v63  }
0x27c: {  	_ =	swait.ge [sflag:s30], $0x4000  }
0x27d: {  	[sflag:s30] =	ssyncset.done $0x0  }
0x27e: {  	s12 =	simm.s32 $0x1500;
	[sflag:s30] =	ssyncadd.s32 $0xFFFFC000  }
0x27f: {  	[tilespmem:s2], [sflag:$0x1] =	stream.indirect.gather [hbm4b:s22+s5], $0x80, s12, s5, $0x2000b8;
	[tilespmem:$0x1F080] =	vst v63  }
0x280: {  	_ =	swait.ge [sflag:s31], $0x4000  }
0x281: {  	[sflag:s31] =	ssyncset.done $0x0  }
0x282: {  	s7 =	simm.s32 $0xC80;
	[sflag:s31] =	ssyncadd.s32 $0xFFFFC000  }
0x283: {  	[spmem:s23] =	stream.indirect.scatter.add.f32 [tilespmem:s29], [sflag:$0x6], $0x80, s7, s5, $0x2000b8;
	[tilespmem:$0x1F080] =	vst v63  }
0x284: {  	_ =	swait.ge [sflag:s21], $0x4000  }
0x285: {  	[sflag:s21] =	ssyncset.done $0x0  }
0x286: {  	s10 =	simm.s32 $0x1580;
	[sflag:s21] =	ssyncadd.s32 $0xFFFFC000  }
0x287: {  	[tilespmem:s29], [sflag:$0x2] =	stream.indirect.gather [hbm4b:s22+s5], $0x80, s10, s5, $0x2000b8;
	[tilespmem:$0x1F080] =	vst v63  }
0x288: {  	_ =	swait.ge [sflag:s16], $0x4000  }
0x289: {  	[sflag:s16] =	ssyncset.done $0x0  }
0x28a: {  	s8 =	simm.s32 $0xD00;
	[sflag:s16] =	ssyncadd.s32 $0xFFFFC000  }
0x28b: {  	[spmem:s23] =	stream.indirect.scatter.add.f32 [tilespmem:s2], [sflag:$0x5], $0x80, s8, s5, $0x2000b8;
	[tilespmem:$0x1F080] =	vst v63  }
0x28c: {  	_ =	swait.ge [sflag:s30], $0x4000  }
0x28d: {  	[sflag:s30] =	ssyncset.done $0x0  }
0x28e: {  	s8 =	simm.s32 $0x1600;
	[sflag:s30] =	ssyncadd.s32 $0xFFFFC000  }
0x28f: {  	[tilespmem:s2], [sflag:$0x1] =	stream.indirect.gather [hbm4b:s22+s5], $0x80, s8, s5, $0x2000b8;
	[tilespmem:$0x1F080] =	vst v63  }
0x290: {  	_ =	swait.ge [sflag:s31], $0x4000  }
0x291: {  	[sflag:s31] =	ssyncset.done $0x0  }
0x292: {  	s0 =	simm.s32 $0xD80;
	[sflag:s31] =	ssyncadd.s32 $0xFFFFC000  }
0x293: {  	[spmem:s23] =	stream.indirect.scatter.add.f32 [tilespmem:s29], [sflag:$0x6], $0x80, s0, s5, $0x2000b8;
	[tilespmem:$0x1F080] =	vst v63  }
0x294: {  	_ =	swait.ge [sflag:s21], $0x4000  }
0x295: {  	[sflag:s21] =	ssyncset.done $0x0  }
0x296: {  	s7 =	simm.s32 $0x1680;
	[sflag:s21] =	ssyncadd.s32 $0xFFFFC000  }
0x297: {  	[tilespmem:s29], [sflag:$0x2] =	stream.indirect.gather [hbm4b:s22+s5], $0x80, s7, s5, $0x2000b8;
	[tilespmem:$0x1F080] =	vst v63  }
0x298: {  	_ =	swait.ge [sflag:s16], $0x4000  }
0x299: {  	[sflag:s16] =	ssyncset.done $0x0  }
0x29a: {  	s1 =	simm.s32 $0xE00;
	[sflag:s16] =	ssyncadd.s32 $0xFFFFC000  }
0x29b: {  	[spmem:s23] =	stream.indirect.scatter.add.f32 [tilespmem:s2], [sflag:$0x5], $0x80, s1, s5, $0x2000b8;
	[tilespmem:$0x1F080] =	vst v63  }
0x29c: {  	_ =	swait.ge [sflag:s30], $0x4000  }
0x29d: {  	[sflag:s30] =	ssyncset.done $0x0  }
0x29e: {  	s1 =	simm.s32 $0x1700;
	[sflag:s30] =	ssyncadd.s32 $0xFFFFC000  }
0x29f: {  	[tilespmem:s2], [sflag:$0x1] =	stream.indirect.gather [hbm4b:s22+s5], $0x80, s1, s5, $0x2000b8;
	[tilespmem:$0x1F080] =	vst v63  }
0x2a0: {  	_ =	swait.ge [sflag:s31], $0x4000  }
0x2a1: {  	[sflag:s31] =	ssyncset.done $0x0  }
0x2a2: {  	s0 =	simm.s32 $0xE80;
	[sflag:s31] =	ssyncadd.s32 $0xFFFFC000  }
0x2a3: {  	[spmem:s23] =	stream.indirect.scatter.add.f32 [tilespmem:s29], [sflag:$0x6], $0x80, s0, s5, $0x2000b8;
	[tilespmem:$0x1F080] =	vst v63  }
0x2a4: {  	_ =	swait.ge [sflag:s21], $0x4000  }
0x2a5: {  	[sflag:s21] =	ssyncset.done $0x0  }
0x2a6: {  	s0 =	simm.s32 $0x1780;
	[sflag:s21] =	ssyncadd.s32 $0xFFFFC000  }
0x2a7: {  	[tilespmem:s29], [sflag:$0x2] =	stream.indirect.gather [hbm4b:s22+s5], $0x80, s0, s5, $0x2000b8;
	[tilespmem:$0x1F080] =	vst v63  }
0x2a8: {  	_ =	swait.ge [sflag:s16], $0x4000  }
0x2a9: {  	[sflag:s16] =	ssyncset.done $0x0  }
0x2aa: {  	s6 =	simm.s32 $0xF00;
	[sflag:s16] =	ssyncadd.s32 $0xFFFFC000  }
0x2ab: {  	[spmem:s23] =	stream.indirect.scatter.add.f32 [tilespmem:s2], [sflag:$0x5], $0x80, s6, s5, $0x2000b8;
	[tilespmem:$0x1F080] =	vst v63  }
0x2ac: {  	_ =	swait.ge [sflag:s31], $0x4000  }
0x2ad: {  	[sflag:s31] =	ssyncset.done $0x0  }
0x2ae: {  	s6 =	simm.s32 $0xF80;
	[sflag:s31] =	ssyncadd.s32 $0xFFFFC000  }
0x2af: {  	[spmem:s23] =	stream.indirect.scatter.add.f32 [tilespmem:s29], [sflag:$0x6], $0x80, s6, s5, $0x2000b8;
	[tilespmem:$0x1F080] =	vst v63  }
0x2b0: {  	_ =	swait.ge [sflag:s30], $0x4000  }
0x2b1: {  	[sflag:s30] =	ssyncset.done $0x0  }
0x2b2: {  	[sflag:s30] =	ssyncadd.s32 $0xFFFFC000  }
0x2b3: {  	_ =	swait.ge [sflag:s21], $0x4000  }
0x2b4: {  	[sflag:s21] =	ssyncset.done $0x0  }
0x2b5: {  	[sflag:s21] =	ssyncadd.s32 $0xFFFFC000  }
0x2b6: {  	_ =	strace $0x90000050  }
0x2b7: {  	_ =	strace $0x80000051  }
0x2b8: {  	s6 =	rddreg [dreg:$0x13]  }
0x2b9: {  	[tilespmem:s25], [sflag:$0x7] =	stream.linear.gather [hbm4b:s6+s25], $0x800, $0x200038;
	[tilespmem:$0x1F080] =	vst v63  }
0x2ba: {  	_ =	swait.ge [sflag:s3], $0x800  }
0x2bb: {  	[sflag:s3] =	ssyncset.done $0x0  }
0x2bc: {  	s6 =	rddreg [dreg:$0x14];
	[sflag:s3] =	ssyncadd.s32 $0xFFFFF800  }
0x2bd: {  	[tilespmem:s24], [sflag:$0x7] =	stream.linear.gather [hbm4b:s6+s25], $0x800, $0x200038;
	[tilespmem:$0x1F080] =	vst v63  }
0x2be: {  	_ =	swait.ge [sflag:s3], $0x800  }
0x2bf: {  	[sflag:s3] =	ssyncset.done $0x0  }
0x2c0: {  	[sflag:s3] =	ssyncadd.s32 $0xFFFFF800  }
0x2c1: {  	[tilespmem:s28], [sflag:$0x3] =	stream.indirect.gather [hbm4b:s26+s5], $0x1, s25, s5, $0x2000b8;
	[tilespmem:$0x1F080] =	vst v63  }
0x2c2: {  	_ = 	snop  }
0x2c3: {  	[tilespmem:s11], [sflag:$0x3] =	stream.indirect.gather [hbm4b:s26+s5], $0x1, s5, s5, $0x2000b8;
	[tilespmem:$0x1F080] =	vst v63  }
0x2c4: {  	s11 =	simm.s32 $0x100  }
0x2c5: {  	[tilespmem:s9], [sflag:$0x3] =	stream.indirect.gather [hbm4b:s26+s5], $0x1, s11, s5, $0x2000b8;
	[tilespmem:$0x1F080] =	vst v63  }
0x2c6: {  	s11 =	simm.s32 $0x180  }
0x2c7: {  	[tilespmem:s13], [sflag:$0x3] =	stream.indirect.gather [hbm4b:s26+s5], $0x1, s11, s5, $0x2000b8;
	[tilespmem:$0x1F080] =	vst v63  }
0x2c8: {  	s11 =	simm.s32 $0x200  }
0x2c9: {  	[tilespmem:s20], [sflag:$0x3] =	stream.indirect.gather [hbm4b:s26+s5], $0x1, s11, s5, $0x2000b8;
	[tilespmem:$0x1F080] =	vst v63  }
0x2ca: {  	s11 =	simm.s32 $0x280  }
0x2cb: {  	[tilespmem:s19], [sflag:$0x3] =	stream.indirect.gather [hbm4b:s26+s5], $0x1, s11, s5, $0x2000b8;
	[tilespmem:$0x1F080] =	vst v63  }
0x2cc: {  	s11 =	simm.s32 $0x300  }
0x2cd: {  	[tilespmem:s18], [sflag:$0x3] =	stream.indirect.gather [hbm4b:s26+s5], $0x1, s11, s5, $0x2000b8;
	[tilespmem:$0x1F080] =	vst v63  }
0x2ce: {  	s11 =	simm.s32 $0x380  }
0x2cf: {  	[tilespmem:s17], [sflag:$0x3] =	stream.indirect.gather [hbm4b:s26+s5], $0x1, s11, s5, $0x2000b8;
	[tilespmem:$0x1F080] =	vst v63  }
0x2d0: {  	s11 =	simm.s32 $0x400  }
0x2d1: {  	[tilespmem:s15], [sflag:$0x3] =	stream.indirect.gather [hbm4b:s26+s5], $0x1, s11, s5, $0x2000b8;
	[tilespmem:$0x1F080] =	vst v63  }
0x2d2: {  	s11 =	simm.s32 $0x480  }
0x2d3: {  	[tilespmem:s14], [sflag:$0x3] =	stream.indirect.gather [hbm4b:s26+s5], $0x1, s11, s5, $0x2000b8;
	[tilespmem:$0x1F080] =	vst v63  }
0x2d4: {  	s11 =	simm.s32 $0x500  }
0x2d5: {  	[tilespmem:s12], [sflag:$0x3] =	stream.indirect.gather [hbm4b:s26+s5], $0x1, s11, s5, $0x2000b8;
	[tilespmem:$0x1F080] =	vst v63  }
0x2d6: {  	s11 =	simm.s32 $0x580  }
0x2d7: {  	[tilespmem:s10], [sflag:$0x3] =	stream.indirect.gather [hbm4b:s26+s5], $0x1, s11, s5, $0x2000b8;
	[tilespmem:$0x1F080] =	vst v63  }
0x2d8: {  	s11 =	simm.s32 $0x600  }
0x2d9: {  	[tilespmem:s8], [sflag:$0x3] =	stream.indirect.gather [hbm4b:s26+s5], $0x1, s11, s5, $0x2000b8;
	[tilespmem:$0x1F080] =	vst v63  }
0x2da: {  	s11 =	simm.s32 $0x680  }
0x2db: {  	[tilespmem:s7], [sflag:$0x3] =	stream.indirect.gather [hbm4b:s26+s5], $0x1, s11, s5, $0x2000b8;
	[tilespmem:$0x1F080] =	vst v63  }
0x2dc: {  	s11 =	simm.s32 $0x700  }
0x2dd: {  	[tilespmem:s1], [sflag:$0x3] =	stream.indirect.gather [hbm4b:s26+s5], $0x1, s11, s5, $0x2000b8;
	[tilespmem:$0x1F080] =	vst v63  }
0x2de: {  	s11 =	simm.s32 $0x780  }
0x2df: {  	[tilespmem:s0], [sflag:$0x3] =	stream.indirect.gather [hbm4b:s26+s5], $0x1, s11, s5, $0x2000b8;
	[tilespmem:$0x1F080] =	vst v63  }
0x2e0: {  	_ =	strace $0x90000051  }
0x2e1: {  	_ =	strace $0x80000052  }
0x2e2: {  	_ =	swait.ge [sflag:s4], $0x800  }
0x2e3: {  	[sflag:s4] =	ssyncset.done $0x0  }
0x2e4: {  	[sflag:s4] =	ssyncadd.s32 $0xFFFFF800;
	s4 =	simm.s32 $0x2800  }
0x2e5: {  	[tilespmem:s2], [sflag:$0x1] =	stream.indirect.gather [hbm4b:s22+s5], $0x80, s4, s5, $0x2000b8;
	[tilespmem:$0x1F080] =	vst v63  }
0x2e6: {  	s4 =	simm.s32 $0x2880  }
0x2e7: {  	[tilespmem:s29], [sflag:$0x2] =	stream.indirect.gather [hbm4b:s22+s5], $0x80, s4, s5, $0x2000b8;
	[tilespmem:$0x1F080] =	vst v63  }
0x2e8: {  	_ =	swait.ge [sflag:s16], $0x4000  }
0x2e9: {  	[sflag:s16] =	ssyncset.done $0x0  }
0x2ea: {  	s4 =	simm.s32 $0x2000;
	[sflag:s16] =	ssyncadd.s32 $0xFFFFC000  }
0x2eb: {  	[spmem:s23] =	stream.indirect.scatter.add.f32 [tilespmem:s2], [sflag:$0x5], $0x80, s4, s5, $0x2000b8;
	[tilespmem:$0x1F080] =	vst v63  }
0x2ec: {  	_ =	swait.ge [sflag:s30], $0x4000  }
0x2ed: {  	[sflag:s30] =	ssyncset.done $0x0  }
0x2ee: {  	s4 =	simm.s32 $0x2900;
	[sflag:s30] =	ssyncadd.s32 $0xFFFFC000  }
0x2ef: {  	[tilespmem:s2], [sflag:$0x1] =	stream.indirect.gather [hbm4b:s22+s5], $0x80, s4, s5, $0x2000b8;
	[tilespmem:$0x1F080] =	vst v63  }
0x2f0: {  	_ =	swait.ge [sflag:s31], $0x4000  }
0x2f1: {  	[sflag:s31] =	ssyncset.done $0x0  }
0x2f2: {  	s4 =	simm.s32 $0x2080;
	[sflag:s31] =	ssyncadd.s32 $0xFFFFC000  }
0x2f3: {  	[spmem:s23] =	stream.indirect.scatter.add.f32 [tilespmem:s29], [sflag:$0x6], $0x80, s4, s5, $0x2000b8;
	[tilespmem:$0x1F080] =	vst v63  }
0x2f4: {  	_ =	swait.ge [sflag:s21], $0x4000  }
0x2f5: {  	[sflag:s21] =	ssyncset.done $0x0  }
0x2f6: {  	s4 =	simm.s32 $0x2980;
	[sflag:s21] =	ssyncadd.s32 $0xFFFFC000  }
0x2f7: {  	[tilespmem:s29], [sflag:$0x2] =	stream.indirect.gather [hbm4b:s22+s5], $0x80, s4, s5, $0x2000b8;
	[tilespmem:$0x1F080] =	vst v63  }
0x2f8: {  	_ =	swait.ge [sflag:s16], $0x4000  }
0x2f9: {  	[sflag:s16] =	ssyncset.done $0x0  }
0x2fa: {  	s4 =	simm.s32 $0x2100;
	[sflag:s16] =	ssyncadd.s32 $0xFFFFC000  }
0x2fb: {  	[spmem:s23] =	stream.indirect.scatter.add.f32 [tilespmem:s2], [sflag:$0x5], $0x80, s4, s5, $0x2000b8;
	[tilespmem:$0x1F080] =	vst v63  }
0x2fc: {  	_ =	swait.ge [sflag:s30], $0x4000  }
0x2fd: {  	[sflag:s30] =	ssyncset.done $0x0  }
0x2fe: {  	s4 =	simm.s32 $0x2A00;
	[sflag:s30] =	ssyncadd.s32 $0xFFFFC000  }
0x2ff: {  	[tilespmem:s2], [sflag:$0x1] =	stream.indirect.gather [hbm4b:s22+s5], $0x80, s4, s5, $0x2000b8;
	[tilespmem:$0x1F080] =	vst v63  }
0x300: {  	_ =	swait.ge [sflag:s31], $0x4000  }
0x301: {  	[sflag:s31] =	ssyncset.done $0x0  }
0x302: {  	s4 =	simm.s32 $0x2180;
	[sflag:s31] =	ssyncadd.s32 $0xFFFFC000  }
0x303: {  	[spmem:s23] =	stream.indirect.scatter.add.f32 [tilespmem:s29], [sflag:$0x6], $0x80, s4, s5, $0x2000b8;
	[tilespmem:$0x1F080] =	vst v63  }
0x304: {  	_ =	swait.ge [sflag:s21], $0x4000  }
0x305: {  	[sflag:s21] =	ssyncset.done $0x0  }
0x306: {  	s4 =	simm.s32 $0x2A80;
	[sflag:s21] =	ssyncadd.s32 $0xFFFFC000  }
0x307: {  	[tilespmem:s29], [sflag:$0x2] =	stream.indirect.gather [hbm4b:s22+s5], $0x80, s4, s5, $0x2000b8;
	[tilespmem:$0x1F080] =	vst v63  }
0x308: {  	_ =	swait.ge [sflag:s16], $0x4000  }
0x309: {  	[sflag:s16] =	ssyncset.done $0x0  }
0x30a: {  	s4 =	simm.s32 $0x2200;
	[sflag:s16] =	ssyncadd.s32 $0xFFFFC000  }
0x30b: {  	[spmem:s23] =	stream.indirect.scatter.add.f32 [tilespmem:s2], [sflag:$0x5], $0x80, s4, s5, $0x2000b8;
	[tilespmem:$0x1F080] =	vst v63  }
0x30c: {  	_ =	swait.ge [sflag:s30], $0x4000  }
0x30d: {  	[sflag:s30] =	ssyncset.done $0x0  }
0x30e: {  	s4 =	simm.s32 $0x2B00;
	[sflag:s30] =	ssyncadd.s32 $0xFFFFC000  }
0x30f: {  	[tilespmem:s2], [sflag:$0x1] =	stream.indirect.gather [hbm4b:s22+s5], $0x80, s4, s5, $0x2000b8;
	[tilespmem:$0x1F080] =	vst v63  }
0x310: {  	_ =	swait.ge [sflag:s31], $0x4000  }
0x311: {  	[sflag:s31] =	ssyncset.done $0x0  }
0x312: {  	s4 =	simm.s32 $0x2280;
	[sflag:s31] =	ssyncadd.s32 $0xFFFFC000  }
0x313: {  	[spmem:s23] =	stream.indirect.scatter.add.f32 [tilespmem:s29], [sflag:$0x6], $0x80, s4, s5, $0x2000b8;
	[tilespmem:$0x1F080] =	vst v63  }
0x314: {  	_ =	swait.ge [sflag:s21], $0x4000  }
0x315: {  	[sflag:s21] =	ssyncset.done $0x0  }
0x316: {  	s4 =	simm.s32 $0x2B80;
	[sflag:s21] =	ssyncadd.s32 $0xFFFFC000  }
0x317: {  	[tilespmem:s29], [sflag:$0x2] =	stream.indirect.gather [hbm4b:s22+s5], $0x80, s4, s5, $0x2000b8;
	[tilespmem:$0x1F080] =	vst v63  }
0x318: {  	_ =	swait.ge [sflag:s16], $0x4000  }
0x319: {  	[sflag:s16] =	ssyncset.done $0x0  }
0x31a: {  	s4 =	simm.s32 $0x2300;
	[sflag:s16] =	ssyncadd.s32 $0xFFFFC000  }
0x31b: {  	[spmem:s23] =	stream.indirect.scatter.add.f32 [tilespmem:s2], [sflag:$0x5], $0x80, s4, s5, $0x2000b8;
	[tilespmem:$0x1F080] =	vst v63  }
0x31c: {  	_ =	swait.ge [sflag:s30], $0x4000  }
0x31d: {  	[sflag:s30] =	ssyncset.done $0x0  }
0x31e: {  	s4 =	simm.s32 $0x2C00;
	[sflag:s30] =	ssyncadd.s32 $0xFFFFC000  }
0x31f: {  	[tilespmem:s2], [sflag:$0x1] =	stream.indirect.gather [hbm4b:s22+s5], $0x80, s4, s5, $0x2000b8;
	[tilespmem:$0x1F080] =	vst v63  }
0x320: {  	_ =	swait.ge [sflag:s31], $0x4000  }
0x321: {  	[sflag:s31] =	ssyncset.done $0x0  }
0x322: {  	s4 =	simm.s32 $0x2380;
	[sflag:s31] =	ssyncadd.s32 $0xFFFFC000  }
0x323: {  	[spmem:s23] =	stream.indirect.scatter.add.f32 [tilespmem:s29], [sflag:$0x6], $0x80, s4, s5, $0x2000b8;
	[tilespmem:$0x1F080] =	vst v63  }
0x324: {  	_ =	swait.ge [sflag:s21], $0x4000  }
0x325: {  	[sflag:s21] =	ssyncset.done $0x0  }
0x326: {  	s4 =	simm.s32 $0x2C80;
	[sflag:s21] =	ssyncadd.s32 $0xFFFFC000  }
0x327: {  	[tilespmem:s29], [sflag:$0x2] =	stream.indirect.gather [hbm4b:s22+s5], $0x80, s4, s5, $0x2000b8;
	[tilespmem:$0x1F080] =	vst v63  }
0x328: {  	_ =	swait.ge [sflag:s16], $0x4000  }
0x329: {  	[sflag:s16] =	ssyncset.done $0x0  }
0x32a: {  	s4 =	simm.s32 $0x2400;
	[sflag:s16] =	ssyncadd.s32 $0xFFFFC000  }
0x32b: {  	[spmem:s23] =	stream.indirect.scatter.add.f32 [tilespmem:s2], [sflag:$0x5], $0x80, s4, s5, $0x2000b8;
	[tilespmem:$0x1F080] =	vst v63  }
0x32c: {  	_ =	swait.ge [sflag:s30], $0x4000  }
0x32d: {  	[sflag:s30] =	ssyncset.done $0x0  }
0x32e: {  	s4 =	simm.s32 $0x2D00;
	[sflag:s30] =	ssyncadd.s32 $0xFFFFC000  }
0x32f: {  	[tilespmem:s2], [sflag:$0x1] =	stream.indirect.gather [hbm4b:s22+s5], $0x80, s4, s5, $0x2000b8;
	[tilespmem:$0x1F080] =	vst v63  }
0x330: {  	_ =	swait.ge [sflag:s31], $0x4000  }
0x331: {  	[sflag:s31] =	ssyncset.done $0x0  }
0x332: {  	s4 =	simm.s32 $0x2480;
	[sflag:s31] =	ssyncadd.s32 $0xFFFFC000  }
0x333: {  	[spmem:s23] =	stream.indirect.scatter.add.f32 [tilespmem:s29], [sflag:$0x6], $0x80, s4, s5, $0x2000b8;
	[tilespmem:$0x1F080] =	vst v63  }
0x334: {  	_ =	swait.ge [sflag:s21], $0x4000  }
0x335: {  	[sflag:s21] =	ssyncset.done $0x0  }
0x336: {  	s4 =	simm.s32 $0x2D80;
	[sflag:s21] =	ssyncadd.s32 $0xFFFFC000  }
0x337: {  	[tilespmem:s29], [sflag:$0x2] =	stream.indirect.gather [hbm4b:s22+s5], $0x80, s4, s5, $0x2000b8;
	[tilespmem:$0x1F080] =	vst v63  }
0x338: {  	_ =	swait.ge [sflag:s16], $0x4000  }
0x339: {  	[sflag:s16] =	ssyncset.done $0x0  }
0x33a: {  	s4 =	simm.s32 $0x2500;
	[sflag:s16] =	ssyncadd.s32 $0xFFFFC000  }
0x33b: {  	[spmem:s23] =	stream.indirect.scatter.add.f32 [tilespmem:s2], [sflag:$0x5], $0x80, s4, s5, $0x2000b8;
	[tilespmem:$0x1F080] =	vst v63  }
0x33c: {  	_ =	swait.ge [sflag:s30], $0x4000  }
0x33d: {  	[sflag:s30] =	ssyncset.done $0x0  }
0x33e: {  	s4 =	simm.s32 $0x2E00;
	[sflag:s30] =	ssyncadd.s32 $0xFFFFC000  }
0x33f: {  	[tilespmem:s2], [sflag:$0x1] =	stream.indirect.gather [hbm4b:s22+s5], $0x80, s4, s5, $0x2000b8;
	[tilespmem:$0x1F080] =	vst v63  }
0x340: {  	_ =	swait.ge [sflag:s31], $0x4000  }
0x341: {  	[sflag:s31] =	ssyncset.done $0x0  }
0x342: {  	s4 =	simm.s32 $0x2580;
	[sflag:s31] =	ssyncadd.s32 $0xFFFFC000  }
0x343: {  	[spmem:s23] =	stream.indirect.scatter.add.f32 [tilespmem:s29], [sflag:$0x6], $0x80, s4, s5, $0x2000b8;
	[tilespmem:$0x1F080] =	vst v63  }
0x344: {  	_ =	swait.ge [sflag:s21], $0x4000  }
0x345: {  	[sflag:s21] =	ssyncset.done $0x0  }
0x346: {  	s4 =	simm.s32 $0x2E80;
	[sflag:s21] =	ssyncadd.s32 $0xFFFFC000  }
0x347: {  	[tilespmem:s29], [sflag:$0x2] =	stream.indirect.gather [hbm4b:s22+s5], $0x80, s4, s5, $0x2000b8;
	[tilespmem:$0x1F080] =	vst v63  }
0x348: {  	_ =	swait.ge [sflag:s16], $0x4000  }
0x349: {  	[sflag:s16] =	ssyncset.done $0x0  }
0x34a: {  	s4 =	simm.s32 $0x2600;
	[sflag:s16] =	ssyncadd.s32 $0xFFFFC000  }
0x34b: {  	[spmem:s23] =	stream.indirect.scatter.add.f32 [tilespmem:s2], [sflag:$0x5], $0x80, s4, s5, $0x2000b8;
	[tilespmem:$0x1F080] =	vst v63  }
0x34c: {  	_ =	swait.ge [sflag:s30], $0x4000  }
0x34d: {  	[sflag:s30] =	ssyncset.done $0x0  }
0x34e: {  	s4 =	simm.s32 $0x2F00;
	[sflag:s30] =	ssyncadd.s32 $0xFFFFC000  }
0x34f: {  	[tilespmem:s2], [sflag:$0x1] =	stream.indirect.gather [hbm4b:s22+s5], $0x80, s4, s5, $0x2000b8;
	[tilespmem:$0x1F080] =	vst v63  }
0x350: {  	_ =	swait.ge [sflag:s31], $0x4000  }
0x351: {  	[sflag:s31] =	ssyncset.done $0x0  }
0x352: {  	s4 =	simm.s32 $0x2680;
	[sflag:s31] =	ssyncadd.s32 $0xFFFFC000  }
0x353: {  	[spmem:s23] =	stream.indirect.scatter.add.f32 [tilespmem:s29], [sflag:$0x6], $0x80, s4, s5, $0x2000b8;
	[tilespmem:$0x1F080] =	vst v63  }
0x354: {  	_ =	swait.ge [sflag:s21], $0x4000  }
0x355: {  	[sflag:s21] =	ssyncset.done $0x0  }
0x356: {  	s4 =	simm.s32 $0x2F80;
	[sflag:s21] =	ssyncadd.s32 $0xFFFFC000  }
0x357: {  	[tilespmem:s29], [sflag:$0x2] =	stream.indirect.gather [hbm4b:s22+s5], $0x80, s4, s5, $0x2000b8;
	[tilespmem:$0x1F080] =	vst v63  }
0x358: {  	_ =	swait.ge [sflag:s16], $0x4000  }
0x359: {  	[sflag:s16] =	ssyncset.done $0x0  }
0x35a: {  	s4 =	simm.s32 $0x2700;
	[sflag:s16] =	ssyncadd.s32 $0xFFFFC000  }
0x35b: {  	[spmem:s23] =	stream.indirect.scatter.add.f32 [tilespmem:s2], [sflag:$0x5], $0x80, s4, s5, $0x2000b8;
	[tilespmem:$0x1F080] =	vst v63  }
0x35c: {  	_ =	swait.ge [sflag:s31], $0x4000  }
0x35d: {  	[sflag:s31] =	ssyncset.done $0x0  }
0x35e: {  	s4 =	simm.s32 $0x2780;
	[sflag:s31] =	ssyncadd.s32 $0xFFFFC000  }
0x35f: {  	[spmem:s23] =	stream.indirect.scatter.add.f32 [tilespmem:s29], [sflag:$0x6], $0x80, s4, s5, $0x2000b8;
	[tilespmem:$0x1F080] =	vst v63  }
0x360: {  	_ =	swait.ge [sflag:s30], $0x4000  }
0x361: {  	[sflag:s30] =	ssyncset.done $0x0  }
0x362: {  	[sflag:s30] =	ssyncadd.s32 $0xFFFFC000  }
0x363: {  	_ =	swait.ge [sflag:s21], $0x4000  }
0x364: {  	[sflag:s21] =	ssyncset.done $0x0  }
0x365: {  	s4 =	simm.s32 $0x3;
	[sflag:s21] =	ssyncadd.s32 $0xFFFFC000  }
0x366: {  	_ =	swait.ge [sflag:s4], $0x800  }
0x367: {  	[sflag:s4] =	ssyncset.done $0x0  }
0x368: {  	s6 =	simm.s32 $0x1000;
	[sflag:s4] =	ssyncadd.s32 $0xFFFFF800  }
0x369: {  	[tilespmem:s2], [sflag:$0x1] =	stream.indirect.gather [hbm4b:s22+s5], $0x80, s6, s5, $0x2000b8;
	[tilespmem:$0x1F080] =	vst v63  }
0x36a: {  	s28 =	simm.s32 $0x1080  }
0x36b: {  	[tilespmem:s29], [sflag:$0x2] =	stream.indirect.gather [hbm4b:s22+s5], $0x80, s28, s5, $0x2000b8;
	[tilespmem:$0x1F080] =	vst v63  }
0x36c: {  	_ =	swait.ge [sflag:s16], $0x4000  }
0x36d: {  	[sflag:s16] =	ssyncset.done $0x0  }
0x36e: {  	s24 =	simm.s32 $0x800;
	[sflag:s16] =	ssyncadd.s32 $0xFFFFC000  }
0x36f: {  	[spmem:s23] =	stream.indirect.scatter.add.f32 [tilespmem:s2], [sflag:$0x5], $0x80, s24, s5, $0x2000b8;
	[tilespmem:$0x1F080] =	vst v63  }
0x370: {  	_ =	swait.ge [sflag:s30], $0x4000  }
0x371: {  	[sflag:s30] =	ssyncset.done $0x0  }
0x372: {  	s9 =	simm.s32 $0x1100;
	[sflag:s30] =	ssyncadd.s32 $0xFFFFC000  }
0x373: {  	[tilespmem:s2], [sflag:$0x1] =	stream.indirect.gather [hbm4b:s22+s5], $0x80, s9, s5, $0x2000b8;
	[tilespmem:$0x1F080] =	vst v63  }
0x374: {  	_ =	swait.ge [sflag:s31], $0x4000  }
0x375: {  	[sflag:s31] =	ssyncset.done $0x0  }
0x376: {  	s28 =	simm.s32 $0x880;
	[sflag:s31] =	ssyncadd.s32 $0xFFFFC000  }
0x377: {  	[spmem:s23] =	stream.indirect.scatter.add.f32 [tilespmem:s29], [sflag:$0x6], $0x80, s28, s5, $0x2000b8;
	[tilespmem:$0x1F080] =	vst v63  }
0x378: {  	_ =	swait.ge [sflag:s21], $0x4000  }
0x379: {  	[sflag:s21] =	ssyncset.done $0x0  }
0x37a: {  	s13 =	simm.s32 $0x1180;
	[sflag:s21] =	ssyncadd.s32 $0xFFFFC000  }
0x37b: {  	[tilespmem:s29], [sflag:$0x2] =	stream.indirect.gather [hbm4b:s22+s5], $0x80, s13, s5, $0x2000b8;
	[tilespmem:$0x1F080] =	vst v63  }
0x37c: {  	_ =	swait.ge [sflag:s16], $0x4000  }
0x37d: {  	[sflag:s16] =	ssyncset.done $0x0  }
0x37e: {  	s4 =	simm.s32 $0x900;
	[sflag:s16] =	ssyncadd.s32 $0xFFFFC000  }
0x37f: {  	[spmem:s23] =	stream.indirect.scatter.add.f32 [tilespmem:s2], [sflag:$0x5], $0x80, s4, s5, $0x2000b8;
	[tilespmem:$0x1F080] =	vst v63  }
0x380: {  	_ =	swait.ge [sflag:s30], $0x4000  }
0x381: {  	[sflag:s30] =	ssyncset.done $0x0  }
0x382: {  	s20 =	simm.s32 $0x1200;
	[sflag:s30] =	ssyncadd.s32 $0xFFFFC000  }
0x383: {  	[tilespmem:s2], [sflag:$0x1] =	stream.indirect.gather [hbm4b:s22+s5], $0x80, s20, s5, $0x2000b8;
	[tilespmem:$0x1F080] =	vst v63  }
0x384: {  	_ =	swait.ge [sflag:s31], $0x4000  }
0x385: {  	[sflag:s31] =	ssyncset.done $0x0  }
0x386: {  	s6 =	simm.s32 $0x980;
	[sflag:s31] =	ssyncadd.s32 $0xFFFFC000  }
0x387: {  	[spmem:s23] =	stream.indirect.scatter.add.f32 [tilespmem:s29], [sflag:$0x6], $0x80, s6, s5, $0x2000b8;
	[tilespmem:$0x1F080] =	vst v63  }
0x388: {  	_ =	swait.ge [sflag:s21], $0x4000  }
0x389: {  	[sflag:s21] =	ssyncset.done $0x0  }
0x38a: {  	s19 =	simm.s32 $0x1280;
	[sflag:s21] =	ssyncadd.s32 $0xFFFFC000  }
0x38b: {  	[tilespmem:s29], [sflag:$0x2] =	stream.indirect.gather [hbm4b:s22+s5], $0x80, s19, s5, $0x2000b8;
	[tilespmem:$0x1F080] =	vst v63  }
0x38c: {  	_ =	swait.ge [sflag:s16], $0x4000  }
0x38d: {  	[sflag:s16] =	ssyncset.done $0x0  }
0x38e: {  	s9 =	simm.s32 $0xA00;
	[sflag:s16] =	ssyncadd.s32 $0xFFFFC000  }
0x38f: {  	[spmem:s23] =	stream.indirect.scatter.add.f32 [tilespmem:s2], [sflag:$0x5], $0x80, s9, s5, $0x2000b8;
	[tilespmem:$0x1F080] =	vst v63  }
0x390: {  	_ =	swait.ge [sflag:s30], $0x4000  }
0x391: {  	[sflag:s30] =	ssyncset.done $0x0  }
0x392: {  	s18 =	simm.s32 $0x1300;
	[sflag:s30] =	ssyncadd.s32 $0xFFFFC000  }
0x393: {  	[tilespmem:s2], [sflag:$0x1] =	stream.indirect.gather [hbm4b:s22+s5], $0x80, s18, s5, $0x2000b8;
	[tilespmem:$0x1F080] =	vst v63  }
0x394: {  	_ =	swait.ge [sflag:s31], $0x4000  }
0x395: {  	[sflag:s31] =	ssyncset.done $0x0  }
0x396: {  	s13 =	simm.s32 $0xA80;
	[sflag:s31] =	ssyncadd.s32 $0xFFFFC000  }
0x397: {  	[spmem:s23] =	stream.indirect.scatter.add.f32 [tilespmem:s29], [sflag:$0x6], $0x80, s13, s5, $0x2000b8;
	[tilespmem:$0x1F080] =	vst v63  }
0x398: {  	_ =	swait.ge [sflag:s21], $0x4000  }
0x399: {  	[sflag:s21] =	ssyncset.done $0x0  }
0x39a: {  	s17 =	simm.s32 $0x1380;
	[sflag:s21] =	ssyncadd.s32 $0xFFFFC000  }
0x39b: {  	[tilespmem:s29], [sflag:$0x2] =	stream.indirect.gather [hbm4b:s22+s5], $0x80, s17, s5, $0x2000b8;
	[tilespmem:$0x1F080] =	vst v63  }
0x39c: {  	_ =	swait.ge [sflag:s16], $0x4000  }
0x39d: {  	[sflag:s16] =	ssyncset.done $0x0  }
0x39e: {  	s18 =	simm.s32 $0xB00;
	[sflag:s16] =	ssyncadd.s32 $0xFFFFC000  }
0x39f: {  	[spmem:s23] =	stream.indirect.scatter.add.f32 [tilespmem:s2], [sflag:$0x5], $0x80, s18, s5, $0x2000b8;
	[tilespmem:$0x1F080] =	vst v63  }
0x3a0: {  	_ =	swait.ge [sflag:s30], $0x4000  }
0x3a1: {  	[sflag:s30] =	ssyncset.done $0x0  }
0x3a2: {  	s15 =	simm.s32 $0x1400;
	[sflag:s30] =	ssyncadd.s32 $0xFFFFC000  }
0x3a3: {  	[tilespmem:s2], [sflag:$0x1] =	stream.indirect.gather [hbm4b:s22+s5], $0x80, s15, s5, $0x2000b8;
	[tilespmem:$0x1F080] =	vst v63  }
0x3a4: {  	_ =	swait.ge [sflag:s31], $0x4000  }
0x3a5: {  	[sflag:s31] =	ssyncset.done $0x0  }
0x3a6: {  	s19 =	simm.s32 $0xB80;
	[sflag:s31] =	ssyncadd.s32 $0xFFFFC000  }
0x3a7: {  	[spmem:s23] =	stream.indirect.scatter.add.f32 [tilespmem:s29], [sflag:$0x6], $0x80, s19, s5, $0x2000b8;
	[tilespmem:$0x1F080] =	vst v63  }
0x3a8: {  	_ =	swait.ge [sflag:s21], $0x4000  }
0x3a9: {  	[sflag:s21] =	ssyncset.done $0x0  }
0x3aa: {  	s14 =	simm.s32 $0x1480;
	[sflag:s21] =	ssyncadd.s32 $0xFFFFC000  }
0x3ab: {  	[tilespmem:s29], [sflag:$0x2] =	stream.indirect.gather [hbm4b:s22+s5], $0x80, s14, s5, $0x2000b8;
	[tilespmem:$0x1F080] =	vst v63  }
0x3ac: {  	_ =	swait.ge [sflag:s16], $0x4000  }
0x3ad: {  	[sflag:s16] =	ssyncset.done $0x0  }
0x3ae: {  	s20 =	simm.s32 $0xC00;
	[sflag:s16] =	ssyncadd.s32 $0xFFFFC000  }
0x3af: {  	[spmem:s23] =	stream.indirect.scatter.add.f32 [tilespmem:s2], [sflag:$0x5], $0x80, s20, s5, $0x2000b8;
	[tilespmem:$0x1F080] =	vst v63  }
0x3b0: {  	_ =	swait.ge [sflag:s30], $0x4000  }
0x3b1: {  	[sflag:s30] =	ssyncset.done $0x0  }
0x3b2: {  	s12 =	simm.s32 $0x1500;
	[sflag:s30] =	ssyncadd.s32 $0xFFFFC000  }
0x3b3: {  	[tilespmem:s2], [sflag:$0x1] =	stream.indirect.gather [hbm4b:s22+s5], $0x80, s12, s5, $0x2000b8;
	[tilespmem:$0x1F080] =	vst v63  }
0x3b4: {  	_ =	swait.ge [sflag:s31], $0x4000  }
0x3b5: {  	[sflag:s31] =	ssyncset.done $0x0  }
0x3b6: {  	s24 =	simm.s32 $0xC80;
	[sflag:s31] =	ssyncadd.s32 $0xFFFFC000  }
0x3b7: {  	[spmem:s23] =	stream.indirect.scatter.add.f32 [tilespmem:s29], [sflag:$0x6], $0x80, s24, s5, $0x2000b8;
	[tilespmem:$0x1F080] =	vst v63  }
0x3b8: {  	_ =	swait.ge [sflag:s21], $0x4000  }
0x3b9: {  	[sflag:s21] =	ssyncset.done $0x0  }
0x3ba: {  	s10 =	simm.s32 $0x1580;
	[sflag:s21] =	ssyncadd.s32 $0xFFFFC000  }
0x3bb: {  	[tilespmem:s29], [sflag:$0x2] =	stream.indirect.gather [hbm4b:s22+s5], $0x80, s10, s5, $0x2000b8;
	[tilespmem:$0x1F080] =	vst v63  }
0x3bc: {  	_ =	swait.ge [sflag:s16], $0x4000  }
0x3bd: {  	[sflag:s16] =	ssyncset.done $0x0  }
0x3be: {  	s28 =	simm.s32 $0xD00;
	[sflag:s16] =	ssyncadd.s32 $0xFFFFC000  }
0x3bf: {  	[spmem:s23] =	stream.indirect.scatter.add.f32 [tilespmem:s2], [sflag:$0x5], $0x80, s28, s5, $0x2000b8;
	[tilespmem:$0x1F080] =	vst v63  }
0x3c0: {  	_ =	swait.ge [sflag:s30], $0x4000  }
0x3c1: {  	[sflag:s30] =	ssyncset.done $0x0  }
0x3c2: {  	s8 =	simm.s32 $0x1600;
	[sflag:s30] =	ssyncadd.s32 $0xFFFFC000  }
0x3c3: {  	[tilespmem:s2], [sflag:$0x1] =	stream.indirect.gather [hbm4b:s22+s5], $0x80, s8, s5, $0x2000b8;
	[tilespmem:$0x1F080] =	vst v63  }
0x3c4: {  	_ =	swait.ge [sflag:s31], $0x4000  }
0x3c5: {  	[sflag:s31] =	ssyncset.done $0x0  }
0x3c6: {  	s4 =	simm.s32 $0xD80;
	[sflag:s31] =	ssyncadd.s32 $0xFFFFC000  }
0x3c7: {  	[spmem:s23] =	stream.indirect.scatter.add.f32 [tilespmem:s29], [sflag:$0x6], $0x80, s4, s5, $0x2000b8;
	[tilespmem:$0x1F080] =	vst v63  }
0x3c8: {  	_ =	swait.ge [sflag:s21], $0x4000  }
0x3c9: {  	[sflag:s21] =	ssyncset.done $0x0  }
0x3ca: {  	s7 =	simm.s32 $0x1680;
	[sflag:s21] =	ssyncadd.s32 $0xFFFFC000  }
0x3cb: {  	[tilespmem:s29], [sflag:$0x2] =	stream.indirect.gather [hbm4b:s22+s5], $0x80, s7, s5, $0x2000b8;
	[tilespmem:$0x1F080] =	vst v63  }
0x3cc: {  	_ =	swait.ge [sflag:s16], $0x4000  }
0x3cd: {  	[sflag:s16] =	ssyncset.done $0x0  }
0x3ce: {  	s6 =	simm.s32 $0xE00;
	[sflag:s16] =	ssyncadd.s32 $0xFFFFC000  }
0x3cf: {  	[spmem:s23] =	stream.indirect.scatter.add.f32 [tilespmem:s2], [sflag:$0x5], $0x80, s6, s5, $0x2000b8;
	[tilespmem:$0x1F080] =	vst v63  }
0x3d0: {  	_ =	swait.ge [sflag:s30], $0x4000  }
0x3d1: {  	[sflag:s30] =	ssyncset.done $0x0  }
0x3d2: {  	s1 =	simm.s32 $0x1700;
	[sflag:s30] =	ssyncadd.s32 $0xFFFFC000  }
0x3d3: {  	[tilespmem:s2], [sflag:$0x1] =	stream.indirect.gather [hbm4b:s22+s5], $0x80, s1, s5, $0x2000b8;
	[tilespmem:$0x1F080] =	vst v63  }
0x3d4: {  	_ =	swait.ge [sflag:s31], $0x4000  }
0x3d5: {  	[sflag:s31] =	ssyncset.done $0x0  }
0x3d6: {  	s7 =	simm.s32 $0xE80;
	[sflag:s31] =	ssyncadd.s32 $0xFFFFC000  }
0x3d7: {  	[spmem:s23] =	stream.indirect.scatter.add.f32 [tilespmem:s29], [sflag:$0x6], $0x80, s7, s5, $0x2000b8;
	[tilespmem:$0x1F080] =	vst v63  }
0x3d8: {  	_ =	swait.ge [sflag:s21], $0x4000  }
0x3d9: {  	[sflag:s21] =	ssyncset.done $0x0  }
0x3da: {  	s11 =	simm.s32 $0x1780;
	[sflag:s21] =	ssyncadd.s32 $0xFFFFC000  }
0x3db: {  	[tilespmem:s29], [sflag:$0x2] =	stream.indirect.gather [hbm4b:s22+s5], $0x80, s11, s5, $0x2000b8;
	[tilespmem:$0x1F080] =	vst v63  }
0x3dc: {  	_ =	swait.ge [sflag:s16], $0x4000  }
0x3dd: {  	[sflag:s16] =	ssyncset.done $0x0  }
0x3de: {  	s8 =	simm.s32 $0xF00;
	[sflag:s16] =	ssyncadd.s32 $0xFFFFC000  }
0x3df: {  	[spmem:s23] =	stream.indirect.scatter.add.f32 [tilespmem:s2], [sflag:$0x5], $0x80, s8, s5, $0x2000b8;
	[tilespmem:$0x1F080] =	vst v63  }
0x3e0: {  	_ =	swait.ge [sflag:s31], $0x4000  }
0x3e1: {  	[sflag:s31] =	ssyncset.done $0x0  }
0x3e2: {  	s9 =	simm.s32 $0xF80;
	[sflag:s31] =	ssyncadd.s32 $0xFFFFC000  }
0x3e3: {  	[spmem:s23] =	stream.indirect.scatter.add.f32 [tilespmem:s29], [sflag:$0x6], $0x80, s9, s5, $0x2000b8;
	[tilespmem:$0x1F080] =	vst v63  }
0x3e4: {  	_ =	swait.ge [sflag:s30], $0x4000  }
0x3e5: {  	[sflag:s30] =	ssyncset.done $0x0  }
0x3e6: {  	[sflag:s30] =	ssyncadd.s32 $0xFFFFC000  }
0x3e7: {  	_ =	swait.ge [sflag:s21], $0x4000  }
0x3e8: {  	[sflag:s21] =	ssyncset.done $0x0  }
0x3e9: {  	[sflag:s21] =	ssyncadd.s32 $0xFFFFC000  }
0x3ea: {  	_ =	strace $0x90000052  }
0x3eb: {  	_ =	strace $0x80000053  }
0x3ec: {  	[bflag:$0x0] =	sbarrier.arrive $0xFFFF  }
0x3ed: {  	s10 =	rddreg [dreg:$0x1a]  }
0x3ee: {  	[tilespmem:s2], [sflag:$0x7] =	stream.linear.gather [spmem:s10], $0x4000, $0x200038;
	[tilespmem:$0x1F080] =	vst v63  }
0x3ef: {  	_ =	swait.ge [sflag:s3], $0x4000  }
0x3f0: {  	[sflag:s3] =	ssyncset.done $0x0  }
0x3f1: {  	s11 =	rddreg [dreg:$0x15];
	[sflag:s3] =	ssyncadd.s32 $0xFFFFC000  }
0x3f2: {  	[hbm4b:s11+s25] =	stream.linear.scatter [tilespmem:s2], [sflag:$0x7], $0x4000, $0x200038;
	[tilespmem:$0x1F080] =	vst v63  }
0x3f3: {  	_ =	swait.ge [sflag:s3], $0x4000  }
0x3f4: {  	[sflag:s3] =	ssyncset.done $0x0  }
0x3f5: {  	s12 =	rddreg [dreg:$0x1b];
	[sflag:s3] =	ssyncadd.s32 $0xFFFFC000  }
0x3f6: {  	[tilespmem:s2], [sflag:$0x7] =	stream.linear.gather [spmem:s12], $0x4000, $0x200038;
	[tilespmem:$0x1F080] =	vst v63  }
0x3f7: {  	_ =	swait.ge [sflag:s3], $0x4000  }
0x3f8: {  	[sflag:s3] =	ssyncset.done $0x0  }
0x3f9: {  	s13 =	rddreg [dreg:$0x16];
	[sflag:s3] =	ssyncadd.s32 $0xFFFFC000  }
0x3fa: {  	[hbm4b:s13+s25] =	stream.linear.scatter [tilespmem:s2], [sflag:$0x7], $0x4000, $0x200038;
	[tilespmem:$0x1F080] =	vst v63  }
0x3fb: {  	_ =	swait.ge [sflag:s3], $0x4000  }
0x3fc: {  	[sflag:s3] =	ssyncset.done $0x0  }
0x3fd: {  	s14 =	rddreg [dreg:$0x1c];
	[sflag:s3] =	ssyncadd.s32 $0xFFFFC000  }
0x3fe: {  	[tilespmem:s2], [sflag:$0x7] =	stream.linear.gather [spmem:s14], $0x4000, $0x200038;
	[tilespmem:$0x1F080] =	vst v63  }
0x3ff: {  	_ =	swait.ge [sflag:s3], $0x4000  }
0x400: {  	[sflag:s3] =	ssyncset.done $0x0  }
0x401: {  	s15 =	rddreg [dreg:$0x17];
	[sflag:s3] =	ssyncadd.s32 $0xFFFFC000  }
0x402: {  	[hbm4b:s15+s25] =	stream.linear.scatter [tilespmem:s2], [sflag:$0x7], $0x4000, $0x200038;
	[tilespmem:$0x1F080] =	vst v63  }
0x403: {  	_ =	swait.ge [sflag:s3], $0x4000  }
0x404: {  	[sflag:s3] =	ssyncset.done $0x0  }
0x405: {  	s17 =	rddreg [dreg:$0x1d];
	[sflag:s3] =	ssyncadd.s32 $0xFFFFC000  }
0x406: {  	[tilespmem:s2], [sflag:$0x7] =	stream.linear.gather [spmem:s17], $0x4000, $0x200038;
	[tilespmem:$0x1F080] =	vst v63  }
0x407: {  	_ =	swait.ge [sflag:s3], $0x4000  }
0x408: {  	[sflag:s3] =	ssyncset.done $0x0  }
0x409: {  	s18 =	rddreg [dreg:$0x18];
	[sflag:s3] =	ssyncadd.s32 $0xFFFFC000  }
0x40a: {  	[hbm4b:s18+s25] =	stream.linear.scatter [tilespmem:s2], [sflag:$0x7], $0x4000, $0x200038;
	[tilespmem:$0x1F080] =	vst v63  }
0x40b: {  	_ =	swait.ge [sflag:s3], $0x4000  }
0x40c: {  	[sflag:s3] =	ssyncset.done $0x0  }
0x40d: {  	s19 =	rddreg [dreg:$0x1e];
	[sflag:s3] =	ssyncadd.s32 $0xFFFFC000  }
0x40e: {  	[tilespmem:s2], [sflag:$0x7] =	stream.linear.gather [spmem:s19], $0x4000, $0x200038;
	[tilespmem:$0x1F080] =	vst v63  }
0x40f: {  	_ =	swait.ge [sflag:s3], $0x4000  }
0x410: {  	[sflag:s3] =	ssyncset.done $0x0  }
0x411: {  	s20 =	rddreg [dreg:$0x19];
	[sflag:s3] =	ssyncadd.s32 $0xFFFFC000  }
0x412: {  	[hbm4b:s20+s25] =	stream.linear.scatter [tilespmem:s2], [sflag:$0x7], $0x4000, $0x200038;
	[tilespmem:$0x1F080] =	vst v63  }
0x413: {  	_ =	swait.ge [sflag:s3], $0x4000  }
0x414: {  	s24 =	sld [smem:$0x7FD];
	_ =	sdelay $0x2  }
0x415: {  	s28 =	rddreg [dreg:$0x1f];
	s4 =	sadd.s32 $0x1, s24  }
0x416: {  	p1 =	sne.s32 s4, s28  }
.Ltmp1:
0x417: {  	_ = 	snop;
	(pc) =	sbr.rel @p1 .LBB2_1-.Ltmp1, $4  }
0x418: {  	_ = 	snop  }
0x419: {  	[sflag:s3] =	ssyncset.done $0x0  }
0x41a: {  	[sflag:s3] =	ssyncadd.s32 $0xFFFFC000  }
0x41b: {  	_ =	strace $0x90000053  }
0x41c: {  	_ =	sfence.sel $0x180000  }
0x41d: {  	[bflag:$0x0] =	sbarrier.arrive $0xFFFF  }
0x41e: {  	_ =	strace $0x90000047  }
0x41f: {  	s0 =	stileid.u32;
	[bflag:$0x2] =	sbarrier.arrive $0xFFFF  }
0x420: {  	p0 =	sne.s32 s0, $0x0;
	s0 =	rddreg [dreg:$0x4]  }
0x421: {  	s0 =	sadd.s32 @!p0 $0x100000, s0  }
0x422: {  	[sflag:s0] =	ssyncadd.tile.s32 @!p0 $0x1;
	_ =	shalt  }
.Lfunc_end2:
_tile_overlayer_lowered:
.L_overlay_start_2:
0x423: {  	(tag) =	ssettag $0x2  }
0x424: {  	s0 =	rddreg [dreg:$0x0];
	s2 =	stileid.u32  }
0x425: {  	s1 =	rddreg [dreg:$0x1];
	p0 =	sne.s32 s2, $0x0  }
0x426: {  	s3 =	rddreg [dreg:$0x2];
	[bflag:$0x3] =	sbarrier.arrive $0xFFFF;
	s2 =	simm.s32 @!p0 $0x1C07  }
0x427: {  	[timem:s3], [sflag:s2] =	dma.local @!p0 [hbm:s0], s1  }
0x428: {  	s0 =	simm.s32 @!p0 $0x7  }
0x429: {  	_ =	swait.ge @!p0 [sflag:s0], s1  }
0x42a: {  	s1 =	ssub.s32 @!p0 $0x0, s1;
	[sflag:s0] =	ssyncset.done @!p0 $0x0  }
0x42b: {  	[sflag:s0] =	ssyncadd.s32 @!p0 s1  }
0x42c: {  	[bflag:$0x3] =	sbarrier.arrive $0xFFFF  }
0x42d: {  	_ =	shalt  }

</sc_bundles>
